<compile_context>
chip_gen: v7x
topology: tpu7x:2x2x1
jax: 0.10.2.dev20260603
libtpu: 0.0.44.dev20260713+nightly
codegen_flags: <defaults>
</compile_context>

<pallas_src>
import functools

import jax
import jax.numpy as jnp
from jax import lax
from jax.experimental import pallas as pl
from jax.experimental.pallas import tpu as pltpu
from jax.experimental.pallas import tpu_sc as plsc

B = 128
C = 100000
D = 128

BC = 2048
NB = (C + BC - 1) // BC

NCORE = 2
NSUB = 16
NW = NCORE * NSUB
DPW = D // NW


def _stats_body(x_ref, m_ref, s_ref, a_ref):
    bid = pl.program_id(0)

    @pl.when(bid == 0)
    def _init():
        m_ref[...] = jnp.full((B, 1), -jnp.inf, jnp.float32)
        s_ref[...] = jnp.zeros((B, 1), jnp.float32)
        a_ref[...] = jnp.zeros((B, 1), jnp.int32)

    x = x_ref[...]
    gcol = bid * BC + lax.broadcasted_iota(jnp.int32, (1, BC), 1)
    xm = jnp.where(gcol < C, x, -jnp.inf)

    m_old = m_ref[...]
    bm = jnp.max(xm, axis=1, keepdims=True)
    m_new = jnp.maximum(m_old, bm)
    e = jnp.exp(xm - m_new)
    s_ref[...] = s_ref[...] * jnp.exp(m_old - m_new) + jnp.sum(
        e, axis=1, keepdims=True)
    m_ref[...] = m_new

    cand = jnp.min(jnp.where(xm == bm, gcol, jnp.int32(2**30)),
                   axis=1, keepdims=True)
    a_ref[...] = jnp.where(bm > m_old, cand, a_ref[...])


_stats = pl.pallas_call(
    _stats_body,
    grid=(NB,),
    in_specs=[pl.BlockSpec((B, BC), lambda i: (0, i))],
    out_specs=[
        pl.BlockSpec((B, 1), lambda i: (0, 0)),
        pl.BlockSpec((B, 1), lambda i: (0, 0)),
        pl.BlockSpec((B, 1), lambda i: (0, 0)),
    ],
    out_shape=[
        jax.ShapeDtypeStruct((B, 1), jnp.float32),
        jax.ShapeDtypeStruct((B, 1), jnp.float32),
        jax.ShapeDtypeStruct((B, 1), jnp.int32),
    ],
    compiler_params=pltpu.CompilerParams(
        dimension_semantics=("arbitrary",)),
)


def _margin_body(wf_hbm, ypf_hbm, pred_hbm, ytr_hbm, mp_hbm, t_hbm,
                 predv, ytrv, idxv, wiv, wjv, accv, bufv, tv, shared, sem):
    c = lax.axis_index("c")
    s = lax.axis_index("s")
    g = c * NSUB + s

    pltpu.sync_copy(pred_hbm, predv)
    pltpu.sync_copy(ytr_hbm, ytrv)

    @pl.when(g == 0)
    def _tgt():
        for k in range(B // 16):
            idxv[pl.ds(16 * k, 16)] = (
                (lax.iota(jnp.int32, 16) + (16 * k)) * C
                + ytrv[pl.ds(16 * k, 16)])
        pltpu.async_copy(ypf_hbm.at[idxv], tv, sem).wait()
        pltpu.sync_copy(tv, t_hbm)

    for k in range(B // 16):
        accv[pl.ds(16 * k, 16)] = jnp.zeros((16,), jnp.float32)

    for dd in range(DPW):
        off = (g * DPW + dd) * C
        for k in range(B // 16):
            idxv[pl.ds(16 * k, 16)] = predv[pl.ds(16 * k, 16)] + off
        pltpu.async_copy(wf_hbm.at[idxv], wiv, sem).wait()
        for k in range(B // 16):
            idxv[pl.ds(16 * k, 16)] = ytrv[pl.ds(16 * k, 16)] + off
        pltpu.async_copy(wf_hbm.at[idxv], wjv, sem).wait()
        for k in range(B // 16):
            sl = pl.ds(16 * k, 16)
            accv[sl] = accv[sl] + wiv[sl] * wjv[sl]

    pltpu.sync_copy(accv, shared.at[s])
    plsc.subcore_barrier()

    @pl.when(s == 0)
    def _reduce():
        pltpu.sync_copy(shared, bufv)
        for k in range(B // 16):
            sl = pl.ds(16 * k, 16)
            acc = bufv[0, sl]
            for j in range(1, NSUB):
                acc = acc + bufv[j, sl]
            accv[sl] = acc
        pltpu.sync_copy(accv, mp_hbm.at[c])


@functools.cache
def _margin_kernel():
    return pl.kernel(
        _margin_body,
        out_type=[
            jax.ShapeDtypeStruct((NCORE, B), jnp.float32),
            jax.ShapeDtypeStruct((B,), jnp.float32),
        ],
        mesh=plsc.VectorSubcoreMesh(
            core_axis_name="c", subcore_axis_name="s",
            num_cores=NCORE, num_subcores=NSUB),
        scratch_types=[
            pltpu.VMEM((B,), jnp.int32),
            pltpu.VMEM((B,), jnp.int32),
            pltpu.VMEM((B,), jnp.int32),
            pltpu.VMEM((B,), jnp.float32),
            pltpu.VMEM((B,), jnp.float32),
            pltpu.VMEM((B,), jnp.float32),
            pltpu.VMEM((NSUB, B), jnp.float32),
            pltpu.VMEM((B,), jnp.float32),
            pltpu.VMEM_SHARED((NSUB, B), jnp.float32),
            pltpu.SemaphoreType.DMA,
        ],
    )


def _loss_body(m_ref, s_ref, t_ref, mp_ref, o_ref):
    m = m_ref[...]
    sm = s_ref[...]
    t = t_ref[...]
    margin = mp_ref[0:1, :] + mp_ref[1:2, :]
    zz = sm - jnp.exp(t - m) + jnp.exp(t - margin - m)
    logz = m + jnp.log(zz)
    o_ref[...] = jnp.sum(logz - t + margin, axis=1, keepdims=True) * (1.0 / B)


_loss = pl.pallas_call(
    _loss_body,
    out_shape=jax.ShapeDtypeStruct((1, 1), jnp.float32),
)


@jax.jit
def kernel(y_pred, y_true, W):
    y_true = y_true.astype(jnp.int32)
    m, s, a = _stats(y_pred)
    mp, t = _margin_kernel()(W.reshape(D * C), y_pred.reshape(B * C),
                             a.reshape(B), y_true)
    loss = _loss(m.reshape(1, B), s.reshape(1, B), t.reshape(1, B), mp)
    return loss.reshape(())

# --- scband reference (transcript-rebuilt; emitter-appended) ---
"""Pipeline reference for scband-hierarical-celoss-82489141887108 (READ-ONLY COPY).

The authoritative reference and input builder live on the scoring server;
editing this copy changes nothing except your own understanding.
"""

import jax, jax.numpy as jnp
import numpy as np

B = 128
C = 100000
D = 128

def setup_inputs(seed: int = 0) -> dict:
    key = jax.random.key(seed)
    k1, k2, k3 = jax.random.split(key, 3)
    y_pred = jax.random.normal(k1, (B, C), dtype=jnp.float32)
    y_true = jax.random.randint(k2, (B,), 0, C, dtype=jnp.int64)
    # fix_layer: net.classifier_3.weight, indexed as W[:, class] -> shape [D, C]
    W = jax.random.normal(k3, (D, C), dtype=jnp.float32) * 0.02
    return {"y_pred": y_pred, "y_true": y_true, "W": W}

def reference(y_pred, y_true, W):
    idx = jnp.arange(y_pred.shape[0])
    # target logit for each sample
    target_logit = y_pred[idx, y_true]
    # softmax scores and argmax prediction (conf unused downstream except max)
    score = jax.nn.softmax(y_pred, axis=1)
    pred = jnp.argmax(score, axis=1)
    # gather classifier columns for predicted and true classes
    batch_wi = W[:, pred]          # [D, B]
    batch_wj = W[:, y_true]        # [D, B]
    wiwj = jnp.sum(batch_wi * batch_wj, axis=0)  # [B]
    margin = wiwj
    s = 1.0
    final_target_logit = target_logit - margin
    logits = y_pred.at[idx, y_true].set(final_target_logit)
    logits = logits * s
    # F.cross_entropy with mean reduction
    logZ = jax.scipy.special.logsumexp(logits, axis=1)
    tgt = logits[idx, y_true]
    loss = jnp.mean(logZ - tgt)
    return loss

if __name__ == "__main__":
    import jax
    _d = setup_inputs()
    print(jax.jit(kernel)(*tuple(_d.values())))

</pallas_src>

<mosaic_0001>
#map = affine_map<(d0, d1) -> (0)>
#map1 = affine_map<(d0, d1) -> (0, 0)>
module attributes {stable_mosaic.version = 14 : i64} {
  func.func @_margin_body(%arg0: i32, %arg1: i32, %arg2: memref<12800000xf32, #tpu.memory_space<hbm>>, %arg3: memref<12800000xf32, #tpu.memory_space<hbm>>, %arg4: memref<128xi32, #tpu.memory_space<hbm>>, %arg5: memref<128xi32, #tpu.memory_space<hbm>>, %arg6: memref<2x128xf32, #tpu.memory_space<hbm>>, %arg7: memref<128xf32, #tpu.memory_space<hbm>>, %arg8: memref<128xi32, #tpu.memory_space<vmem>>, %arg9: memref<128xi32, #tpu.memory_space<vmem>>, %arg10: memref<128xi32, #tpu.memory_space<vmem>>, %arg11: memref<128xf32, #tpu.memory_space<vmem>>, %arg12: memref<128xf32, #tpu.memory_space<vmem>>, %arg13: memref<128xf32, #tpu.memory_space<vmem>>, %arg14: memref<16x128xf32, #tpu.memory_space<vmem>>, %arg15: memref<128xf32, #tpu.memory_space<vmem>>, %arg16: memref<16x128xf32, #tpu.memory_space<vmem_shared>>, %arg17: memref<!tpu.dma_semaphore, #tpu.memory_space<semaphore_mem>>) attributes {dimension_semantics = [#tpu.dimension_semantics<core_parallel>, #tpu.dimension_semantics<subcore_parallel>], iteration_bounds = array<i64: 2, 16>, scalar_prefetch = 0 : i64, scratch_operands = 10 : i64, tpu.core_type = #tpu.core_type<sc_vector_subcore>, window_params = [{transform_indices = #map}, {transform_indices = #map}, {transform_indices = #map}, {transform_indices = #map}, {transform_indices = #map1}, {transform_indices = #map}]} {
    %mul3A = arith.constant 16 : i32
    %mul3A_0 = arith.muli %arg0, %mul3A : i32
    %add3A = arith.addi %mul3A_0, %arg1 : i32
    "tpu.region"() ({
      %run_scoped3A = tpu.sem_alloc : memref<!tpu.dma_semaphore, #tpu.memory_space<semaphore_mem>>
      tpu.enqueue_dma source(%arg4 : memref<128xi32, #tpu.memory_space<hbm>>) target(%arg8 : memref<128xi32, #tpu.memory_space<vmem>>) target_semaphore(%run_scoped3A : memref<!tpu.dma_semaphore, #tpu.memory_space<semaphore_mem>>)
      tpu.wait_dma2 semaphore(%run_scoped3A : memref<!tpu.dma_semaphore, #tpu.memory_space<semaphore_mem>>) src(%arg4 : memref<128xi32, #tpu.memory_space<hbm>>) dst(%arg8 : memref<128xi32, #tpu.memory_space<vmem>>)
      tpu.yield
    }) : () -> ()
    "tpu.region"() ({
      %run_scoped3A = tpu.sem_alloc : memref<!tpu.dma_semaphore, #tpu.memory_space<semaphore_mem>>
      tpu.enqueue_dma source(%arg5 : memref<128xi32, #tpu.memory_space<hbm>>) target(%arg9 : memref<128xi32, #tpu.memory_space<vmem>>) target_semaphore(%run_scoped3A : memref<!tpu.dma_semaphore, #tpu.memory_space<semaphore_mem>>)
      tpu.wait_dma2 semaphore(%run_scoped3A : memref<!tpu.dma_semaphore, #tpu.memory_space<semaphore_mem>>) src(%arg5 : memref<128xi32, #tpu.memory_space<hbm>>) dst(%arg9 : memref<128xi32, #tpu.memory_space<vmem>>)
      tpu.yield
    }) : () -> ()
    %eq3A = arith.constant 0 : i32
    %eq3A_1 = arith.cmpi eq, %add3A, %eq3A : i32
    %convert_element_type3A = arith.extui %eq3A_1 : i1 to i32
    %cond3A = arith.constant 0 : i32
    %cond3A_2 = arith.cmpi ne, %convert_element_type3A, %cond3A : i32
    scf.if %cond3A_2 {
      %iota3A = tpu.iota {dimensions = array<i32: 0>} : vector<16xi32>
      %add3A_1163 = arith.constant 0 : i32
      %add3A_1164 = vector.broadcast %add3A_1163 : i32 to vector<16xi32>
      %add3A_1165 = arith.addi %iota3A, %add3A_1164 : vector<16xi32>
      %mul3A_1166 = arith.constant 100000 : i32
      %mul3A_1167 = vector.broadcast %mul3A_1166 : i32 to vector<16xi32>
      %mul3A_1168 = arith.muli %add3A_1165, %mul3A_1167 : vector<16xi32>
      %get3A_1169 = arith.constant 0 : index
      %get3A_1170 = tpu.vector_load %arg9[%get3A_1169] {strides = array<i32>} : memref<128xi32, #tpu.memory_space<vmem>>, vector<16xi32>,
      %get3A_1171 = vector.shape_cast %get3A_1170 : vector<16xi32> to vector<16xi32>
      %add3A_1172 = arith.addi %mul3A_1168, %get3A_1171 : vector<16xi32>
      %swap3A_1173 = arith.constant 0 : index
      %swap3A_1174 = tpu.vector_load %arg10[%swap3A_1173] {strides = array<i32>} : memref<128xi32, #tpu.memory_space<vmem>>, vector<16xi32>,
      %swap3A_1175 = vector.shape_cast %swap3A_1174 : vector<16xi32> to vector<16xi32>
      %swap3A_1176 = vector.shape_cast %add3A_1172 : vector<16xi32> to vector<16xi32>
      tpu.vector_store %arg10[%swap3A_1173], %swap3A_1176 {strides = array<i32>} : memref<128xi32, #tpu.memory_space<vmem>>, vector<16xi32>,
      %iota3A_1177 = tpu.iota {dimensions = array<i32: 0>} : vector<16xi32>
      %add3A_1178 = arith.constant 16 : i32
      %add3A_1179 = vector.broadcast %add3A_1178 : i32 to vector<16xi32>
      %add3A_1180 = arith.addi %iota3A_1177, %add3A_1179 : vector<16xi32>
      %mul3A_1181 = arith.constant 100000 : i32
      %mul3A_1182 = vector.broadcast %mul3A_1181 : i32 to vector<16xi32>
      %mul3A_1183 = arith.muli %add3A_1180, %mul3A_1182 : vector<16xi32>
      %get3A_1184 = arith.constant 16 : index
      %get3A_1185 = tpu.vector_load %arg9[%get3A_1184] {strides = array<i32>} : memref<128xi32, #tpu.memory_space<vmem>>, vector<16xi32>,
      %get3A_1186 = vector.shape_cast %get3A_1185 : vector<16xi32> to vector<16xi32>
      %add3A_1187 = arith.addi %mul3A_1183, %get3A_1186 : vector<16xi32>
      %swap3A_1188 = arith.constant 16 : index
      %swap3A_1189 = tpu.vector_load %arg10[%swap3A_1188] {strides = array<i32>} : memref<128xi32, #tpu.memory_space<vmem>>, vector<16xi32>,
      %swap3A_1190 = vector.shape_cast %swap3A_1189 : vector<16xi32> to vector<16xi32>
      %swap3A_1191 = vector.shape_cast %add3A_1187 : vector<16xi32> to vector<16xi32>
      tpu.vector_store %arg10[%swap3A_1188], %swap3A_1191 {strides = array<i32>} : memref<128xi32, #tpu.memory_space<vmem>>, vector<16xi32>,
      %iota3A_1192 = tpu.iota {dimensions = array<i32: 0>} : vector<16xi32>
      %add3A_1193 = arith.constant 32 : i32
      %add3A_1194 = vector.broadcast %add3A_1193 : i32 to vector<16xi32>
      %add3A_1195 = arith.addi %iota3A_1192, %add3A_1194 : vector<16xi32>
      %mul3A_1196 = arith.constant 100000 : i32
      %mul3A_1197 = vector.broadcast %mul3A_1196 : i32 to vector<16xi32>
      %mul3A_1198 = arith.muli %add3A_1195, %mul3A_1197 : vector<16xi32>
      %get3A_1199 = arith.constant 32 : index
      %get3A_1200 = tpu.vector_load %arg9[%get3A_1199] {strides = array<i32>} : memref<128xi32, #tpu.memory_space<vmem>>, vector<16xi32>,
      %get3A_1201 = vector.shape_cast %get3A_1200 : vector<16xi32> to vector<16xi32>
      %add3A_1202 = arith.addi %mul3A_1198, %get3A_1201 : vector<16xi32>
      %swap3A_1203 = arith.constant 32 : index
      %swap3A_1204 = tpu.vector_load %arg10[%swap3A_1203] {strides = array<i32>} : memref<128xi32, #tpu.memory_space<vmem>>, vector<16xi32>,
      %swap3A_1205 = vector.shape_cast %swap3A_1204 : vector<16xi32> to vector<16xi32>
      %swap3A_1206 = vector.shape_cast %add3A_1202 : vector<16xi32> to vector<16xi32>
      tpu.vector_store %arg10[%swap3A_1203], %swap3A_1206 {strides = array<i32>} : memref<128xi32, #tpu.memory_space<vmem>>, vector<16xi32>,
      %iota3A_1207 = tpu.iota {dimensions = array<i32: 0>} : vector<16xi32>
      %add3A_1208 = arith.constant 48 : i32
      %add3A_1209 = vector.broadcast %add3A_1208 : i32 to vector<16xi32>
      %add3A_1210 = arith.addi %iota3A_1207, %add3A_1209 : vector<16xi32>
      %mul3A_1211 = arith.constant 100000 : i32
      %mul3A_1212 = vector.broadcast %mul3A_1211 : i32 to vector<16xi32>
      %mul3A_1213 = arith.muli %add3A_1210, %mul3A_1212 : vector<16xi32>
      %get3A_1214 = arith.constant 48 : index
      %get3A_1215 = tpu.vector_load %arg9[%get3A_1214] {strides = array<i32>} : memref<128xi32, #tpu.memory_space<vmem>>, vector<16xi32>,
      %get3A_1216 = vector.shape_cast %get3A_1215 : vector<16xi32> to vector<16xi32>
      %add3A_1217 = arith.addi %mul3A_1213, %get3A_1216 : vector<16xi32>
      %swap3A_1218 = arith.constant 48 : index
      %swap3A_1219 = tpu.vector_load %arg10[%swap3A_1218] {strides = array<i32>} : memref<128xi32, #tpu.memory_space<vmem>>, vector<16xi32>,
      %swap3A_1220 = vector.shape_cast %swap3A_1219 : vector<16xi32> to vector<16xi32>
      %swap3A_1221 = vector.shape_cast %add3A_1217 : vector<16xi32> to vector<16xi32>
      tpu.vector_store %arg10[%swap3A_1218], %swap3A_1221 {strides = array<i32>} : memref<128xi32, #tpu.memory_space<vmem>>, vector<16xi32>,
      %iota3A_1222 = tpu.iota {dimensions = array<i32: 0>} : vector<16xi32>
      %add3A_1223 = arith.constant 64 : i32
      %add3A_1224 = vector.broadcast %add3A_1223 : i32 to vector<16xi32>
      %add3A_1225 = arith.addi %iota3A_1222, %add3A_1224 : vector<16xi32>
      %mul3A_1226 = arith.constant 100000 : i32
      %mul3A_1227 = vector.broadcast %mul3A_1226 : i32 to vector<16xi32>
      %mul3A_1228 = arith.muli %add3A_1225, %mul3A_1227 : vector<16xi32>
      %get3A_1229 = arith.constant 64 : index
      %get3A_1230 = tpu.vector_load %arg9[%get3A_1229] {strides = array<i32>} : memref<128xi32, #tpu.memory_space<vmem>>, vector<16xi32>,
      %get3A_1231 = vector.shape_cast %get3A_1230 : vector<16xi32> to vector<16xi32>
      %add3A_1232 = arith.addi %mul3A_1228, %get3A_1231 : vector<16xi32>
      %swap3A_1233 = arith.constant 64 : index
      %swap3A_1234 = tpu.vector_load %arg10[%swap3A_1233] {strides = array<i32>} : memref<128xi32, #tpu.memory_space<vmem>>, vector<16xi32>,
      %swap3A_1235 = vector.shape_cast %swap3A_1234 : vector<16xi32> to vector<16xi32>
      %swap3A_1236 = vector.shape_cast %add3A_1232 : vector<16xi32> to vector<16xi32>
      tpu.vector_store %arg10[%swap3A_1233], %swap3A_1236 {strides = array<i32>} : memref<128xi32, #tpu.memory_space<vmem>>, vector<16xi32>,
      %iota3A_1237 = tpu.iota {dimensions = array<i32: 0>} : vector<16xi32>
      %add3A_1238 = arith.constant 80 : i32
      %add3A_1239 = vector.broadcast %add3A_1238 : i32 to vector<16xi32>
      %add3A_1240 = arith.addi %iota3A_1237, %add3A_1239 : vector<16xi32>
      %mul3A_1241 = arith.constant 100000 : i32
      %mul3A_1242 = vector.broadcast %mul3A_1241 : i32 to vector<16xi32>
      %mul3A_1243 = arith.muli %add3A_1240, %mul3A_1242 : vector<16xi32>
      %get3A_1244 = arith.constant 80 : index
      %get3A_1245 = tpu.vector_load %arg9[%get3A_1244] {strides = array<i32>} : memref<128xi32, #tpu.memory_space<vmem>>, vector<16xi32>,
      %get3A_1246 = vector.shape_cast %get3A_1245 : vector<16xi32> to vector<16xi32>
      %add3A_1247 = arith.addi %mul3A_1243, %get3A_1246 : vector<16xi32>
      %swap3A_1248 = arith.constant 80 : index
      %swap3A_1249 = tpu.vector_load %arg10[%swap3A_1248] {strides = array<i32>} : memref<128xi32, #tpu.memory_space<vmem>>, vector<16xi32>,
      %swap3A_1250 = vector.shape_cast %swap3A_1249 : vector<16xi32> to vector<16xi32>
      %swap3A_1251 = vector.shape_cast %add3A_1247 : vector<16xi32> to vector<16xi32>
      tpu.vector_store %arg10[%swap3A_1248], %swap3A_1251 {strides = array<i32>} : memref<128xi32, #tpu.memory_space<vmem>>, vector<16xi32>,
      %iota3A_1252 = tpu.iota {dimensions = array<i32: 0>} : vector<16xi32>
      %add3A_1253 = arith.constant 96 : i32
      %add3A_1254 = vector.broadcast %add3A_1253 : i32 to vector<16xi32>
      %add3A_1255 = arith.addi %iota3A_1252, %add3A_1254 : vector<16xi32>
      %mul3A_1256 = arith.constant 100000 : i32
      %mul3A_1257 = vector.broadcast %mul3A_1256 : i32 to vector<16xi32>
      %mul3A_1258 = arith.muli %add3A_1255, %mul3A_1257 : vector<16xi32>
      %get3A_1259 = arith.constant 96 : index
      %get3A_1260 = tpu.vector_load %arg9[%get3A_1259] {strides = array<i32>} : memref<128xi32, #tpu.memory_space<vmem>>, vector<16xi32>,
      %get3A_1261 = vector.shape_cast %get3A_1260 : vector<16xi32> to vector<16xi32>
      %add3A_1262 = arith.addi %mul3A_1258, %get3A_1261 : vector<16xi32>
      %swap3A_1263 = arith.constant 96 : index
      %swap3A_1264 = tpu.vector_load %arg10[%swap3A_1263] {strides = array<i32>} : memref<128xi32, #tpu.memory_space<vmem>>, vector<16xi32>,
      %swap3A_1265 = vector.shape_cast %swap3A_1264 : vector<16xi32> to vector<16xi32>
      %swap3A_1266 = vector.shape_cast %add3A_1262 : vector<16xi32> to vector<16xi32>
      tpu.vector_store %arg10[%swap3A_1263], %swap3A_1266 {strides = array<i32>} : memref<128xi32, #tpu.memory_space<vmem>>, vector<16xi32>,
      %iota3A_1267 = tpu.iota {dimensions = array<i32: 0>} : vector<16xi32>
      %add3A_1268 = arith.constant 112 : i32
      %add3A_1269 = vector.broadcast %add3A_1268 : i32 to vector<16xi32>
      %add3A_1270 = arith.addi %iota3A_1267, %add3A_1269 : vector<16xi32>
      %mul3A_1271 = arith.constant 100000 : i32
      %mul3A_1272 = vector.broadcast %mul3A_1271 : i32 to vector<16xi32>
      %mul3A_1273 = arith.muli %add3A_1270, %mul3A_1272 : vector<16xi32>
      %get3A_1274 = arith.constant 112 : index
      %get3A_1275 = tpu.vector_load %arg9[%get3A_1274] {strides = array<i32>} : memref<128xi32, #tpu.memory_space<vmem>>, vector<16xi32>,
      %get3A_1276 = vector.shape_cast %get3A_1275 : vector<16xi32> to vector<16xi32>
      %add3A_1277 = arith.addi %mul3A_1273, %get3A_1276 : vector<16xi32>
      %swap3A_1278 = arith.constant 112 : index
      %swap3A_1279 = tpu.vector_load %arg10[%swap3A_1278] {strides = array<i32>} : memref<128xi32, #tpu.memory_space<vmem>>, vector<16xi32>,
      %swap3A_1280 = vector.shape_cast %swap3A_1279 : vector<16xi32> to vector<16xi32>
      %swap3A_1281 = vector.shape_cast %add3A_1277 : vector<16xi32> to vector<16xi32>
      tpu.vector_store %arg10[%swap3A_1278], %swap3A_1281 {strides = array<i32>} : memref<128xi32, #tpu.memory_space<vmem>>, vector<16xi32>,
      %dma_start3A_1282 = arith.constant 0 : i32
      %dma_start3A_1283 = tpu.memref_slice %arg3[%dma_start3A_1282] : memref<12800000xf32, #tpu.memory_space<hbm>> -> memref<12800000xf32, #tpu.memory_space<hbm>>
      tpu.enqueue_indirect_dma source(%dma_start3A_1283 : memref<12800000xf32, #tpu.memory_space<hbm>>) target(%arg15 : memref<128xf32, #tpu.memory_space<vmem>>) offsets(%arg10 : memref<128xi32, #tpu.memory_space<vmem>>) semaphore(%arg17 : memref<!tpu.dma_semaphore, #tpu.memory_space<semaphore_mem>>)
      %dma_wait3A_1284 = arith.constant 0 : i32
      %dma_wait3A_1285 = tpu.memref_slice %arg3[%dma_wait3A_1284] : memref<12800000xf32, #tpu.memory_space<hbm>> -> memref<12800000xf32, #tpu.memory_space<hbm>>
      tpu.wait_indirect_dma semaphore(%arg17 : memref<!tpu.dma_semaphore, #tpu.memory_space<semaphore_mem>>) src(%dma_wait3A_1285 : memref<12800000xf32, #tpu.memory_space<hbm>>) dst(%arg15 : memref<128xf32, #tpu.memory_space<vmem>>)
      "tpu.region"() ({
        %run_scoped3A = tpu.sem_alloc : memref<!tpu.dma_semaphore, #tpu.memory_space<semaphore_mem>>
        tpu.enqueue_dma source(%arg15 : memref<128xf32, #tpu.memory_space<vmem>>) target(%arg7 : memref<128xf32, #tpu.memory_space<hbm>>) target_semaphore(%run_scoped3A : memref<!tpu.dma_semaphore, #tpu.memory_space<semaphore_mem>>)
        tpu.wait_dma2 semaphore(%run_scoped3A : memref<!tpu.dma_semaphore, #tpu.memory_space<semaphore_mem>>) src(%arg15 : memref<128xf32, #tpu.memory_space<vmem>>) dst(%arg7 : memref<128xf32, #tpu.memory_space<hbm>>)
        tpu.yield
      }) : () -> ()
    } else {
    }
    %broadcast_in_dim3A = arith.constant 0.000000e+00 : f32
    %broadcast_in_dim3A_3 = vector.broadcast %broadcast_in_dim3A : f32 to vector<16xf32>
    %swap3A = arith.constant 0 : index
    %swap3A_4 = tpu.vector_load %arg13[%swap3A] {strides = array<i32>} : memref<128xf32, #tpu.memory_space<vmem>>, vector<16xf32>,
    %swap3A_5 = vector.shape_cast %swap3A_4 : vector<16xf32> to vector<16xf32>
    %swap3A_6 = vector.shape_cast %broadcast_in_dim3A_3 : vector<16xf32> to vector<16xf32>
    tpu.vector_store %arg13[%swap3A], %swap3A_6 {strides = array<i32>} : memref<128xf32, #tpu.memory_space<vmem>>, vector<16xf32>,
    %broadcast_in_dim3A_7 = arith.constant 0.000000e+00 : f32
    %broadcast_in_dim3A_8 = vector.broadcast %broadcast_in_dim3A_7 : f32 to vector<16xf32>
    %swap3A_9 = arith.constant 16 : index
    %swap3A_10 = tpu.vector_load %arg13[%swap3A_9] {strides = array<i32>} : memref<128xf32, #tpu.memory_space<vmem>>, vector<16xf32>,
    %swap3A_11 = vector.shape_cast %swap3A_10 : vector<16xf32> to vector<16xf32>
    %swap3A_12 = vector.shape_cast %broadcast_in_dim3A_8 : vector<16xf32> to vector<16xf32>
    tpu.vector_store %arg13[%swap3A_9], %swap3A_12 {strides = array<i32>} : memref<128xf32, #tpu.memory_space<vmem>>, vector<16xf32>,
    %broadcast_in_dim3A_13 = arith.constant 0.000000e+00 : f32
    %broadcast_in_dim3A_14 = vector.broadcast %broadcast_in_dim3A_13 : f32 to vector<16xf32>
    %swap3A_15 = arith.constant 32 : index
    %swap3A_16 = tpu.vector_load %arg13[%swap3A_15] {strides = array<i32>} : memref<128xf32, #tpu.memory_space<vmem>>, vector<16xf32>,
    %swap3A_17 = vector.shape_cast %swap3A_16 : vector<16xf32> to vector<16xf32>
    %swap3A_18 = vector.shape_cast %broadcast_in_dim3A_14 : vector<16xf32> to vector<16xf32>
    tpu.vector_store %arg13[%swap3A_15], %swap3A_18 {strides = array<i32>} : memref<128xf32, #tpu.memory_space<vmem>>, vector<16xf32>,
    %broadcast_in_dim3A_19 = arith.constant 0.000000e+00 : f32
    %broadcast_in_dim3A_20 = vector.broadcast %broadcast_in_dim3A_19 : f32 to vector<16xf32>
    %swap3A_21 = arith.constant 48 : index
    %swap3A_22 = tpu.vector_load %arg13[%swap3A_21] {strides = array<i32>} : memref<128xf32, #tpu.memory_space<vmem>>, vector<16xf32>,
    %swap3A_23 = vector.shape_cast %swap3A_22 : vector<16xf32> to vector<16xf32>
    %swap3A_24 = vector.shape_cast %broadcast_in_dim3A_20 : vector<16xf32> to vector<16xf32>
    tpu.vector_store %arg13[%swap3A_21], %swap3A_24 {strides = array<i32>} : memref<128xf32, #tpu.memory_space<vmem>>, vector<16xf32>,
    %broadcast_in_dim3A_25 = arith.constant 0.000000e+00 : f32
    %broadcast_in_dim3A_26 = vector.broadcast %broadcast_in_dim3A_25 : f32 to vector<16xf32>
    %swap3A_27 = arith.constant 64 : index
    %swap3A_28 = tpu.vector_load %arg13[%swap3A_27] {strides = array<i32>} : memref<128xf32, #tpu.memory_space<vmem>>, vector<16xf32>,
    %swap3A_29 = vector.shape_cast %swap3A_28 : vector<16xf32> to vector<16xf32>
    %swap3A_30 = vector.shape_cast %broadcast_in_dim3A_26 : vector<16xf32> to vector<16xf32>
    tpu.vector_store %arg13[%swap3A_27], %swap3A_30 {strides = array<i32>} : memref<128xf32, #tpu.memory_space<vmem>>, vector<16xf32>,
    %broadcast_in_dim3A_31 = arith.constant 0.000000e+00 : f32
    %broadcast_in_dim3A_32 = vector.broadcast %broadcast_in_dim3A_31 : f32 to vector<16xf32>
    %swap3A_33 = arith.constant 80 : index
    %swap3A_34 = tpu.vector_load %arg13[%swap3A_33] {strides = array<i32>} : memref<128xf32, #tpu.memory_space<vmem>>, vector<16xf32>,
    %swap3A_35 = vector.shape_cast %swap3A_34 : vector<16xf32> to vector<16xf32>
    %swap3A_36 = vector.shape_cast %broadcast_in_dim3A_32 : vector<16xf32> to vector<16xf32>
    tpu.vector_store %arg13[%swap3A_33], %swap3A_36 {strides = array<i32>} : memref<128xf32, #tpu.memory_space<vmem>>, vector<16xf32>,
    %broadcast_in_dim3A_37 = arith.constant 0.000000e+00 : f32
    %broadcast_in_dim3A_38 = vector.broadcast %broadcast_in_dim3A_37 : f32 to vector<16xf32>
    %swap3A_39 = arith.constant 96 : index
    %swap3A_40 = tpu.vector_load %arg13[%swap3A_39] {strides = array<i32>} : memref<128xf32, #tpu.memory_space<vmem>>, vector<16xf32>,
    %swap3A_41 = vector.shape_cast %swap3A_40 : vector<16xf32> to vector<16xf32>
    %swap3A_42 = vector.shape_cast %broadcast_in_dim3A_38 : vector<16xf32> to vector<16xf32>
    tpu.vector_store %arg13[%swap3A_39], %swap3A_42 {strides = array<i32>} : memref<128xf32, #tpu.memory_space<vmem>>, vector<16xf32>,
    %broadcast_in_dim3A_43 = arith.constant 0.000000e+00 : f32
    %broadcast_in_dim3A_44 = vector.broadcast %broadcast_in_dim3A_43 : f32 to vector<16xf32>
    %swap3A_45 = arith.constant 112 : index
    %swap3A_46 = tpu.vector_load %arg13[%swap3A_45] {strides = array<i32>} : memref<128xf32, #tpu.memory_space<vmem>>, vector<16xf32>,
    %swap3A_47 = vector.shape_cast %swap3A_46 : vector<16xf32> to vector<16xf32>
    %swap3A_48 = vector.shape_cast %broadcast_in_dim3A_44 : vector<16xf32> to vector<16xf32>
    tpu.vector_store %arg13[%swap3A_45], %swap3A_48 {strides = array<i32>} : memref<128xf32, #tpu.memory_space<vmem>>, vector<16xf32>,
    %mul3A_49 = arith.constant 4 : i32
    %mul3A_50 = arith.muli %add3A, %mul3A_49 : i32
    %add3A_51 = arith.constant 0 : i32
    %add3A_52 = arith.addi %mul3A_50, %add3A_51 : i32
    %mul3A_53 = arith.constant 100000 : i32
    %mul3A_54 = arith.muli %add3A_52, %mul3A_53 : i32
    %get3A = arith.constant 0 : index
    %get3A_55 = tpu.vector_load %arg8[%get3A] {strides = array<i32>} : memref<128xi32, #tpu.memory_space<vmem>>, vector<16xi32>,
    %get3A_56 = vector.shape_cast %get3A_55 : vector<16xi32> to vector<16xi32>
    %add3A_57 = vector.broadcast %mul3A_54 : i32 to vector<16xi32>
    %add3A_58 = arith.addi %get3A_56, %add3A_57 : vector<16xi32>
    %swap3A_59 = arith.constant 0 : index
    %swap3A_60 = tpu.vector_load %arg10[%swap3A_59] {strides = array<i32>} : memref<128xi32, #tpu.memory_space<vmem>>, vector<16xi32>,
    %swap3A_61 = vector.shape_cast %swap3A_60 : vector<16xi32> to vector<16xi32>
    %swap3A_62 = vector.shape_cast %add3A_58 : vector<16xi32> to vector<16xi32>
    tpu.vector_store %arg10[%swap3A_59], %swap3A_62 {strides = array<i32>} : memref<128xi32, #tpu.memory_space<vmem>>, vector<16xi32>,
    %get3A_63 = arith.constant 16 : index
    %get3A_64 = tpu.vector_load %arg8[%get3A_63] {strides = array<i32>} : memref<128xi32, #tpu.memory_space<vmem>>, vector<16xi32>,
    %get3A_65 = vector.shape_cast %get3A_64 : vector<16xi32> to vector<16xi32>
    %add3A_66 = vector.broadcast %mul3A_54 : i32 to vector<16xi32>
    %add3A_67 = arith.addi %get3A_65, %add3A_66 : vector<16xi32>
    %swap3A_68 = arith.constant 16 : index
    %swap3A_69 = tpu.vector_load %arg10[%swap3A_68] {strides = array<i32>} : memref<128xi32, #tpu.memory_space<vmem>>, vector<16xi32>,
    %swap3A_70 = vector.shape_cast %swap3A_69 : vector<16xi32> to vector<16xi32>
    %swap3A_71 = vector.shape_cast %add3A_67 : vector<16xi32> to vector<16xi32>
    tpu.vector_store %arg10[%swap3A_68], %swap3A_71 {strides = array<i32>} : memref<128xi32, #tpu.memory_space<vmem>>, vector<16xi32>,
    %get3A_72 = arith.constant 32 : index
    %get3A_73 = tpu.vector_load %arg8[%get3A_72] {strides = array<i32>} : memref<128xi32, #tpu.memory_space<vmem>>, vector<16xi32>,
    %get3A_74 = vector.shape_cast %get3A_73 : vector<16xi32> to vector<16xi32>
    %add3A_75 = vector.broadcast %mul3A_54 : i32 to vector<16xi32>
    %add3A_76 = arith.addi %get3A_74, %add3A_75 : vector<16xi32>
    %swap3A_77 = arith.constant 32 : index
    %swap3A_78 = tpu.vector_load %arg10[%swap3A_77] {strides = array<i32>} : memref<128xi32, #tpu.memory_space<vmem>>, vector<16xi32>,
    %swap3A_79 = vector.shape_cast %swap3A_78 : vector<16xi32> to vector<16xi32>
    %swap3A_80 = vector.shape_cast %add3A_76 : vector<16xi32> to vector<16xi32>
    tpu.vector_store %arg10[%swap3A_77], %swap3A_80 {strides = array<i32>} : memref<128xi32, #tpu.memory_space<vmem>>, vector<16xi32>,
    %get3A_81 = arith.constant 48 : index
    %get3A_82 = tpu.vector_load %arg8[%get3A_81] {strides = array<i32>} : memref<128xi32, #tpu.memory_space<vmem>>, vector<16xi32>,
    %get3A_83 = vector.shape_cast %get3A_82 : vector<16xi32> to vector<16xi32>
    %add3A_84 = vector.broadcast %mul3A_54 : i32 to vector<16xi32>
    %add3A_85 = arith.addi %get3A_83, %add3A_84 : vector<16xi32>
    %swap3A_86 = arith.constant 48 : index
    %swap3A_87 = tpu.vector_load %arg10[%swap3A_86] {strides = array<i32>} : memref<128xi32, #tpu.memory_space<vmem>>, vector<16xi32>,
    %swap3A_88 = vector.shape_cast %swap3A_87 : vector<16xi32> to vector<16xi32>
    %swap3A_89 = vector.shape_cast %add3A_85 : vector<16xi32> to vector<16xi32>
    tpu.vector_store %arg10[%swap3A_86], %swap3A_89 {strides = array<i32>} : memref<128xi32, #tpu.memory_space<vmem>>, vector<16xi32>,
    %get3A_90 = arith.constant 64 : index
    %get3A_91 = tpu.vector_load %arg8[%get3A_90] {strides = array<i32>} : memref<128xi32, #tpu.memory_space<vmem>>, vector<16xi32>,
    %get3A_92 = vector.shape_cast %get3A_91 : vector<16xi32> to vector<16xi32>
    %add3A_93 = vector.broadcast %mul3A_54 : i32 to vector<16xi32>
    %add3A_94 = arith.addi %get3A_92, %add3A_93 : vector<16xi32>
    %swap3A_95 = arith.constant 64 : index
    %swap3A_96 = tpu.vector_load %arg10[%swap3A_95] {strides = array<i32>} : memref<128xi32, #tpu.memory_space<vmem>>, vector<16xi32>,
    %swap3A_97 = vector.shape_cast %swap3A_96 : vector<16xi32> to vector<16xi32>
    %swap3A_98 = vector.shape_cast %add3A_94 : vector<16xi32> to vector<16xi32>
    tpu.vector_store %arg10[%swap3A_95], %swap3A_98 {strides = array<i32>} : memref<128xi32, #tpu.memory_space<vmem>>, vector<16xi32>,
    %get3A_99 = arith.constant 80 : index
    %get3A_100 = tpu.vector_load %arg8[%get3A_99] {strides = array<i32>} : memref<128xi32, #tpu.memory_space<vmem>>, vector<16xi32>,
    %get3A_101 = vector.shape_cast %get3A_100 : vector<16xi32> to vector<16xi32>
    %add3A_102 = vector.broadcast %mul3A_54 : i32 to vector<16xi32>
    %add3A_103 = arith.addi %get3A_101, %add3A_102 : vector<16xi32>
    %swap3A_104 = arith.constant 80 : index
    %swap3A_105 = tpu.vector_load %arg10[%swap3A_104] {strides = array<i32>} : memref<128xi32, #tpu.memory_space<vmem>>, vector<16xi32>,
    %swap3A_106 = vector.shape_cast %swap3A_105 : vector<16xi32> to vector<16xi32>
    %swap3A_107 = vector.shape_cast %add3A_103 : vector<16xi32> to vector<16xi32>
    tpu.vector_store %arg10[%swap3A_104], %swap3A_107 {strides = array<i32>} : memref<128xi32, #tpu.memory_space<vmem>>, vector<16xi32>,
    %get3A_108 = arith.constant 96 : index
    %get3A_109 = tpu.vector_load %arg8[%get3A_108] {strides = array<i32>} : memref<128xi32, #tpu.memory_space<vmem>>, vector<16xi32>,
    %get3A_110 = vector.shape_cast %get3A_109 : vector<16xi32> to vector<16xi32>
    %add3A_111 = vector.broadcast %mul3A_54 : i32 to vector<16xi32>
    %add3A_112 = arith.addi %get3A_110, %add3A_111 : vector<16xi32>
    %swap3A_113 = arith.constant 96 : index
    %swap3A_114 = tpu.vector_load %arg10[%swap3A_113] {strides = array<i32>} : memref<128xi32, #tpu.memory_space<vmem>>, vector<16xi32>,
    %swap3A_115 = vector.shape_cast %swap3A_114 : vector<16xi32> to vector<16xi32>
    %swap3A_116 = vector.shape_cast %add3A_112 : vector<16xi32> to vector<16xi32>
    tpu.vector_store %arg10[%swap3A_113], %swap3A_116 {strides = array<i32>} : memref<128xi32, #tpu.memory_space<vmem>>, vector<16xi32>,
    %get3A_117 = arith.constant 112 : index
    %get3A_118 = tpu.vector_load %arg8[%get3A_117] {strides = array<i32>} : memref<128xi32, #tpu.memory_space<vmem>>, vector<16xi32>,
    %get3A_119 = vector.shape_cast %get3A_118 : vector<16xi32> to vector<16xi32>
    %add3A_120 = vector.broadcast %mul3A_54 : i32 to vector<16xi32>
    %add3A_121 = arith.addi %get3A_119, %add3A_120 : vector<16xi32>
    %swap3A_122 = arith.constant 112 : index
    %swap3A_123 = tpu.vector_load %arg10[%swap3A_122] {strides = array<i32>} : memref<128xi32, #tpu.memory_space<vmem>>, vector<16xi32>,
    %swap3A_124 = vector.shape_cast %swap3A_123 : vector<16xi32> to vector<16xi32>
    %swap3A_125 = vector.shape_cast %add3A_121 : vector<16xi32> to vector<16xi32>
    tpu.vector_store %arg10[%swap3A_122], %swap3A_125 {strides = array<i32>} : memref<128xi32, #tpu.memory_space<vmem>>, vector<16xi32>,
    %dma_start3A = arith.constant 0 : i32
    %dma_start3A_126 = tpu.memref_slice %arg2[%dma_start3A] : memref<12800000xf32, #tpu.memory_space<hbm>> -> memref<12800000xf32, #tpu.memory_space<hbm>>
    tpu.enqueue_indirect_dma source(%dma_start3A_126 : memref<12800000xf32, #tpu.memory_space<hbm>>) target(%arg11 : memref<128xf32, #tpu.memory_space<vmem>>) offsets(%arg10 : memref<128xi32, #tpu.memory_space<vmem>>) semaphore(%arg17 : memref<!tpu.dma_semaphore, #tpu.memory_space<semaphore_mem>>)
    %dma_wait3A = arith.constant 0 : i32
    %dma_wait3A_127 = tpu.memref_slice %arg2[%dma_wait3A] : memref<12800000xf32, #tpu.memory_space<hbm>> -> memref<12800000xf32, #tpu.memory_space<hbm>>
    tpu.wait_indirect_dma semaphore(%arg17 : memref<!tpu.dma_semaphore, #tpu.memory_space<semaphore_mem>>) src(%dma_wait3A_127 : memref<12800000xf32, #tpu.memory_space<hbm>>) dst(%arg11 : memref<128xf32, #tpu.memory_space<vmem>>)
    %get3A_128 = arith.constant 0 : index
    %get3A_129 = tpu.vector_load %arg9[%get3A_128] {strides = array<i32>} : memref<128xi32, #tpu.memory_space<vmem>>, vector<16xi32>,
    %get3A_130 = vector.shape_cast %get3A_129 : vector<16xi32> to vector<16xi32>
    %add3A_131 = vector.broadcast %mul3A_54 : i32 to vector<16xi32>
    %add3A_132 = arith.addi %get3A_130, %add3A_131 : vector<16xi32>
    %swap3A_133 = arith.constant 0 : index
    %swap3A_134 = tpu.vector_load %arg10[%swap3A_133] {strides = array<i32>} : memref<128xi32, #tpu.memory_space<vmem>>, vector<16xi32>,
    %swap3A_135 = vector.shape_cast %swap3A_134 : vector<16xi32> to vector<16xi32>
    %swap3A_136 = vector.shape_cast %add3A_132 : vector<16xi32> to vector<16xi32>
    tpu.vector_store %arg10[%swap3A_133], %swap3A_136 {strides = array<i32>} : memref<128xi32, #tpu.memory_space<vmem>>, vector<16xi32>,
    %get3A_137 = arith.constant 16 : index
    %get3A_138 = tpu.vector_load %arg9[%get3A_137] {strides = array<i32>} : memref<128xi32, #tpu.memory_space<vmem>>, vector<16xi32>,
    %get3A_139 = vector.shape_cast %get3A_138 : vector<16xi32> to vector<16xi32>
    %add3A_140 = vector.broadcast %mul3A_54 : i32 to vector<16xi32>
    %add3A_141 = arith.addi %get3A_139, %add3A_140 : vector<16xi32>
    %swap3A_142 = arith.constant 16 : index
    %swap3A_143 = tpu.vector_load %arg10[%swap3A_142] {strides = array<i32>} : memref<128xi32, #tpu.memory_space<vmem>>, vector<16xi32>,
    %swap3A_144 = vector.shape_cast %swap3A_143 : vector<16xi32> to vector<16xi32>
    %swap3A_145 = vector.shape_cast %add3A_141 : vector<16xi32> to vector<16xi32>
    tpu.vector_store %arg10[%swap3A_142], %swap3A_145 {strides = array<i32>} : memref<128xi32, #tpu.memory_space<vmem>>, vector<16xi32>,
    %get3A_146 = arith.constant 32 : index
    %get3A_147 = tpu.vector_load %arg9[%get3A_146] {strides = array<i32>} : memref<128xi32, #tpu.memory_space<vmem>>, vector<16xi32>,
    %get3A_148 = vector.shape_cast %get3A_147 : vector<16xi32> to vector<16xi32>
    %add3A_149 = vector.broadcast %mul3A_54 : i32 to vector<16xi32>
    %add3A_150 = arith.addi %get3A_148, %add3A_149 : vector<16xi32>
    %swap3A_151 = arith.constant 32 : index
    %swap3A_152 = tpu.vector_load %arg10[%swap3A_151] {strides = array<i32>} : memref<128xi32, #tpu.memory_space<vmem>>, vector<16xi32>,
    %swap3A_153 = vector.shape_cast %swap3A_152 : vector<16xi32> to vector<16xi32>
    %swap3A_154 = vector.shape_cast %add3A_150 : vector<16xi32> to vector<16xi32>
    tpu.vector_store %arg10[%swap3A_151], %swap3A_154 {strides = array<i32>} : memref<128xi32, #tpu.memory_space<vmem>>, vector<16xi32>,
    %get3A_155 = arith.constant 48 : index
    %get3A_156 = tpu.vector_load %arg9[%get3A_155] {strides = array<i32>} : memref<128xi32, #tpu.memory_space<vmem>>, vector<16xi32>,
    %get3A_157 = vector.shape_cast %get3A_156 : vector<16xi32> to vector<16xi32>
    %add3A_158 = vector.broadcast %mul3A_54 : i32 to vector<16xi32>
    %add3A_159 = arith.addi %get3A_157, %add3A_158 : vector<16xi32>
    %swap3A_160 = arith.constant 48 : index
    %swap3A_161 = tpu.vector_load %arg10[%swap3A_160] {strides = array<i32>} : memref<128xi32, #tpu.memory_space<vmem>>, vector<16xi32>,
    %swap3A_162 = vector.shape_cast %swap3A_161 : vector<16xi32> to vector<16xi32>
    %swap3A_163 = vector.shape_cast %add3A_159 : vector<16xi32> to vector<16xi32>
    tpu.vector_store %arg10[%swap3A_160], %swap3A_163 {strides = array<i32>} : memref<128xi32, #tpu.memory_space<vmem>>, vector<16xi32>,
    %get3A_164 = arith.constant 64 : index
    %get3A_165 = tpu.vector_load %arg9[%get3A_164] {strides = array<i32>} : memref<128xi32, #tpu.memory_space<vmem>>, vector<16xi32>,
    %get3A_166 = vector.shape_cast %get3A_165 : vector<16xi32> to vector<16xi32>
    %add3A_167 = vector.broadcast %mul3A_54 : i32 to vector<16xi32>
    %add3A_168 = arith.addi %get3A_166, %add3A_167 : vector<16xi32>
    %swap3A_169 = arith.constant 64 : index
    %swap3A_170 = tpu.vector_load %arg10[%swap3A_169] {strides = array<i32>} : memref<128xi32, #tpu.memory_space<vmem>>, vector<16xi32>,
    %swap3A_171 = vector.shape_cast %swap3A_170 : vector<16xi32> to vector<16xi32>
    %swap3A_172 = vector.shape_cast %add3A_168 : vector<16xi32> to vector<16xi32>
    tpu.vector_store %arg10[%swap3A_169], %swap3A_172 {strides = array<i32>} : memref<128xi32, #tpu.memory_space<vmem>>, vector<16xi32>,
    %get3A_173 = arith.constant 80 : index
    %get3A_174 = tpu.vector_load %arg9[%get3A_173] {strides = array<i32>} : memref<128xi32, #tpu.memory_space<vmem>>, vector<16xi32>,
    %get3A_175 = vector.shape_cast %get3A_174 : vector<16xi32> to vector<16xi32>
    %add3A_176 = vector.broadcast %mul3A_54 : i32 to vector<16xi32>
    %add3A_177 = arith.addi %get3A_175, %add3A_176 : vector<16xi32>
    %swap3A_178 = arith.constant 80 : index
    %swap3A_179 = tpu.vector_load %arg10[%swap3A_178] {strides = array<i32>} : memref<128xi32, #tpu.memory_space<vmem>>, vector<16xi32>,
    %swap3A_180 = vector.shape_cast %swap3A_179 : vector<16xi32> to vector<16xi32>
    %swap3A_181 = vector.shape_cast %add3A_177 : vector<16xi32> to vector<16xi32>
    tpu.vector_store %arg10[%swap3A_178], %swap3A_181 {strides = array<i32>} : memref<128xi32, #tpu.memory_space<vmem>>, vector<16xi32>,
    %get3A_182 = arith.constant 96 : index
    %get3A_183 = tpu.vector_load %arg9[%get3A_182] {strides = array<i32>} : memref<128xi32, #tpu.memory_space<vmem>>, vector<16xi32>,
    %get3A_184 = vector.shape_cast %get3A_183 : vector<16xi32> to vector<16xi32>
    %add3A_185 = vector.broadcast %mul3A_54 : i32 to vector<16xi32>
    %add3A_186 = arith.addi %get3A_184, %add3A_185 : vector<16xi32>
    %swap3A_187 = arith.constant 96 : index
    %swap3A_188 = tpu.vector_load %arg10[%swap3A_187] {strides = array<i32>} : memref<128xi32, #tpu.memory_space<vmem>>, vector<16xi32>,
    %swap3A_189 = vector.shape_cast %swap3A_188 : vector<16xi32> to vector<16xi32>
    %swap3A_190 = vector.shape_cast %add3A_186 : vector<16xi32> to vector<16xi32>
    tpu.vector_store %arg10[%swap3A_187], %swap3A_190 {strides = array<i32>} : memref<128xi32, #tpu.memory_space<vmem>>, vector<16xi32>,
    %get3A_191 = arith.constant 112 : index
    %get3A_192 = tpu.vector_load %arg9[%get3A_191] {strides = array<i32>} : memref<128xi32, #tpu.memory_space<vmem>>, vector<16xi32>,
    %get3A_193 = vector.shape_cast %get3A_192 : vector<16xi32> to vector<16xi32>
    %add3A_194 = vector.broadcast %mul3A_54 : i32 to vector<16xi32>
    %add3A_195 = arith.addi %get3A_193, %add3A_194 : vector<16xi32>
    %swap3A_196 = arith.constant 112 : index
    %swap3A_197 = tpu.vector_load %arg10[%swap3A_196] {strides = array<i32>} : memref<128xi32, #tpu.memory_space<vmem>>, vector<16xi32>,
    %swap3A_198 = vector.shape_cast %swap3A_197 : vector<16xi32> to vector<16xi32>
    %swap3A_199 = vector.shape_cast %add3A_195 : vector<16xi32> to vector<16xi32>
    tpu.vector_store %arg10[%swap3A_196], %swap3A_199 {strides = array<i32>} : memref<128xi32, #tpu.memory_space<vmem>>, vector<16xi32>,
    %dma_start3A_200 = arith.constant 0 : i32
    %dma_start3A_201 = tpu.memref_slice %arg2[%dma_start3A_200] : memref<12800000xf32, #tpu.memory_space<hbm>> -> memref<12800000xf32, #tpu.memory_space<hbm>>
    tpu.enqueue_indirect_dma source(%dma_start3A_201 : memref<12800000xf32, #tpu.memory_space<hbm>>) target(%arg12 : memref<128xf32, #tpu.memory_space<vmem>>) offsets(%arg10 : memref<128xi32, #tpu.memory_space<vmem>>) semaphore(%arg17 : memref<!tpu.dma_semaphore, #tpu.memory_space<semaphore_mem>>)
    %dma_wait3A_202 = arith.constant 0 : i32
    %dma_wait3A_203 = tpu.memref_slice %arg2[%dma_wait3A_202] : memref<12800000xf32, #tpu.memory_space<hbm>> -> memref<12800000xf32, #tpu.memory_space<hbm>>
    tpu.wait_indirect_dma semaphore(%arg17 : memref<!tpu.dma_semaphore, #tpu.memory_space<semaphore_mem>>) src(%dma_wait3A_203 : memref<12800000xf32, #tpu.memory_space<hbm>>) dst(%arg12 : memref<128xf32, #tpu.memory_space<vmem>>)
    %get3A_204 = arith.constant 0 : index
    %get3A_205 = tpu.vector_load %arg13[%get3A_204] {strides = array<i32>} : memref<128xf32, #tpu.memory_space<vmem>>, vector<16xf32>,
    %get3A_206 = vector.shape_cast %get3A_205 : vector<16xf32> to vector<16xf32>
    %get3A_207 = arith.constant 0 : index
    %get3A_208 = tpu.vector_load %arg11[%get3A_207] {strides = array<i32>} : memref<128xf32, #tpu.memory_space<vmem>>, vector<16xf32>,
    %get3A_209 = vector.shape_cast %get3A_208 : vector<16xf32> to vector<16xf32>
    %get3A_210 = arith.constant 0 : index
    %get3A_211 = tpu.vector_load %arg12[%get3A_210] {strides = array<i32>} : memref<128xf32, #tpu.memory_space<vmem>>, vector<16xf32>,
    %get3A_212 = vector.shape_cast %get3A_211 : vector<16xf32> to vector<16xf32>
    %mul3A_213 = arith.mulf %get3A_209, %get3A_212 : vector<16xf32>
    %add3A_214 = arith.addf %get3A_206, %mul3A_213 : vector<16xf32>
    %swap3A_215 = arith.constant 0 : index
    %swap3A_216 = tpu.vector_load %arg13[%swap3A_215] {strides = array<i32>} : memref<128xf32, #tpu.memory_space<vmem>>, vector<16xf32>,
    %swap3A_217 = vector.shape_cast %swap3A_216 : vector<16xf32> to vector<16xf32>
    %swap3A_218 = vector.shape_cast %add3A_214 : vector<16xf32> to vector<16xf32>
    tpu.vector_store %arg13[%swap3A_215], %swap3A_218 {strides = array<i32>} : memref<128xf32, #tpu.memory_space<vmem>>, vector<16xf32>,
    %get3A_219 = arith.constant 16 : index
    %get3A_220 = tpu.vector_load %arg13[%get3A_219] {strides = array<i32>} : memref<128xf32, #tpu.memory_space<vmem>>, vector<16xf32>,
    %get3A_221 = vector.shape_cast %get3A_220 : vector<16xf32> to vector<16xf32>
    %get3A_222 = arith.constant 16 : index
    %get3A_223 = tpu.vector_load %arg11[%get3A_222] {strides = array<i32>} : memref<128xf32, #tpu.memory_space<vmem>>, vector<16xf32>,
    %get3A_224 = vector.shape_cast %get3A_223 : vector<16xf32> to vector<16xf32>
    %get3A_225 = arith.constant 16 : index
    %get3A_226 = tpu.vector_load %arg12[%get3A_225] {strides = array<i32>} : memref<128xf32, #tpu.memory_space<vmem>>, vector<16xf32>,
    %get3A_227 = vector.shape_cast %get3A_226 : vector<16xf32> to vector<16xf32>
    %mul3A_228 = arith.mulf %get3A_224, %get3A_227 : vector<16xf32>
    %add3A_229 = arith.addf %get3A_221, %mul3A_228 : vector<16xf32>
    %swap3A_230 = arith.constant 16 : index
    %swap3A_231 = tpu.vector_load %arg13[%swap3A_230] {strides = array<i32>} : memref<128xf32, #tpu.memory_space<vmem>>, vector<16xf32>,
    %swap3A_232 = vector.shape_cast %swap3A_231 : vector<16xf32> to vector<16xf32>
    %swap3A_233 = vector.shape_cast %add3A_229 : vector<16xf32> to vector<16xf32>
    tpu.vector_store %arg13[%swap3A_230], %swap3A_233 {strides = array<i32>} : memref<128xf32, #tpu.memory_space<vmem>>, vector<16xf32>,
    %get3A_234 = arith.constant 32 : index
    %get3A_235 = tpu.vector_load %arg13[%get3A_234] {strides = array<i32>} : memref<128xf32, #tpu.memory_space<vmem>>, vector<16xf32>,
    %get3A_236 = vector.shape_cast %get3A_235 : vector<16xf32> to vector<16xf32>
    %get3A_237 = arith.constant 32 : index
    %get3A_238 = tpu.vector_load %arg11[%get3A_237] {strides = array<i32>} : memref<128xf32, #tpu.memory_space<vmem>>, vector<16xf32>,
    %get3A_239 = vector.shape_cast %get3A_238 : vector<16xf32> to vector<16xf32>
    %get3A_240 = arith.constant 32 : index
    %get3A_241 = tpu.vector_load %arg12[%get3A_240] {strides = array<i32>} : memref<128xf32, #tpu.memory_space<vmem>>, vector<16xf32>,
    %get3A_242 = vector.shape_cast %get3A_241 : vector<16xf32> to vector<16xf32>
    %mul3A_243 = arith.mulf %get3A_239, %get3A_242 : vector<16xf32>
    %add3A_244 = arith.addf %get3A_236, %mul3A_243 : vector<16xf32>
    %swap3A_245 = arith.constant 32 : index
    %swap3A_246 = tpu.vector_load %arg13[%swap3A_245] {strides = array<i32>} : memref<128xf32, #tpu.memory_space<vmem>>, vector<16xf32>,
    %swap3A_247 = vector.shape_cast %swap3A_246 : vector<16xf32> to vector<16xf32>
    %swap3A_248 = vector.shape_cast %add3A_244 : vector<16xf32> to vector<16xf32>
    tpu.vector_store %arg13[%swap3A_245], %swap3A_248 {strides = array<i32>} : memref<128xf32, #tpu.memory_space<vmem>>, vector<16xf32>,
    %get3A_249 = arith.constant 48 : index
    %get3A_250 = tpu.vector_load %arg13[%get3A_249] {strides = array<i32>} : memref<128xf32, #tpu.memory_space<vmem>>, vector<16xf32>,
    %get3A_251 = vector.shape_cast %get3A_250 : vector<16xf32> to vector<16xf32>
    %get3A_252 = arith.constant 48 : index
    %get3A_253 = tpu.vector_load %arg11[%get3A_252] {strides = array<i32>} : memref<128xf32, #tpu.memory_space<vmem>>, vector<16xf32>,
    %get3A_254 = vector.shape_cast %get3A_253 : vector<16xf32> to vector<16xf32>
    %get3A_255 = arith.constant 48 : index
    %get3A_256 = tpu.vector_load %arg12[%get3A_255] {strides = array<i32>} : memref<128xf32, #tpu.memory_space<vmem>>, vector<16xf32>,
    %get3A_257 = vector.shape_cast %get3A_256 : vector<16xf32> to vector<16xf32>
    %mul3A_258 = arith.mulf %get3A_254, %get3A_257 : vector<16xf32>
    %add3A_259 = arith.addf %get3A_251, %mul3A_258 : vector<16xf32>
    %swap3A_260 = arith.constant 48 : index
    %swap3A_261 = tpu.vector_load %arg13[%swap3A_260] {strides = array<i32>} : memref<128xf32, #tpu.memory_space<vmem>>, vector<16xf32>,
    %swap3A_262 = vector.shape_cast %swap3A_261 : vector<16xf32> to vector<16xf32>
    %swap3A_263 = vector.shape_cast %add3A_259 : vector<16xf32> to vector<16xf32>
    tpu.vector_store %arg13[%swap3A_260], %swap3A_263 {strides = array<i32>} : memref<128xf32, #tpu.memory_space<vmem>>, vector<16xf32>,
    %get3A_264 = arith.constant 64 : index
    %get3A_265 = tpu.vector_load %arg13[%get3A_264] {strides = array<i32>} : memref<128xf32, #tpu.memory_space<vmem>>, vector<16xf32>,
    %get3A_266 = vector.shape_cast %get3A_265 : vector<16xf32> to vector<16xf32>
    %get3A_267 = arith.constant 64 : index
    %get3A_268 = tpu.vector_load %arg11[%get3A_267] {strides = array<i32>} : memref<128xf32, #tpu.memory_space<vmem>>, vector<16xf32>,
    %get3A_269 = vector.shape_cast %get3A_268 : vector<16xf32> to vector<16xf32>
    %get3A_270 = arith.constant 64 : index
    %get3A_271 = tpu.vector_load %arg12[%get3A_270] {strides = array<i32>} : memref<128xf32, #tpu.memory_space<vmem>>, vector<16xf32>,
    %get3A_272 = vector.shape_cast %get3A_271 : vector<16xf32> to vector<16xf32>
    %mul3A_273 = arith.mulf %get3A_269, %get3A_272 : vector<16xf32>
    %add3A_274 = arith.addf %get3A_266, %mul3A_273 : vector<16xf32>
    %swap3A_275 = arith.constant 64 : index
    %swap3A_276 = tpu.vector_load %arg13[%swap3A_275] {strides = array<i32>} : memref<128xf32, #tpu.memory_space<vmem>>, vector<16xf32>,
    %swap3A_277 = vector.shape_cast %swap3A_276 : vector<16xf32> to vector<16xf32>
    %swap3A_278 = vector.shape_cast %add3A_274 : vector<16xf32> to vector<16xf32>
    tpu.vector_store %arg13[%swap3A_275], %swap3A_278 {strides = array<i32>} : memref<128xf32, #tpu.memory_space<vmem>>, vector<16xf32>,
    %get3A_279 = arith.constant 80 : index
    %get3A_280 = tpu.vector_load %arg13[%get3A_279] {strides = array<i32>} : memref<128xf32, #tpu.memory_space<vmem>>, vector<16xf32>,
    %get3A_281 = vector.shape_cast %get3A_280 : vector<16xf32> to vector<16xf32>
    %get3A_282 = arith.constant 80 : index
    %get3A_283 = tpu.vector_load %arg11[%get3A_282] {strides = array<i32>} : memref<128xf32, #tpu.memory_space<vmem>>, vector<16xf32>,
    %get3A_284 = vector.shape_cast %get3A_283 : vector<16xf32> to vector<16xf32>
    %get3A_285 = arith.constant 80 : index
    %get3A_286 = tpu.vector_load %arg12[%get3A_285] {strides = array<i32>} : memref<128xf32, #tpu.memory_space<vmem>>, vector<16xf32>,
    %get3A_287 = vector.shape_cast %get3A_286 : vector<16xf32> to vector<16xf32>
    %mul3A_288 = arith.mulf %get3A_284, %get3A_287 : vector<16xf32>
    %add3A_289 = arith.addf %get3A_281, %mul3A_288 : vector<16xf32>
    %swap3A_290 = arith.constant 80 : index
    %swap3A_291 = tpu.vector_load %arg13[%swap3A_290] {strides = array<i32>} : memref<128xf32, #tpu.memory_space<vmem>>, vector<16xf32>,
    %swap3A_292 = vector.shape_cast %swap3A_291 : vector<16xf32> to vector<16xf32>
    %swap3A_293 = vector.shape_cast %add3A_289 : vector<16xf32> to vector<16xf32>
    tpu.vector_store %arg13[%swap3A_290], %swap3A_293 {strides = array<i32>} : memref<128xf32, #tpu.memory_space<vmem>>, vector<16xf32>,
    %get3A_294 = arith.constant 96 : index
    %get3A_295 = tpu.vector_load %arg13[%get3A_294] {strides = array<i32>} : memref<128xf32, #tpu.memory_space<vmem>>, vector<16xf32>,
    %get3A_296 = vector.shape_cast %get3A_295 : vector<16xf32> to vector<16xf32>
    %get3A_297 = arith.constant 96 : index
    %get3A_298 = tpu.vector_load %arg11[%get3A_297] {strides = array<i32>} : memref<128xf32, #tpu.memory_space<vmem>>, vector<16xf32>,
    %get3A_299 = vector.shape_cast %get3A_298 : vector<16xf32> to vector<16xf32>
    %get3A_300 = arith.constant 96 : index
    %get3A_301 = tpu.vector_load %arg12[%get3A_300] {strides = array<i32>} : memref<128xf32, #tpu.memory_space<vmem>>, vector<16xf32>,
    %get3A_302 = vector.shape_cast %get3A_301 : vector<16xf32> to vector<16xf32>
    %mul3A_303 = arith.mulf %get3A_299, %get3A_302 : vector<16xf32>
    %add3A_304 = arith.addf %get3A_296, %mul3A_303 : vector<16xf32>
    %swap3A_305 = arith.constant 96 : index
    %swap3A_306 = tpu.vector_load %arg13[%swap3A_305] {strides = array<i32>} : memref<128xf32, #tpu.memory_space<vmem>>, vector<16xf32>,
    %swap3A_307 = vector.shape_cast %swap3A_306 : vector<16xf32> to vector<16xf32>
    %swap3A_308 = vector.shape_cast %add3A_304 : vector<16xf32> to vector<16xf32>
    tpu.vector_store %arg13[%swap3A_305], %swap3A_308 {strides = array<i32>} : memref<128xf32, #tpu.memory_space<vmem>>, vector<16xf32>,
    %get3A_309 = arith.constant 112 : index
    %get3A_310 = tpu.vector_load %arg13[%get3A_309] {strides = array<i32>} : memref<128xf32, #tpu.memory_space<vmem>>, vector<16xf32>,
    %get3A_311 = vector.shape_cast %get3A_310 : vector<16xf32> to vector<16xf32>
    %get3A_312 = arith.constant 112 : index
    %get3A_313 = tpu.vector_load %arg11[%get3A_312] {strides = array<i32>} : memref<128xf32, #tpu.memory_space<vmem>>, vector<16xf32>,
    %get3A_314 = vector.shape_cast %get3A_313 : vector<16xf32> to vector<16xf32>
    %get3A_315 = arith.constant 112 : index
    %get3A_316 = tpu.vector_load %arg12[%get3A_315] {strides = array<i32>} : memref<128xf32, #tpu.memory_space<vmem>>, vector<16xf32>,
    %get3A_317 = vector.shape_cast %get3A_316 : vector<16xf32> to vector<16xf32>
    %mul3A_318 = arith.mulf %get3A_314, %get3A_317 : vector<16xf32>
    %add3A_319 = arith.addf %get3A_311, %mul3A_318 : vector<16xf32>
    %swap3A_320 = arith.constant 112 : index
    %swap3A_321 = tpu.vector_load %arg13[%swap3A_320] {strides = array<i32>} : memref<128xf32, #tpu.memory_space<vmem>>, vector<16xf32>,
    %swap3A_322 = vector.shape_cast %swap3A_321 : vector<16xf32> to vector<16xf32>
    %swap3A_323 = vector.shape_cast %add3A_319 : vector<16xf32> to vector<16xf32>
    tpu.vector_store %arg13[%swap3A_320], %swap3A_323 {strides = array<i32>} : memref<128xf32, #tpu.memory_space<vmem>>, vector<16xf32>,
    %mul3A_324 = arith.constant 4 : i32
    %mul3A_325 = arith.muli %add3A, %mul3A_324 : i32
    %add3A_326 = arith.constant 1 : i32
    %add3A_327 = arith.addi %mul3A_325, %add3A_326 : i32
    %mul3A_328 = arith.constant 100000 : i32
    %mul3A_329 = arith.muli %add3A_327, %mul3A_328 : i32
    %get3A_330 = arith.constant 0 : index
    %get3A_331 = tpu.vector_load %arg8[%get3A_330] {strides = array<i32>} : memref<128xi32, #tpu.memory_space<vmem>>, vector<16xi32>,
    %get3A_332 = vector.shape_cast %get3A_331 : vector<16xi32> to vector<16xi32>
    %add3A_333 = vector.broadcast %mul3A_329 : i32 to vector<16xi32>
    %add3A_334 = arith.addi %get3A_332, %add3A_333 : vector<16xi32>
    %swap3A_335 = arith.constant 0 : index
    %swap3A_336 = tpu.vector_load %arg10[%swap3A_335] {strides = array<i32>} : memref<128xi32, #tpu.memory_space<vmem>>, vector<16xi32>,
    %swap3A_337 = vector.shape_cast %swap3A_336 : vector<16xi32> to vector<16xi32>
    %swap3A_338 = vector.shape_cast %add3A_334 : vector<16xi32> to vector<16xi32>
    tpu.vector_store %arg10[%swap3A_335], %swap3A_338 {strides = array<i32>} : memref<128xi32, #tpu.memory_space<vmem>>, vector<16xi32>,
    %get3A_339 = arith.constant 16 : index
    %get3A_340 = tpu.vector_load %arg8[%get3A_339] {strides = array<i32>} : memref<128xi32, #tpu.memory_space<vmem>>, vector<16xi32>,
    %get3A_341 = vector.shape_cast %get3A_340 : vector<16xi32> to vector<16xi32>
    %add3A_342 = vector.broadcast %mul3A_329 : i32 to vector<16xi32>
    %add3A_343 = arith.addi %get3A_341, %add3A_342 : vector<16xi32>
    %swap3A_344 = arith.constant 16 : index
    %swap3A_345 = tpu.vector_load %arg10[%swap3A_344] {strides = array<i32>} : memref<128xi32, #tpu.memory_space<vmem>>, vector<16xi32>,
    %swap3A_346 = vector.shape_cast %swap3A_345 : vector<16xi32> to vector<16xi32>
    %swap3A_347 = vector.shape_cast %add3A_343 : vector<16xi32> to vector<16xi32>
    tpu.vector_store %arg10[%swap3A_344], %swap3A_347 {strides = array<i32>} : memref<128xi32, #tpu.memory_space<vmem>>, vector<16xi32>,
    %get3A_348 = arith.constant 32 : index
    %get3A_349 = tpu.vector_load %arg8[%get3A_348] {strides = array<i32>} : memref<128xi32, #tpu.memory_space<vmem>>, vector<16xi32>,
    %get3A_350 = vector.shape_cast %get3A_349 : vector<16xi32> to vector<16xi32>
    %add3A_351 = vector.broadcast %mul3A_329 : i32 to vector<16xi32>
    %add3A_352 = arith.addi %get3A_350, %add3A_351 : vector<16xi32>
    %swap3A_353 = arith.constant 32 : index
    %swap3A_354 = tpu.vector_load %arg10[%swap3A_353] {strides = array<i32>} : memref<128xi32, #tpu.memory_space<vmem>>, vector<16xi32>,
    %swap3A_355 = vector.shape_cast %swap3A_354 : vector<16xi32> to vector<16xi32>
    %swap3A_356 = vector.shape_cast %add3A_352 : vector<16xi32> to vector<16xi32>
    tpu.vector_store %arg10[%swap3A_353], %swap3A_356 {strides = array<i32>} : memref<128xi32, #tpu.memory_space<vmem>>, vector<16xi32>,
    %get3A_357 = arith.constant 48 : index
    %get3A_358 = tpu.vector_load %arg8[%get3A_357] {strides = array<i32>} : memref<128xi32, #tpu.memory_space<vmem>>, vector<16xi32>,
    %get3A_359 = vector.shape_cast %get3A_358 : vector<16xi32> to vector<16xi32>
    %add3A_360 = vector.broadcast %mul3A_329 : i32 to vector<16xi32>
    %add3A_361 = arith.addi %get3A_359, %add3A_360 : vector<16xi32>
    %swap3A_362 = arith.constant 48 : index
    %swap3A_363 = tpu.vector_load %arg10[%swap3A_362] {strides = array<i32>} : memref<128xi32, #tpu.memory_space<vmem>>, vector<16xi32>,
    %swap3A_364 = vector.shape_cast %swap3A_363 : vector<16xi32> to vector<16xi32>
    %swap3A_365 = vector.shape_cast %add3A_361 : vector<16xi32> to vector<16xi32>
    tpu.vector_store %arg10[%swap3A_362], %swap3A_365 {strides = array<i32>} : memref<128xi32, #tpu.memory_space<vmem>>, vector<16xi32>,
    %get3A_366 = arith.constant 64 : index
    %get3A_367 = tpu.vector_load %arg8[%get3A_366] {strides = array<i32>} : memref<128xi32, #tpu.memory_space<vmem>>, vector<16xi32>,
    %get3A_368 = vector.shape_cast %get3A_367 : vector<16xi32> to vector<16xi32>
    %add3A_369 = vector.broadcast %mul3A_329 : i32 to vector<16xi32>
    %add3A_370 = arith.addi %get3A_368, %add3A_369 : vector<16xi32>
    %swap3A_371 = arith.constant 64 : index
    %swap3A_372 = tpu.vector_load %arg10[%swap3A_371] {strides = array<i32>} : memref<128xi32, #tpu.memory_space<vmem>>, vector<16xi32>,
    %swap3A_373 = vector.shape_cast %swap3A_372 : vector<16xi32> to vector<16xi32>
    %swap3A_374 = vector.shape_cast %add3A_370 : vector<16xi32> to vector<16xi32>
    tpu.vector_store %arg10[%swap3A_371], %swap3A_374 {strides = array<i32>} : memref<128xi32, #tpu.memory_space<vmem>>, vector<16xi32>,
    %get3A_375 = arith.constant 80 : index
    %get3A_376 = tpu.vector_load %arg8[%get3A_375] {strides = array<i32>} : memref<128xi32, #tpu.memory_space<vmem>>, vector<16xi32>,
    %get3A_377 = vector.shape_cast %get3A_376 : vector<16xi32> to vector<16xi32>
    %add3A_378 = vector.broadcast %mul3A_329 : i32 to vector<16xi32>
    %add3A_379 = arith.addi %get3A_377, %add3A_378 : vector<16xi32>
    %swap3A_380 = arith.constant 80 : index
    %swap3A_381 = tpu.vector_load %arg10[%swap3A_380] {strides = array<i32>} : memref<128xi32, #tpu.memory_space<vmem>>, vector<16xi32>,
    %swap3A_382 = vector.shape_cast %swap3A_381 : vector<16xi32> to vector<16xi32>
    %swap3A_383 = vector.shape_cast %add3A_379 : vector<16xi32> to vector<16xi32>
    tpu.vector_store %arg10[%swap3A_380], %swap3A_383 {strides = array<i32>} : memref<128xi32, #tpu.memory_space<vmem>>, vector<16xi32>,
    %get3A_384 = arith.constant 96 : index
    %get3A_385 = tpu.vector_load %arg8[%get3A_384] {strides = array<i32>} : memref<128xi32, #tpu.memory_space<vmem>>, vector<16xi32>,
    %get3A_386 = vector.shape_cast %get3A_385 : vector<16xi32> to vector<16xi32>
    %add3A_387 = vector.broadcast %mul3A_329 : i32 to vector<16xi32>
    %add3A_388 = arith.addi %get3A_386, %add3A_387 : vector<16xi32>
    %swap3A_389 = arith.constant 96 : index
    %swap3A_390 = tpu.vector_load %arg10[%swap3A_389] {strides = array<i32>} : memref<128xi32, #tpu.memory_space<vmem>>, vector<16xi32>,
    %swap3A_391 = vector.shape_cast %swap3A_390 : vector<16xi32> to vector<16xi32>
    %swap3A_392 = vector.shape_cast %add3A_388 : vector<16xi32> to vector<16xi32>
    tpu.vector_store %arg10[%swap3A_389], %swap3A_392 {strides = array<i32>} : memref<128xi32, #tpu.memory_space<vmem>>, vector<16xi32>,
    %get3A_393 = arith.constant 112 : index
    %get3A_394 = tpu.vector_load %arg8[%get3A_393] {strides = array<i32>} : memref<128xi32, #tpu.memory_space<vmem>>, vector<16xi32>,
    %get3A_395 = vector.shape_cast %get3A_394 : vector<16xi32> to vector<16xi32>
    %add3A_396 = vector.broadcast %mul3A_329 : i32 to vector<16xi32>
    %add3A_397 = arith.addi %get3A_395, %add3A_396 : vector<16xi32>
    %swap3A_398 = arith.constant 112 : index
    %swap3A_399 = tpu.vector_load %arg10[%swap3A_398] {strides = array<i32>} : memref<128xi32, #tpu.memory_space<vmem>>, vector<16xi32>,
    %swap3A_400 = vector.shape_cast %swap3A_399 : vector<16xi32> to vector<16xi32>
    %swap3A_401 = vector.shape_cast %add3A_397 : vector<16xi32> to vector<16xi32>
    tpu.vector_store %arg10[%swap3A_398], %swap3A_401 {strides = array<i32>} : memref<128xi32, #tpu.memory_space<vmem>>, vector<16xi32>,
    %dma_start3A_402 = arith.constant 0 : i32
    %dma_start3A_403 = tpu.memref_slice %arg2[%dma_start3A_402] : memref<12800000xf32, #tpu.memory_space<hbm>> -> memref<12800000xf32, #tpu.memory_space<hbm>>
    tpu.enqueue_indirect_dma source(%dma_start3A_403 : memref<12800000xf32, #tpu.memory_space<hbm>>) target(%arg11 : memref<128xf32, #tpu.memory_space<vmem>>) offsets(%arg10 : memref<128xi32, #tpu.memory_space<vmem>>) semaphore(%arg17 : memref<!tpu.dma_semaphore, #tpu.memory_space<semaphore_mem>>)
    %dma_wait3A_404 = arith.constant 0 : i32
    %dma_wait3A_405 = tpu.memref_slice %arg2[%dma_wait3A_404] : memref<12800000xf32, #tpu.memory_space<hbm>> -> memref<12800000xf32, #tpu.memory_space<hbm>>
    tpu.wait_indirect_dma semaphore(%arg17 : memref<!tpu.dma_semaphore, #tpu.memory_space<semaphore_mem>>) src(%dma_wait3A_405 : memref<12800000xf32, #tpu.memory_space<hbm>>) dst(%arg11 : memref<128xf32, #tpu.memory_space<vmem>>)
    %get3A_406 = arith.constant 0 : index
    %get3A_407 = tpu.vector_load %arg9[%get3A_406] {strides = array<i32>} : memref<128xi32, #tpu.memory_space<vmem>>, vector<16xi32>,
    %get3A_408 = vector.shape_cast %get3A_407 : vector<16xi32> to vector<16xi32>
    %add3A_409 = vector.broadcast %mul3A_329 : i32 to vector<16xi32>
    %add3A_410 = arith.addi %get3A_408, %add3A_409 : vector<16xi32>
    %swap3A_411 = arith.constant 0 : index
    %swap3A_412 = tpu.vector_load %arg10[%swap3A_411] {strides = array<i32>} : memref<128xi32, #tpu.memory_space<vmem>>, vector<16xi32>,
    %swap3A_413 = vector.shape_cast %swap3A_412 : vector<16xi32> to vector<16xi32>
    %swap3A_414 = vector.shape_cast %add3A_410 : vector<16xi32> to vector<16xi32>
    tpu.vector_store %arg10[%swap3A_411], %swap3A_414 {strides = array<i32>} : memref<128xi32, #tpu.memory_space<vmem>>, vector<16xi32>,
    %get3A_415 = arith.constant 16 : index
    %get3A_416 = tpu.vector_load %arg9[%get3A_415] {strides = array<i32>} : memref<128xi32, #tpu.memory_space<vmem>>, vector<16xi32>,
    %get3A_417 = vector.shape_cast %get3A_416 : vector<16xi32> to vector<16xi32>
    %add3A_418 = vector.broadcast %mul3A_329 : i32 to vector<16xi32>
    %add3A_419 = arith.addi %get3A_417, %add3A_418 : vector<16xi32>
    %swap3A_420 = arith.constant 16 : index
    %swap3A_421 = tpu.vector_load %arg10[%swap3A_420] {strides = array<i32>} : memref<128xi32, #tpu.memory_space<vmem>>, vector<16xi32>,
    %swap3A_422 = vector.shape_cast %swap3A_421 : vector<16xi32> to vector<16xi32>
    %swap3A_423 = vector.shape_cast %add3A_419 : vector<16xi32> to vector<16xi32>
    tpu.vector_store %arg10[%swap3A_420], %swap3A_423 {strides = array<i32>} : memref<128xi32, #tpu.memory_space<vmem>>, vector<16xi32>,
    %get3A_424 = arith.constant 32 : index
    %get3A_425 = tpu.vector_load %arg9[%get3A_424] {strides = array<i32>} : memref<128xi32, #tpu.memory_space<vmem>>, vector<16xi32>,
    %get3A_426 = vector.shape_cast %get3A_425 : vector<16xi32> to vector<16xi32>
    %add3A_427 = vector.broadcast %mul3A_329 : i32 to vector<16xi32>
    %add3A_428 = arith.addi %get3A_426, %add3A_427 : vector<16xi32>
    %swap3A_429 = arith.constant 32 : index
    %swap3A_430 = tpu.vector_load %arg10[%swap3A_429] {strides = array<i32>} : memref<128xi32, #tpu.memory_space<vmem>>, vector<16xi32>,
    %swap3A_431 = vector.shape_cast %swap3A_430 : vector<16xi32> to vector<16xi32>
    %swap3A_432 = vector.shape_cast %add3A_428 : vector<16xi32> to vector<16xi32>
    tpu.vector_store %arg10[%swap3A_429], %swap3A_432 {strides = array<i32>} : memref<128xi32, #tpu.memory_space<vmem>>, vector<16xi32>,
    %get3A_433 = arith.constant 48 : index
    %get3A_434 = tpu.vector_load %arg9[%get3A_433] {strides = array<i32>} : memref<128xi32, #tpu.memory_space<vmem>>, vector<16xi32>,
    %get3A_435 = vector.shape_cast %get3A_434 : vector<16xi32> to vector<16xi32>
    %add3A_436 = vector.broadcast %mul3A_329 : i32 to vector<16xi32>
    %add3A_437 = arith.addi %get3A_435, %add3A_436 : vector<16xi32>
    %swap3A_438 = arith.constant 48 : index
    %swap3A_439 = tpu.vector_load %arg10[%swap3A_438] {strides = array<i32>} : memref<128xi32, #tpu.memory_space<vmem>>, vector<16xi32>,
    %swap3A_440 = vector.shape_cast %swap3A_439 : vector<16xi32> to vector<16xi32>
    %swap3A_441 = vector.shape_cast %add3A_437 : vector<16xi32> to vector<16xi32>
    tpu.vector_store %arg10[%swap3A_438], %swap3A_441 {strides = array<i32>} : memref<128xi32, #tpu.memory_space<vmem>>, vector<16xi32>,
    %get3A_442 = arith.constant 64 : index
    %get3A_443 = tpu.vector_load %arg9[%get3A_442] {strides = array<i32>} : memref<128xi32, #tpu.memory_space<vmem>>, vector<16xi32>,
    %get3A_444 = vector.shape_cast %get3A_443 : vector<16xi32> to vector<16xi32>
    %add3A_445 = vector.broadcast %mul3A_329 : i32 to vector<16xi32>
    %add3A_446 = arith.addi %get3A_444, %add3A_445 : vector<16xi32>
    %swap3A_447 = arith.constant 64 : index
    %swap3A_448 = tpu.vector_load %arg10[%swap3A_447] {strides = array<i32>} : memref<128xi32, #tpu.memory_space<vmem>>, vector<16xi32>,
    %swap3A_449 = vector.shape_cast %swap3A_448 : vector<16xi32> to vector<16xi32>
    %swap3A_450 = vector.shape_cast %add3A_446 : vector<16xi32> to vector<16xi32>
    tpu.vector_store %arg10[%swap3A_447], %swap3A_450 {strides = array<i32>} : memref<128xi32, #tpu.memory_space<vmem>>, vector<16xi32>,
    %get3A_451 = arith.constant 80 : index
    %get3A_452 = tpu.vector_load %arg9[%get3A_451] {strides = array<i32>} : memref<128xi32, #tpu.memory_space<vmem>>, vector<16xi32>,
    %get3A_453 = vector.shape_cast %get3A_452 : vector<16xi32> to vector<16xi32>
    %add3A_454 = vector.broadcast %mul3A_329 : i32 to vector<16xi32>
    %add3A_455 = arith.addi %get3A_453, %add3A_454 : vector<16xi32>
    %swap3A_456 = arith.constant 80 : index
    %swap3A_457 = tpu.vector_load %arg10[%swap3A_456] {strides = array<i32>} : memref<128xi32, #tpu.memory_space<vmem>>, vector<16xi32>,
    %swap3A_458 = vector.shape_cast %swap3A_457 : vector<16xi32> to vector<16xi32>
    %swap3A_459 = vector.shape_cast %add3A_455 : vector<16xi32> to vector<16xi32>
    tpu.vector_store %arg10[%swap3A_456], %swap3A_459 {strides = array<i32>} : memref<128xi32, #tpu.memory_space<vmem>>, vector<16xi32>,
    %get3A_460 = arith.constant 96 : index
    %get3A_461 = tpu.vector_load %arg9[%get3A_460] {strides = array<i32>} : memref<128xi32, #tpu.memory_space<vmem>>, vector<16xi32>,
    %get3A_462 = vector.shape_cast %get3A_461 : vector<16xi32> to vector<16xi32>
    %add3A_463 = vector.broadcast %mul3A_329 : i32 to vector<16xi32>
    %add3A_464 = arith.addi %get3A_462, %add3A_463 : vector<16xi32>
    %swap3A_465 = arith.constant 96 : index
    %swap3A_466 = tpu.vector_load %arg10[%swap3A_465] {strides = array<i32>} : memref<128xi32, #tpu.memory_space<vmem>>, vector<16xi32>,
    %swap3A_467 = vector.shape_cast %swap3A_466 : vector<16xi32> to vector<16xi32>
    %swap3A_468 = vector.shape_cast %add3A_464 : vector<16xi32> to vector<16xi32>
    tpu.vector_store %arg10[%swap3A_465], %swap3A_468 {strides = array<i32>} : memref<128xi32, #tpu.memory_space<vmem>>, vector<16xi32>,
    %get3A_469 = arith.constant 112 : index
    %get3A_470 = tpu.vector_load %arg9[%get3A_469] {strides = array<i32>} : memref<128xi32, #tpu.memory_space<vmem>>, vector<16xi32>,
    %get3A_471 = vector.shape_cast %get3A_470 : vector<16xi32> to vector<16xi32>
    %add3A_472 = vector.broadcast %mul3A_329 : i32 to vector<16xi32>
    %add3A_473 = arith.addi %get3A_471, %add3A_472 : vector<16xi32>
    %swap3A_474 = arith.constant 112 : index
    %swap3A_475 = tpu.vector_load %arg10[%swap3A_474] {strides = array<i32>} : memref<128xi32, #tpu.memory_space<vmem>>, vector<16xi32>,
    %swap3A_476 = vector.shape_cast %swap3A_475 : vector<16xi32> to vector<16xi32>
    %swap3A_477 = vector.shape_cast %add3A_473 : vector<16xi32> to vector<16xi32>
    tpu.vector_store %arg10[%swap3A_474], %swap3A_477 {strides = array<i32>} : memref<128xi32, #tpu.memory_space<vmem>>, vector<16xi32>,
    %dma_start3A_478 = arith.constant 0 : i32
    %dma_start3A_479 = tpu.memref_slice %arg2[%dma_start3A_478] : memref<12800000xf32, #tpu.memory_space<hbm>> -> memref<12800000xf32, #tpu.memory_space<hbm>>
    tpu.enqueue_indirect_dma source(%dma_start3A_479 : memref<12800000xf32, #tpu.memory_space<hbm>>) target(%arg12 : memref<128xf32, #tpu.memory_space<vmem>>) offsets(%arg10 : memref<128xi32, #tpu.memory_space<vmem>>) semaphore(%arg17 : memref<!tpu.dma_semaphore, #tpu.memory_space<semaphore_mem>>)
    %dma_wait3A_480 = arith.constant 0 : i32
    %dma_wait3A_481 = tpu.memref_slice %arg2[%dma_wait3A_480] : memref<12800000xf32, #tpu.memory_space<hbm>> -> memref<12800000xf32, #tpu.memory_space<hbm>>
    tpu.wait_indirect_dma semaphore(%arg17 : memref<!tpu.dma_semaphore, #tpu.memory_space<semaphore_mem>>) src(%dma_wait3A_481 : memref<12800000xf32, #tpu.memory_space<hbm>>) dst(%arg12 : memref<128xf32, #tpu.memory_space<vmem>>)
    %get3A_482 = arith.constant 0 : index
    %get3A_483 = tpu.vector_load %arg13[%get3A_482] {strides = array<i32>} : memref<128xf32, #tpu.memory_space<vmem>>, vector<16xf32>,
    %get3A_484 = vector.shape_cast %get3A_483 : vector<16xf32> to vector<16xf32>
    %get3A_485 = arith.constant 0 : index
    %get3A_486 = tpu.vector_load %arg11[%get3A_485] {strides = array<i32>} : memref<128xf32, #tpu.memory_space<vmem>>, vector<16xf32>,
    %get3A_487 = vector.shape_cast %get3A_486 : vector<16xf32> to vector<16xf32>
    %get3A_488 = arith.constant 0 : index
    %get3A_489 = tpu.vector_load %arg12[%get3A_488] {strides = array<i32>} : memref<128xf32, #tpu.memory_space<vmem>>, vector<16xf32>,
    %get3A_490 = vector.shape_cast %get3A_489 : vector<16xf32> to vector<16xf32>
    %mul3A_491 = arith.mulf %get3A_487, %get3A_490 : vector<16xf32>
    %add3A_492 = arith.addf %get3A_484, %mul3A_491 : vector<16xf32>
    %swap3A_493 = arith.constant 0 : index
    %swap3A_494 = tpu.vector_load %arg13[%swap3A_493] {strides = array<i32>} : memref<128xf32, #tpu.memory_space<vmem>>, vector<16xf32>,
    %swap3A_495 = vector.shape_cast %swap3A_494 : vector<16xf32> to vector<16xf32>
    %swap3A_496 = vector.shape_cast %add3A_492 : vector<16xf32> to vector<16xf32>
    tpu.vector_store %arg13[%swap3A_493], %swap3A_496 {strides = array<i32>} : memref<128xf32, #tpu.memory_space<vmem>>, vector<16xf32>,
    %get3A_497 = arith.constant 16 : index
    %get3A_498 = tpu.vector_load %arg13[%get3A_497] {strides = array<i32>} : memref<128xf32, #tpu.memory_space<vmem>>, vector<16xf32>,
    %get3A_499 = vector.shape_cast %get3A_498 : vector<16xf32> to vector<16xf32>
    %get3A_500 = arith.constant 16 : index
    %get3A_501 = tpu.vector_load %arg11[%get3A_500] {strides = array<i32>} : memref<128xf32, #tpu.memory_space<vmem>>, vector<16xf32>,
    %get3A_502 = vector.shape_cast %get3A_501 : vector<16xf32> to vector<16xf32>
    %get3A_503 = arith.constant 16 : index
    %get3A_504 = tpu.vector_load %arg12[%get3A_503] {strides = array<i32>} : memref<128xf32, #tpu.memory_space<vmem>>, vector<16xf32>,
    %get3A_505 = vector.shape_cast %get3A_504 : vector<16xf32> to vector<16xf32>
    %mul3A_506 = arith.mulf %get3A_502, %get3A_505 : vector<16xf32>
    %add3A_507 = arith.addf %get3A_499, %mul3A_506 : vector<16xf32>
    %swap3A_508 = arith.constant 16 : index
    %swap3A_509 = tpu.vector_load %arg13[%swap3A_508] {strides = array<i32>} : memref<128xf32, #tpu.memory_space<vmem>>, vector<16xf32>,
    %swap3A_510 = vector.shape_cast %swap3A_509 : vector<16xf32> to vector<16xf32>
    %swap3A_511 = vector.shape_cast %add3A_507 : vector<16xf32> to vector<16xf32>
    tpu.vector_store %arg13[%swap3A_508], %swap3A_511 {strides = array<i32>} : memref<128xf32, #tpu.memory_space<vmem>>, vector<16xf32>,
    %get3A_512 = arith.constant 32 : index
    %get3A_513 = tpu.vector_load %arg13[%get3A_512] {strides = array<i32>} : memref<128xf32, #tpu.memory_space<vmem>>, vector<16xf32>,
    %get3A_514 = vector.shape_cast %get3A_513 : vector<16xf32> to vector<16xf32>
    %get3A_515 = arith.constant 32 : index
    %get3A_516 = tpu.vector_load %arg11[%get3A_515] {strides = array<i32>} : memref<128xf32, #tpu.memory_space<vmem>>, vector<16xf32>,
    %get3A_517 = vector.shape_cast %get3A_516 : vector<16xf32> to vector<16xf32>
    %get3A_518 = arith.constant 32 : index
    %get3A_519 = tpu.vector_load %arg12[%get3A_518] {strides = array<i32>} : memref<128xf32, #tpu.memory_space<vmem>>, vector<16xf32>,
    %get3A_520 = vector.shape_cast %get3A_519 : vector<16xf32> to vector<16xf32>
    %mul3A_521 = arith.mulf %get3A_517, %get3A_520 : vector<16xf32>
    %add3A_522 = arith.addf %get3A_514, %mul3A_521 : vector<16xf32>
    %swap3A_523 = arith.constant 32 : index
    %swap3A_524 = tpu.vector_load %arg13[%swap3A_523] {strides = array<i32>} : memref<128xf32, #tpu.memory_space<vmem>>, vector<16xf32>,
    %swap3A_525 = vector.shape_cast %swap3A_524 : vector<16xf32> to vector<16xf32>
    %swap3A_526 = vector.shape_cast %add3A_522 : vector<16xf32> to vector<16xf32>
    tpu.vector_store %arg13[%swap3A_523], %swap3A_526 {strides = array<i32>} : memref<128xf32, #tpu.memory_space<vmem>>, vector<16xf32>,
    %get3A_527 = arith.constant 48 : index
    %get3A_528 = tpu.vector_load %arg13[%get3A_527] {strides = array<i32>} : memref<128xf32, #tpu.memory_space<vmem>>, vector<16xf32>,
    %get3A_529 = vector.shape_cast %get3A_528 : vector<16xf32> to vector<16xf32>
    %get3A_530 = arith.constant 48 : index
    %get3A_531 = tpu.vector_load %arg11[%get3A_530] {strides = array<i32>} : memref<128xf32, #tpu.memory_space<vmem>>, vector<16xf32>,
    %get3A_532 = vector.shape_cast %get3A_531 : vector<16xf32> to vector<16xf32>
    %get3A_533 = arith.constant 48 : index
    %get3A_534 = tpu.vector_load %arg12[%get3A_533] {strides = array<i32>} : memref<128xf32, #tpu.memory_space<vmem>>, vector<16xf32>,
    %get3A_535 = vector.shape_cast %get3A_534 : vector<16xf32> to vector<16xf32>
    %mul3A_536 = arith.mulf %get3A_532, %get3A_535 : vector<16xf32>
    %add3A_537 = arith.addf %get3A_529, %mul3A_536 : vector<16xf32>
    %swap3A_538 = arith.constant 48 : index
    %swap3A_539 = tpu.vector_load %arg13[%swap3A_538] {strides = array<i32>} : memref<128xf32, #tpu.memory_space<vmem>>, vector<16xf32>,
    %swap3A_540 = vector.shape_cast %swap3A_539 : vector<16xf32> to vector<16xf32>
    %swap3A_541 = vector.shape_cast %add3A_537 : vector<16xf32> to vector<16xf32>
    tpu.vector_store %arg13[%swap3A_538], %swap3A_541 {strides = array<i32>} : memref<128xf32, #tpu.memory_space<vmem>>, vector<16xf32>,
    %get3A_542 = arith.constant 64 : index
    %get3A_543 = tpu.vector_load %arg13[%get3A_542] {strides = array<i32>} : memref<128xf32, #tpu.memory_space<vmem>>, vector<16xf32>,
    %get3A_544 = vector.shape_cast %get3A_543 : vector<16xf32> to vector<16xf32>
    %get3A_545 = arith.constant 64 : index
    %get3A_546 = tpu.vector_load %arg11[%get3A_545] {strides = array<i32>} : memref<128xf32, #tpu.memory_space<vmem>>, vector<16xf32>,
    %get3A_547 = vector.shape_cast %get3A_546 : vector<16xf32> to vector<16xf32>
    %get3A_548 = arith.constant 64 : index
    %get3A_549 = tpu.vector_load %arg12[%get3A_548] {strides = array<i32>} : memref<128xf32, #tpu.memory_space<vmem>>, vector<16xf32>,
    %get3A_550 = vector.shape_cast %get3A_549 : vector<16xf32> to vector<16xf32>
    %mul3A_551 = arith.mulf %get3A_547, %get3A_550 : vector<16xf32>
    %add3A_552 = arith.addf %get3A_544, %mul3A_551 : vector<16xf32>
    %swap3A_553 = arith.constant 64 : index
    %swap3A_554 = tpu.vector_load %arg13[%swap3A_553] {strides = array<i32>} : memref<128xf32, #tpu.memory_space<vmem>>, vector<16xf32>,
    %swap3A_555 = vector.shape_cast %swap3A_554 : vector<16xf32> to vector<16xf32>
    %swap3A_556 = vector.shape_cast %add3A_552 : vector<16xf32> to vector<16xf32>
    tpu.vector_store %arg13[%swap3A_553], %swap3A_556 {strides = array<i32>} : memref<128xf32, #tpu.memory_space<vmem>>, vector<16xf32>,
    %get3A_557 = arith.constant 80 : index
    %get3A_558 = tpu.vector_load %arg13[%get3A_557] {strides = array<i32>} : memref<128xf32, #tpu.memory_space<vmem>>, vector<16xf32>,
    %get3A_559 = vector.shape_cast %get3A_558 : vector<16xf32> to vector<16xf32>
    %get3A_560 = arith.constant 80 : index
    %get3A_561 = tpu.vector_load %arg11[%get3A_560] {strides = array<i32>} : memref<128xf32, #tpu.memory_space<vmem>>, vector<16xf32>,
    %get3A_562 = vector.shape_cast %get3A_561 : vector<16xf32> to vector<16xf32>
    %get3A_563 = arith.constant 80 : index
    %get3A_564 = tpu.vector_load %arg12[%get3A_563] {strides = array<i32>} : memref<128xf32, #tpu.memory_space<vmem>>, vector<16xf32>,
    %get3A_565 = vector.shape_cast %get3A_564 : vector<16xf32> to vector<16xf32>
    %mul3A_566 = arith.mulf %get3A_562, %get3A_565 : vector<16xf32>
    %add3A_567 = arith.addf %get3A_559, %mul3A_566 : vector<16xf32>
    %swap3A_568 = arith.constant 80 : index
    %swap3A_569 = tpu.vector_load %arg13[%swap3A_568] {strides = array<i32>} : memref<128xf32, #tpu.memory_space<vmem>>, vector<16xf32>,
    %swap3A_570 = vector.shape_cast %swap3A_569 : vector<16xf32> to vector<16xf32>
    %swap3A_571 = vector.shape_cast %add3A_567 : vector<16xf32> to vector<16xf32>
    tpu.vector_store %arg13[%swap3A_568], %swap3A_571 {strides = array<i32>} : memref<128xf32, #tpu.memory_space<vmem>>, vector<16xf32>,
    %get3A_572 = arith.constant 96 : index
    %get3A_573 = tpu.vector_load %arg13[%get3A_572] {strides = array<i32>} : memref<128xf32, #tpu.memory_space<vmem>>, vector<16xf32>,
    %get3A_574 = vector.shape_cast %get3A_573 : vector<16xf32> to vector<16xf32>
    %get3A_575 = arith.constant 96 : index
    %get3A_576 = tpu.vector_load %arg11[%get3A_575] {strides = array<i32>} : memref<128xf32, #tpu.memory_space<vmem>>, vector<16xf32>,
    %get3A_577 = vector.shape_cast %get3A_576 : vector<16xf32> to vector<16xf32>
    %get3A_578 = arith.constant 96 : index
    %get3A_579 = tpu.vector_load %arg12[%get3A_578] {strides = array<i32>} : memref<128xf32, #tpu.memory_space<vmem>>, vector<16xf32>,
    %get3A_580 = vector.shape_cast %get3A_579 : vector<16xf32> to vector<16xf32>
    %mul3A_581 = arith.mulf %get3A_577, %get3A_580 : vector<16xf32>
    %add3A_582 = arith.addf %get3A_574, %mul3A_581 : vector<16xf32>
    %swap3A_583 = arith.constant 96 : index
    %swap3A_584 = tpu.vector_load %arg13[%swap3A_583] {strides = array<i32>} : memref<128xf32, #tpu.memory_space<vmem>>, vector<16xf32>,
    %swap3A_585 = vector.shape_cast %swap3A_584 : vector<16xf32> to vector<16xf32>
    %swap3A_586 = vector.shape_cast %add3A_582 : vector<16xf32> to vector<16xf32>
    tpu.vector_store %arg13[%swap3A_583], %swap3A_586 {strides = array<i32>} : memref<128xf32, #tpu.memory_space<vmem>>, vector<16xf32>,
    %get3A_587 = arith.constant 112 : index
    %get3A_588 = tpu.vector_load %arg13[%get3A_587] {strides = array<i32>} : memref<128xf32, #tpu.memory_space<vmem>>, vector<16xf32>,
    %get3A_589 = vector.shape_cast %get3A_588 : vector<16xf32> to vector<16xf32>
    %get3A_590 = arith.constant 112 : index
    %get3A_591 = tpu.vector_load %arg11[%get3A_590] {strides = array<i32>} : memref<128xf32, #tpu.memory_space<vmem>>, vector<16xf32>,
    %get3A_592 = vector.shape_cast %get3A_591 : vector<16xf32> to vector<16xf32>
    %get3A_593 = arith.constant 112 : index
    %get3A_594 = tpu.vector_load %arg12[%get3A_593] {strides = array<i32>} : memref<128xf32, #tpu.memory_space<vmem>>, vector<16xf32>,
    %get3A_595 = vector.shape_cast %get3A_594 : vector<16xf32> to vector<16xf32>
    %mul3A_596 = arith.mulf %get3A_592, %get3A_595 : vector<16xf32>
    %add3A_597 = arith.addf %get3A_589, %mul3A_596 : vector<16xf32>
    %swap3A_598 = arith.constant 112 : index
    %swap3A_599 = tpu.vector_load %arg13[%swap3A_598] {strides = array<i32>} : memref<128xf32, #tpu.memory_space<vmem>>, vector<16xf32>,
    %swap3A_600 = vector.shape_cast %swap3A_599 : vector<16xf32> to vector<16xf32>
    %swap3A_601 = vector.shape_cast %add3A_597 : vector<16xf32> to vector<16xf32>
    tpu.vector_store %arg13[%swap3A_598], %swap3A_601 {strides = array<i32>} : memref<128xf32, #tpu.memory_space<vmem>>, vector<16xf32>,
    %mul3A_602 = arith.constant 4 : i32
    %mul3A_603 = arith.muli %add3A, %mul3A_602 : i32
    %add3A_604 = arith.constant 2 : i32
    %add3A_605 = arith.addi %mul3A_603, %add3A_604 : i32
    %mul3A_606 = arith.constant 100000 : i32
    %mul3A_607 = arith.muli %add3A_605, %mul3A_606 : i32
    %get3A_608 = arith.constant 0 : index
    %get3A_609 = tpu.vector_load %arg8[%get3A_608] {strides = array<i32>} : memref<128xi32, #tpu.memory_space<vmem>>, vector<16xi32>,
    %get3A_610 = vector.shape_cast %get3A_609 : vector<16xi32> to vector<16xi32>
    %add3A_611 = vector.broadcast %mul3A_607 : i32 to vector<16xi32>
    %add3A_612 = arith.addi %get3A_610, %add3A_611 : vector<16xi32>
    %swap3A_613 = arith.constant 0 : index
    %swap3A_614 = tpu.vector_load %arg10[%swap3A_613] {strides = array<i32>} : memref<128xi32, #tpu.memory_space<vmem>>, vector<16xi32>,
    %swap3A_615 = vector.shape_cast %swap3A_614 : vector<16xi32> to vector<16xi32>
    %swap3A_616 = vector.shape_cast %add3A_612 : vector<16xi32> to vector<16xi32>
    tpu.vector_store %arg10[%swap3A_613], %swap3A_616 {strides = array<i32>} : memref<128xi32, #tpu.memory_space<vmem>>, vector<16xi32>,
    %get3A_617 = arith.constant 16 : index
    %get3A_618 = tpu.vector_load %arg8[%get3A_617] {strides = array<i32>} : memref<128xi32, #tpu.memory_space<vmem>>, vector<16xi32>,
    %get3A_619 = vector.shape_cast %get3A_618 : vector<16xi32> to vector<16xi32>
    %add3A_620 = vector.broadcast %mul3A_607 : i32 to vector<16xi32>
    %add3A_621 = arith.addi %get3A_619, %add3A_620 : vector<16xi32>
    %swap3A_622 = arith.constant 16 : index
    %swap3A_623 = tpu.vector_load %arg10[%swap3A_622] {strides = array<i32>} : memref<128xi32, #tpu.memory_space<vmem>>, vector<16xi32>,
    %swap3A_624 = vector.shape_cast %swap3A_623 : vector<16xi32> to vector<16xi32>
    %swap3A_625 = vector.shape_cast %add3A_621 : vector<16xi32> to vector<16xi32>
    tpu.vector_store %arg10[%swap3A_622], %swap3A_625 {strides = array<i32>} : memref<128xi32, #tpu.memory_space<vmem>>, vector<16xi32>,
    %get3A_626 = arith.constant 32 : index
    %get3A_627 = tpu.vector_load %arg8[%get3A_626] {strides = array<i32>} : memref<128xi32, #tpu.memory_space<vmem>>, vector<16xi32>,
    %get3A_628 = vector.shape_cast %get3A_627 : vector<16xi32> to vector<16xi32>
    %add3A_629 = vector.broadcast %mul3A_607 : i32 to vector<16xi32>
    %add3A_630 = arith.addi %get3A_628, %add3A_629 : vector<16xi32>
    %swap3A_631 = arith.constant 32 : index
    %swap3A_632 = tpu.vector_load %arg10[%swap3A_631] {strides = array<i32>} : memref<128xi32, #tpu.memory_space<vmem>>, vector<16xi32>,
    %swap3A_633 = vector.shape_cast %swap3A_632 : vector<16xi32> to vector<16xi32>
    %swap3A_634 = vector.shape_cast %add3A_630 : vector<16xi32> to vector<16xi32>
    tpu.vector_store %arg10[%swap3A_631], %swap3A_634 {strides = array<i32>} : memref<128xi32, #tpu.memory_space<vmem>>, vector<16xi32>,
    %get3A_635 = arith.constant 48 : index
    %get3A_636 = tpu.vector_load %arg8[%get3A_635] {strides = array<i32>} : memref<128xi32, #tpu.memory_space<vmem>>, vector<16xi32>,
    %get3A_637 = vector.shape_cast %get3A_636 : vector<16xi32> to vector<16xi32>
    %add3A_638 = vector.broadcast %mul3A_607 : i32 to vector<16xi32>
    %add3A_639 = arith.addi %get3A_637, %add3A_638 : vector<16xi32>
    %swap3A_640 = arith.constant 48 : index
    %swap3A_641 = tpu.vector_load %arg10[%swap3A_640] {strides = array<i32>} : memref<128xi32, #tpu.memory_space<vmem>>, vector<16xi32>,
    %swap3A_642 = vector.shape_cast %swap3A_641 : vector<16xi32> to vector<16xi32>
    %swap3A_643 = vector.shape_cast %add3A_639 : vector<16xi32> to vector<16xi32>
    tpu.vector_store %arg10[%swap3A_640], %swap3A_643 {strides = array<i32>} : memref<128xi32, #tpu.memory_space<vmem>>, vector<16xi32>,
    %get3A_644 = arith.constant 64 : index
    %get3A_645 = tpu.vector_load %arg8[%get3A_644] {strides = array<i32>} : memref<128xi32, #tpu.memory_space<vmem>>, vector<16xi32>,
    %get3A_646 = vector.shape_cast %get3A_645 : vector<16xi32> to vector<16xi32>
    %add3A_647 = vector.broadcast %mul3A_607 : i32 to vector<16xi32>
    %add3A_648 = arith.addi %get3A_646, %add3A_647 : vector<16xi32>
    %swap3A_649 = arith.constant 64 : index
    %swap3A_650 = tpu.vector_load %arg10[%swap3A_649] {strides = array<i32>} : memref<128xi32, #tpu.memory_space<vmem>>, vector<16xi32>,
    %swap3A_651 = vector.shape_cast %swap3A_650 : vector<16xi32> to vector<16xi32>
    %swap3A_652 = vector.shape_cast %add3A_648 : vector<16xi32> to vector<16xi32>
    tpu.vector_store %arg10[%swap3A_649], %swap3A_652 {strides = array<i32>} : memref<128xi32, #tpu.memory_space<vmem>>, vector<16xi32>,
    %get3A_653 = arith.constant 80 : index
    %get3A_654 = tpu.vector_load %arg8[%get3A_653] {strides = array<i32>} : memref<128xi32, #tpu.memory_space<vmem>>, vector<16xi32>,
    %get3A_655 = vector.shape_cast %get3A_654 : vector<16xi32> to vector<16xi32>
    %add3A_656 = vector.broadcast %mul3A_607 : i32 to vector<16xi32>
    %add3A_657 = arith.addi %get3A_655, %add3A_656 : vector<16xi32>
    %swap3A_658 = arith.constant 80 : index
    %swap3A_659 = tpu.vector_load %arg10[%swap3A_658] {strides = array<i32>} : memref<128xi32, #tpu.memory_space<vmem>>, vector<16xi32>,
    %swap3A_660 = vector.shape_cast %swap3A_659 : vector<16xi32> to vector<16xi32>
    %swap3A_661 = vector.shape_cast %add3A_657 : vector<16xi32> to vector<16xi32>
    tpu.vector_store %arg10[%swap3A_658], %swap3A_661 {strides = array<i32>} : memref<128xi32, #tpu.memory_space<vmem>>, vector<16xi32>,
    %get3A_662 = arith.constant 96 : index
    %get3A_663 = tpu.vector_load %arg8[%get3A_662] {strides = array<i32>} : memref<128xi32, #tpu.memory_space<vmem>>, vector<16xi32>,
    %get3A_664 = vector.shape_cast %get3A_663 : vector<16xi32> to vector<16xi32>
    %add3A_665 = vector.broadcast %mul3A_607 : i32 to vector<16xi32>
    %add3A_666 = arith.addi %get3A_664, %add3A_665 : vector<16xi32>
    %swap3A_667 = arith.constant 96 : index
    %swap3A_668 = tpu.vector_load %arg10[%swap3A_667] {strides = array<i32>} : memref<128xi32, #tpu.memory_space<vmem>>, vector<16xi32>,
    %swap3A_669 = vector.shape_cast %swap3A_668 : vector<16xi32> to vector<16xi32>
    %swap3A_670 = vector.shape_cast %add3A_666 : vector<16xi32> to vector<16xi32>
    tpu.vector_store %arg10[%swap3A_667], %swap3A_670 {strides = array<i32>} : memref<128xi32, #tpu.memory_space<vmem>>, vector<16xi32>,
    %get3A_671 = arith.constant 112 : index
    %get3A_672 = tpu.vector_load %arg8[%get3A_671] {strides = array<i32>} : memref<128xi32, #tpu.memory_space<vmem>>, vector<16xi32>,
    %get3A_673 = vector.shape_cast %get3A_672 : vector<16xi32> to vector<16xi32>
    %add3A_674 = vector.broadcast %mul3A_607 : i32 to vector<16xi32>
    %add3A_675 = arith.addi %get3A_673, %add3A_674 : vector<16xi32>
    %swap3A_676 = arith.constant 112 : index
    %swap3A_677 = tpu.vector_load %arg10[%swap3A_676] {strides = array<i32>} : memref<128xi32, #tpu.memory_space<vmem>>, vector<16xi32>,
    %swap3A_678 = vector.shape_cast %swap3A_677 : vector<16xi32> to vector<16xi32>
    %swap3A_679 = vector.shape_cast %add3A_675 : vector<16xi32> to vector<16xi32>
    tpu.vector_store %arg10[%swap3A_676], %swap3A_679 {strides = array<i32>} : memref<128xi32, #tpu.memory_space<vmem>>, vector<16xi32>,
    %dma_start3A_680 = arith.constant 0 : i32
    %dma_start3A_681 = tpu.memref_slice %arg2[%dma_start3A_680] : memref<12800000xf32, #tpu.memory_space<hbm>> -> memref<12800000xf32, #tpu.memory_space<hbm>>
    tpu.enqueue_indirect_dma source(%dma_start3A_681 : memref<12800000xf32, #tpu.memory_space<hbm>>) target(%arg11 : memref<128xf32, #tpu.memory_space<vmem>>) offsets(%arg10 : memref<128xi32, #tpu.memory_space<vmem>>) semaphore(%arg17 : memref<!tpu.dma_semaphore, #tpu.memory_space<semaphore_mem>>)
    %dma_wait3A_682 = arith.constant 0 : i32
    %dma_wait3A_683 = tpu.memref_slice %arg2[%dma_wait3A_682] : memref<12800000xf32, #tpu.memory_space<hbm>> -> memref<12800000xf32, #tpu.memory_space<hbm>>
    tpu.wait_indirect_dma semaphore(%arg17 : memref<!tpu.dma_semaphore, #tpu.memory_space<semaphore_mem>>) src(%dma_wait3A_683 : memref<12800000xf32, #tpu.memory_space<hbm>>) dst(%arg11 : memref<128xf32, #tpu.memory_space<vmem>>)
    %get3A_684 = arith.constant 0 : index
    %get3A_685 = tpu.vector_load %arg9[%get3A_684] {strides = array<i32>} : memref<128xi32, #tpu.memory_space<vmem>>, vector<16xi32>,
    %get3A_686 = vector.shape_cast %get3A_685 : vector<16xi32> to vector<16xi32>
    %add3A_687 = vector.broadcast %mul3A_607 : i32 to vector<16xi32>
    %add3A_688 = arith.addi %get3A_686, %add3A_687 : vector<16xi32>
    %swap3A_689 = arith.constant 0 : index
    %swap3A_690 = tpu.vector_load %arg10[%swap3A_689] {strides = array<i32>} : memref<128xi32, #tpu.memory_space<vmem>>, vector<16xi32>,
    %swap3A_691 = vector.shape_cast %swap3A_690 : vector<16xi32> to vector<16xi32>
    %swap3A_692 = vector.shape_cast %add3A_688 : vector<16xi32> to vector<16xi32>
    tpu.vector_store %arg10[%swap3A_689], %swap3A_692 {strides = array<i32>} : memref<128xi32, #tpu.memory_space<vmem>>, vector<16xi32>,
    %get3A_693 = arith.constant 16 : index
    %get3A_694 = tpu.vector_load %arg9[%get3A_693] {strides = array<i32>} : memref<128xi32, #tpu.memory_space<vmem>>, vector<16xi32>,
    %get3A_695 = vector.shape_cast %get3A_694 : vector<16xi32> to vector<16xi32>
    %add3A_696 = vector.broadcast %mul3A_607 : i32 to vector<16xi32>
    %add3A_697 = arith.addi %get3A_695, %add3A_696 : vector<16xi32>
    %swap3A_698 = arith.constant 16 : index
    %swap3A_699 = tpu.vector_load %arg10[%swap3A_698] {strides = array<i32>} : memref<128xi32, #tpu.memory_space<vmem>>, vector<16xi32>,
    %swap3A_700 = vector.shape_cast %swap3A_699 : vector<16xi32> to vector<16xi32>
    %swap3A_701 = vector.shape_cast %add3A_697 : vector<16xi32> to vector<16xi32>
    tpu.vector_store %arg10[%swap3A_698], %swap3A_701 {strides = array<i32>} : memref<128xi32, #tpu.memory_space<vmem>>, vector<16xi32>,
    %get3A_702 = arith.constant 32 : index
    %get3A_703 = tpu.vector_load %arg9[%get3A_702] {strides = array<i32>} : memref<128xi32, #tpu.memory_space<vmem>>, vector<16xi32>,
    %get3A_704 = vector.shape_cast %get3A_703 : vector<16xi32> to vector<16xi32>
    %add3A_705 = vector.broadcast %mul3A_607 : i32 to vector<16xi32>
    %add3A_706 = arith.addi %get3A_704, %add3A_705 : vector<16xi32>
    %swap3A_707 = arith.constant 32 : index
    %swap3A_708 = tpu.vector_load %arg10[%swap3A_707] {strides = array<i32>} : memref<128xi32, #tpu.memory_space<vmem>>, vector<16xi32>,
    %swap3A_709 = vector.shape_cast %swap3A_708 : vector<16xi32> to vector<16xi32>
    %swap3A_710 = vector.shape_cast %add3A_706 : vector<16xi32> to vector<16xi32>
    tpu.vector_store %arg10[%swap3A_707], %swap3A_710 {strides = array<i32>} : memref<128xi32, #tpu.memory_space<vmem>>, vector<16xi32>,
    %get3A_711 = arith.constant 48 : index
    %get3A_712 = tpu.vector_load %arg9[%get3A_711] {strides = array<i32>} : memref<128xi32, #tpu.memory_space<vmem>>, vector<16xi32>,
    %get3A_713 = vector.shape_cast %get3A_712 : vector<16xi32> to vector<16xi32>
    %add3A_714 = vector.broadcast %mul3A_607 : i32 to vector<16xi32>
    %add3A_715 = arith.addi %get3A_713, %add3A_714 : vector<16xi32>
    %swap3A_716 = arith.constant 48 : index
    %swap3A_717 = tpu.vector_load %arg10[%swap3A_716] {strides = array<i32>} : memref<128xi32, #tpu.memory_space<vmem>>, vector<16xi32>,
    %swap3A_718 = vector.shape_cast %swap3A_717 : vector<16xi32> to vector<16xi32>
    %swap3A_719 = vector.shape_cast %add3A_715 : vector<16xi32> to vector<16xi32>
    tpu.vector_store %arg10[%swap3A_716], %swap3A_719 {strides = array<i32>} : memref<128xi32, #tpu.memory_space<vmem>>, vector<16xi32>,
    %get3A_720 = arith.constant 64 : index
    %get3A_721 = tpu.vector_load %arg9[%get3A_720] {strides = array<i32>} : memref<128xi32, #tpu.memory_space<vmem>>, vector<16xi32>,
    %get3A_722 = vector.shape_cast %get3A_721 : vector<16xi32> to vector<16xi32>
    %add3A_723 = vector.broadcast %mul3A_607 : i32 to vector<16xi32>
    %add3A_724 = arith.addi %get3A_722, %add3A_723 : vector<16xi32>
    %swap3A_725 = arith.constant 64 : index
    %swap3A_726 = tpu.vector_load %arg10[%swap3A_725] {strides = array<i32>} : memref<128xi32, #tpu.memory_space<vmem>>, vector<16xi32>,
    %swap3A_727 = vector.shape_cast %swap3A_726 : vector<16xi32> to vector<16xi32>
    %swap3A_728 = vector.shape_cast %add3A_724 : vector<16xi32> to vector<16xi32>
    tpu.vector_store %arg10[%swap3A_725], %swap3A_728 {strides = array<i32>} : memref<128xi32, #tpu.memory_space<vmem>>, vector<16xi32>,
    %get3A_729 = arith.constant 80 : index
    %get3A_730 = tpu.vector_load %arg9[%get3A_729] {strides = array<i32>} : memref<128xi32, #tpu.memory_space<vmem>>, vector<16xi32>,
    %get3A_731 = vector.shape_cast %get3A_730 : vector<16xi32> to vector<16xi32>
    %add3A_732 = vector.broadcast %mul3A_607 : i32 to vector<16xi32>
    %add3A_733 = arith.addi %get3A_731, %add3A_732 : vector<16xi32>
    %swap3A_734 = arith.constant 80 : index
    %swap3A_735 = tpu.vector_load %arg10[%swap3A_734] {strides = array<i32>} : memref<128xi32, #tpu.memory_space<vmem>>, vector<16xi32>,
    %swap3A_736 = vector.shape_cast %swap3A_735 : vector<16xi32> to vector<16xi32>
    %swap3A_737 = vector.shape_cast %add3A_733 : vector<16xi32> to vector<16xi32>
    tpu.vector_store %arg10[%swap3A_734], %swap3A_737 {strides = array<i32>} : memref<128xi32, #tpu.memory_space<vmem>>, vector<16xi32>,
    %get3A_738 = arith.constant 96 : index
    %get3A_739 = tpu.vector_load %arg9[%get3A_738] {strides = array<i32>} : memref<128xi32, #tpu.memory_space<vmem>>, vector<16xi32>,
    %get3A_740 = vector.shape_cast %get3A_739 : vector<16xi32> to vector<16xi32>
    %add3A_741 = vector.broadcast %mul3A_607 : i32 to vector<16xi32>
    %add3A_742 = arith.addi %get3A_740, %add3A_741 : vector<16xi32>
    %swap3A_743 = arith.constant 96 : index
    %swap3A_744 = tpu.vector_load %arg10[%swap3A_743] {strides = array<i32>} : memref<128xi32, #tpu.memory_space<vmem>>, vector<16xi32>,
    %swap3A_745 = vector.shape_cast %swap3A_744 : vector<16xi32> to vector<16xi32>
    %swap3A_746 = vector.shape_cast %add3A_742 : vector<16xi32> to vector<16xi32>
    tpu.vector_store %arg10[%swap3A_743], %swap3A_746 {strides = array<i32>} : memref<128xi32, #tpu.memory_space<vmem>>, vector<16xi32>,
    %get3A_747 = arith.constant 112 : index
    %get3A_748 = tpu.vector_load %arg9[%get3A_747] {strides = array<i32>} : memref<128xi32, #tpu.memory_space<vmem>>, vector<16xi32>,
    %get3A_749 = vector.shape_cast %get3A_748 : vector<16xi32> to vector<16xi32>
    %add3A_750 = vector.broadcast %mul3A_607 : i32 to vector<16xi32>
    %add3A_751 = arith.addi %get3A_749, %add3A_750 : vector<16xi32>
    %swap3A_752 = arith.constant 112 : index
    %swap3A_753 = tpu.vector_load %arg10[%swap3A_752] {strides = array<i32>} : memref<128xi32, #tpu.memory_space<vmem>>, vector<16xi32>,
    %swap3A_754 = vector.shape_cast %swap3A_753 : vector<16xi32> to vector<16xi32>
    %swap3A_755 = vector.shape_cast %add3A_751 : vector<16xi32> to vector<16xi32>
    tpu.vector_store %arg10[%swap3A_752], %swap3A_755 {strides = array<i32>} : memref<128xi32, #tpu.memory_space<vmem>>, vector<16xi32>,
    %dma_start3A_756 = arith.constant 0 : i32
    %dma_start3A_757 = tpu.memref_slice %arg2[%dma_start3A_756] : memref<12800000xf32, #tpu.memory_space<hbm>> -> memref<12800000xf32, #tpu.memory_space<hbm>>
    tpu.enqueue_indirect_dma source(%dma_start3A_757 : memref<12800000xf32, #tpu.memory_space<hbm>>) target(%arg12 : memref<128xf32, #tpu.memory_space<vmem>>) offsets(%arg10 : memref<128xi32, #tpu.memory_space<vmem>>) semaphore(%arg17 : memref<!tpu.dma_semaphore, #tpu.memory_space<semaphore_mem>>)
    %dma_wait3A_758 = arith.constant 0 : i32
    %dma_wait3A_759 = tpu.memref_slice %arg2[%dma_wait3A_758] : memref<12800000xf32, #tpu.memory_space<hbm>> -> memref<12800000xf32, #tpu.memory_space<hbm>>
    tpu.wait_indirect_dma semaphore(%arg17 : memref<!tpu.dma_semaphore, #tpu.memory_space<semaphore_mem>>) src(%dma_wait3A_759 : memref<12800000xf32, #tpu.memory_space<hbm>>) dst(%arg12 : memref<128xf32, #tpu.memory_space<vmem>>)
    %get3A_760 = arith.constant 0 : index
    %get3A_761 = tpu.vector_load %arg13[%get3A_760] {strides = array<i32>} : memref<128xf32, #tpu.memory_space<vmem>>, vector<16xf32>,
    %get3A_762 = vector.shape_cast %get3A_761 : vector<16xf32> to vector<16xf32>
    %get3A_763 = arith.constant 0 : index
    %get3A_764 = tpu.vector_load %arg11[%get3A_763] {strides = array<i32>} : memref<128xf32, #tpu.memory_space<vmem>>, vector<16xf32>,
    %get3A_765 = vector.shape_cast %get3A_764 : vector<16xf32> to vector<16xf32>
    %get3A_766 = arith.constant 0 : index
    %get3A_767 = tpu.vector_load %arg12[%get3A_766] {strides = array<i32>} : memref<128xf32, #tpu.memory_space<vmem>>, vector<16xf32>,
    %get3A_768 = vector.shape_cast %get3A_767 : vector<16xf32> to vector<16xf32>
    %mul3A_769 = arith.mulf %get3A_765, %get3A_768 : vector<16xf32>
    %add3A_770 = arith.addf %get3A_762, %mul3A_769 : vector<16xf32>
    %swap3A_771 = arith.constant 0 : index
    %swap3A_772 = tpu.vector_load %arg13[%swap3A_771] {strides = array<i32>} : memref<128xf32, #tpu.memory_space<vmem>>, vector<16xf32>,
    %swap3A_773 = vector.shape_cast %swap3A_772 : vector<16xf32> to vector<16xf32>
    %swap3A_774 = vector.shape_cast %add3A_770 : vector<16xf32> to vector<16xf32>
    tpu.vector_store %arg13[%swap3A_771], %swap3A_774 {strides = array<i32>} : memref<128xf32, #tpu.memory_space<vmem>>, vector<16xf32>,
    %get3A_775 = arith.constant 16 : index
    %get3A_776 = tpu.vector_load %arg13[%get3A_775] {strides = array<i32>} : memref<128xf32, #tpu.memory_space<vmem>>, vector<16xf32>,
    %get3A_777 = vector.shape_cast %get3A_776 : vector<16xf32> to vector<16xf32>
    %get3A_778 = arith.constant 16 : index
    %get3A_779 = tpu.vector_load %arg11[%get3A_778] {strides = array<i32>} : memref<128xf32, #tpu.memory_space<vmem>>, vector<16xf32>,
    %get3A_780 = vector.shape_cast %get3A_779 : vector<16xf32> to vector<16xf32>
    %get3A_781 = arith.constant 16 : index
    %get3A_782 = tpu.vector_load %arg12[%get3A_781] {strides = array<i32>} : memref<128xf32, #tpu.memory_space<vmem>>, vector<16xf32>,
    %get3A_783 = vector.shape_cast %get3A_782 : vector<16xf32> to vector<16xf32>
    %mul3A_784 = arith.mulf %get3A_780, %get3A_783 : vector<16xf32>
    %add3A_785 = arith.addf %get3A_777, %mul3A_784 : vector<16xf32>
    %swap3A_786 = arith.constant 16 : index
    %swap3A_787 = tpu.vector_load %arg13[%swap3A_786] {strides = array<i32>} : memref<128xf32, #tpu.memory_space<vmem>>, vector<16xf32>,
    %swap3A_788 = vector.shape_cast %swap3A_787 : vector<16xf32> to vector<16xf32>
    %swap3A_789 = vector.shape_cast %add3A_785 : vector<16xf32> to vector<16xf32>
    tpu.vector_store %arg13[%swap3A_786], %swap3A_789 {strides = array<i32>} : memref<128xf32, #tpu.memory_space<vmem>>, vector<16xf32>,
    %get3A_790 = arith.constant 32 : index
    %get3A_791 = tpu.vector_load %arg13[%get3A_790] {strides = array<i32>} : memref<128xf32, #tpu.memory_space<vmem>>, vector<16xf32>,
    %get3A_792 = vector.shape_cast %get3A_791 : vector<16xf32> to vector<16xf32>
    %get3A_793 = arith.constant 32 : index
    %get3A_794 = tpu.vector_load %arg11[%get3A_793] {strides = array<i32>} : memref<128xf32, #tpu.memory_space<vmem>>, vector<16xf32>,
    %get3A_795 = vector.shape_cast %get3A_794 : vector<16xf32> to vector<16xf32>
    %get3A_796 = arith.constant 32 : index
    %get3A_797 = tpu.vector_load %arg12[%get3A_796] {strides = array<i32>} : memref<128xf32, #tpu.memory_space<vmem>>, vector<16xf32>,
    %get3A_798 = vector.shape_cast %get3A_797 : vector<16xf32> to vector<16xf32>
    %mul3A_799 = arith.mulf %get3A_795, %get3A_798 : vector<16xf32>
    %add3A_800 = arith.addf %get3A_792, %mul3A_799 : vector<16xf32>
    %swap3A_801 = arith.constant 32 : index
    %swap3A_802 = tpu.vector_load %arg13[%swap3A_801] {strides = array<i32>} : memref<128xf32, #tpu.memory_space<vmem>>, vector<16xf32>,
    %swap3A_803 = vector.shape_cast %swap3A_802 : vector<16xf32> to vector<16xf32>
    %swap3A_804 = vector.shape_cast %add3A_800 : vector<16xf32> to vector<16xf32>
    tpu.vector_store %arg13[%swap3A_801], %swap3A_804 {strides = array<i32>} : memref<128xf32, #tpu.memory_space<vmem>>, vector<16xf32>,
    %get3A_805 = arith.constant 48 : index
    %get3A_806 = tpu.vector_load %arg13[%get3A_805] {strides = array<i32>} : memref<128xf32, #tpu.memory_space<vmem>>, vector<16xf32>,
    %get3A_807 = vector.shape_cast %get3A_806 : vector<16xf32> to vector<16xf32>
    %get3A_808 = arith.constant 48 : index
    %get3A_809 = tpu.vector_load %arg11[%get3A_808] {strides = array<i32>} : memref<128xf32, #tpu.memory_space<vmem>>, vector<16xf32>,
    %get3A_810 = vector.shape_cast %get3A_809 : vector<16xf32> to vector<16xf32>
    %get3A_811 = arith.constant 48 : index
    %get3A_812 = tpu.vector_load %arg12[%get3A_811] {strides = array<i32>} : memref<128xf32, #tpu.memory_space<vmem>>, vector<16xf32>,
    %get3A_813 = vector.shape_cast %get3A_812 : vector<16xf32> to vector<16xf32>
    %mul3A_814 = arith.mulf %get3A_810, %get3A_813 : vector<16xf32>
    %add3A_815 = arith.addf %get3A_807, %mul3A_814 : vector<16xf32>
    %swap3A_816 = arith.constant 48 : index
    %swap3A_817 = tpu.vector_load %arg13[%swap3A_816] {strides = array<i32>} : memref<128xf32, #tpu.memory_space<vmem>>, vector<16xf32>,
    %swap3A_818 = vector.shape_cast %swap3A_817 : vector<16xf32> to vector<16xf32>
    %swap3A_819 = vector.shape_cast %add3A_815 : vector<16xf32> to vector<16xf32>
    tpu.vector_store %arg13[%swap3A_816], %swap3A_819 {strides = array<i32>} : memref<128xf32, #tpu.memory_space<vmem>>, vector<16xf32>,
    %get3A_820 = arith.constant 64 : index
    %get3A_821 = tpu.vector_load %arg13[%get3A_820] {strides = array<i32>} : memref<128xf32, #tpu.memory_space<vmem>>, vector<16xf32>,
    %get3A_822 = vector.shape_cast %get3A_821 : vector<16xf32> to vector<16xf32>
    %get3A_823 = arith.constant 64 : index
    %get3A_824 = tpu.vector_load %arg11[%get3A_823] {strides = array<i32>} : memref<128xf32, #tpu.memory_space<vmem>>, vector<16xf32>,
    %get3A_825 = vector.shape_cast %get3A_824 : vector<16xf32> to vector<16xf32>
    %get3A_826 = arith.constant 64 : index
    %get3A_827 = tpu.vector_load %arg12[%get3A_826] {strides = array<i32>} : memref<128xf32, #tpu.memory_space<vmem>>, vector<16xf32>,
    %get3A_828 = vector.shape_cast %get3A_827 : vector<16xf32> to vector<16xf32>
    %mul3A_829 = arith.mulf %get3A_825, %get3A_828 : vector<16xf32>
    %add3A_830 = arith.addf %get3A_822, %mul3A_829 : vector<16xf32>
    %swap3A_831 = arith.constant 64 : index
    %swap3A_832 = tpu.vector_load %arg13[%swap3A_831] {strides = array<i32>} : memref<128xf32, #tpu.memory_space<vmem>>, vector<16xf32>,
    %swap3A_833 = vector.shape_cast %swap3A_832 : vector<16xf32> to vector<16xf32>
    %swap3A_834 = vector.shape_cast %add3A_830 : vector<16xf32> to vector<16xf32>
    tpu.vector_store %arg13[%swap3A_831], %swap3A_834 {strides = array<i32>} : memref<128xf32, #tpu.memory_space<vmem>>, vector<16xf32>,
    %get3A_835 = arith.constant 80 : index
    %get3A_836 = tpu.vector_load %arg13[%get3A_835] {strides = array<i32>} : memref<128xf32, #tpu.memory_space<vmem>>, vector<16xf32>,
    %get3A_837 = vector.shape_cast %get3A_836 : vector<16xf32> to vector<16xf32>
    %get3A_838 = arith.constant 80 : index
    %get3A_839 = tpu.vector_load %arg11[%get3A_838] {strides = array<i32>} : memref<128xf32, #tpu.memory_space<vmem>>, vector<16xf32>,
    %get3A_840 = vector.shape_cast %get3A_839 : vector<16xf32> to vector<16xf32>
    %get3A_841 = arith.constant 80 : index
    %get3A_842 = tpu.vector_load %arg12[%get3A_841] {strides = array<i32>} : memref<128xf32, #tpu.memory_space<vmem>>, vector<16xf32>,
    %get3A_843 = vector.shape_cast %get3A_842 : vector<16xf32> to vector<16xf32>
    %mul3A_844 = arith.mulf %get3A_840, %get3A_843 : vector<16xf32>
    %add3A_845 = arith.addf %get3A_837, %mul3A_844 : vector<16xf32>
    %swap3A_846 = arith.constant 80 : index
    %swap3A_847 = tpu.vector_load %arg13[%swap3A_846] {strides = array<i32>} : memref<128xf32, #tpu.memory_space<vmem>>, vector<16xf32>,
    %swap3A_848 = vector.shape_cast %swap3A_847 : vector<16xf32> to vector<16xf32>
    %swap3A_849 = vector.shape_cast %add3A_845 : vector<16xf32> to vector<16xf32>
    tpu.vector_store %arg13[%swap3A_846], %swap3A_849 {strides = array<i32>} : memref<128xf32, #tpu.memory_space<vmem>>, vector<16xf32>,
    %get3A_850 = arith.constant 96 : index
    %get3A_851 = tpu.vector_load %arg13[%get3A_850] {strides = array<i32>} : memref<128xf32, #tpu.memory_space<vmem>>, vector<16xf32>,
    %get3A_852 = vector.shape_cast %get3A_851 : vector<16xf32> to vector<16xf32>
    %get3A_853 = arith.constant 96 : index
    %get3A_854 = tpu.vector_load %arg11[%get3A_853] {strides = array<i32>} : memref<128xf32, #tpu.memory_space<vmem>>, vector<16xf32>,
    %get3A_855 = vector.shape_cast %get3A_854 : vector<16xf32> to vector<16xf32>
    %get3A_856 = arith.constant 96 : index
    %get3A_857 = tpu.vector_load %arg12[%get3A_856] {strides = array<i32>} : memref<128xf32, #tpu.memory_space<vmem>>, vector<16xf32>,
    %get3A_858 = vector.shape_cast %get3A_857 : vector<16xf32> to vector<16xf32>
    %mul3A_859 = arith.mulf %get3A_855, %get3A_858 : vector<16xf32>
    %add3A_860 = arith.addf %get3A_852, %mul3A_859 : vector<16xf32>
    %swap3A_861 = arith.constant 96 : index
    %swap3A_862 = tpu.vector_load %arg13[%swap3A_861] {strides = array<i32>} : memref<128xf32, #tpu.memory_space<vmem>>, vector<16xf32>,
    %swap3A_863 = vector.shape_cast %swap3A_862 : vector<16xf32> to vector<16xf32>
    %swap3A_864 = vector.shape_cast %add3A_860 : vector<16xf32> to vector<16xf32>
    tpu.vector_store %arg13[%swap3A_861], %swap3A_864 {strides = array<i32>} : memref<128xf32, #tpu.memory_space<vmem>>, vector<16xf32>,
    %get3A_865 = arith.constant 112 : index
    %get3A_866 = tpu.vector_load %arg13[%get3A_865] {strides = array<i32>} : memref<128xf32, #tpu.memory_space<vmem>>, vector<16xf32>,
    %get3A_867 = vector.shape_cast %get3A_866 : vector<16xf32> to vector<16xf32>
    %get3A_868 = arith.constant 112 : index
    %get3A_869 = tpu.vector_load %arg11[%get3A_868] {strides = array<i32>} : memref<128xf32, #tpu.memory_space<vmem>>, vector<16xf32>,
    %get3A_870 = vector.shape_cast %get3A_869 : vector<16xf32> to vector<16xf32>
    %get3A_871 = arith.constant 112 : index
    %get3A_872 = tpu.vector_load %arg12[%get3A_871] {strides = array<i32>} : memref<128xf32, #tpu.memory_space<vmem>>, vector<16xf32>,
    %get3A_873 = vector.shape_cast %get3A_872 : vector<16xf32> to vector<16xf32>
    %mul3A_874 = arith.mulf %get3A_870, %get3A_873 : vector<16xf32>
    %add3A_875 = arith.addf %get3A_867, %mul3A_874 : vector<16xf32>
    %swap3A_876 = arith.constant 112 : index
    %swap3A_877 = tpu.vector_load %arg13[%swap3A_876] {strides = array<i32>} : memref<128xf32, #tpu.memory_space<vmem>>, vector<16xf32>,
    %swap3A_878 = vector.shape_cast %swap3A_877 : vector<16xf32> to vector<16xf32>
    %swap3A_879 = vector.shape_cast %add3A_875 : vector<16xf32> to vector<16xf32>
    tpu.vector_store %arg13[%swap3A_876], %swap3A_879 {strides = array<i32>} : memref<128xf32, #tpu.memory_space<vmem>>, vector<16xf32>,
    %mul3A_880 = arith.constant 4 : i32
    %mul3A_881 = arith.muli %add3A, %mul3A_880 : i32
    %add3A_882 = arith.constant 3 : i32
    %add3A_883 = arith.addi %mul3A_881, %add3A_882 : i32
    %mul3A_884 = arith.constant 100000 : i32
    %mul3A_885 = arith.muli %add3A_883, %mul3A_884 : i32
    %get3A_886 = arith.constant 0 : index
    %get3A_887 = tpu.vector_load %arg8[%get3A_886] {strides = array<i32>} : memref<128xi32, #tpu.memory_space<vmem>>, vector<16xi32>,
    %get3A_888 = vector.shape_cast %get3A_887 : vector<16xi32> to vector<16xi32>
    %add3A_889 = vector.broadcast %mul3A_885 : i32 to vector<16xi32>
    %add3A_890 = arith.addi %get3A_888, %add3A_889 : vector<16xi32>
    %swap3A_891 = arith.constant 0 : index
    %swap3A_892 = tpu.vector_load %arg10[%swap3A_891] {strides = array<i32>} : memref<128xi32, #tpu.memory_space<vmem>>, vector<16xi32>,
    %swap3A_893 = vector.shape_cast %swap3A_892 : vector<16xi32> to vector<16xi32>
    %swap3A_894 = vector.shape_cast %add3A_890 : vector<16xi32> to vector<16xi32>
    tpu.vector_store %arg10[%swap3A_891], %swap3A_894 {strides = array<i32>} : memref<128xi32, #tpu.memory_space<vmem>>, vector<16xi32>,
    %get3A_895 = arith.constant 16 : index
    %get3A_896 = tpu.vector_load %arg8[%get3A_895] {strides = array<i32>} : memref<128xi32, #tpu.memory_space<vmem>>, vector<16xi32>,
    %get3A_897 = vector.shape_cast %get3A_896 : vector<16xi32> to vector<16xi32>
    %add3A_898 = vector.broadcast %mul3A_885 : i32 to vector<16xi32>
    %add3A_899 = arith.addi %get3A_897, %add3A_898 : vector<16xi32>
    %swap3A_900 = arith.constant 16 : index
    %swap3A_901 = tpu.vector_load %arg10[%swap3A_900] {strides = array<i32>} : memref<128xi32, #tpu.memory_space<vmem>>, vector<16xi32>,
    %swap3A_902 = vector.shape_cast %swap3A_901 : vector<16xi32> to vector<16xi32>
    %swap3A_903 = vector.shape_cast %add3A_899 : vector<16xi32> to vector<16xi32>
    tpu.vector_store %arg10[%swap3A_900], %swap3A_903 {strides = array<i32>} : memref<128xi32, #tpu.memory_space<vmem>>, vector<16xi32>,
    %get3A_904 = arith.constant 32 : index
    %get3A_905 = tpu.vector_load %arg8[%get3A_904] {strides = array<i32>} : memref<128xi32, #tpu.memory_space<vmem>>, vector<16xi32>,
    %get3A_906 = vector.shape_cast %get3A_905 : vector<16xi32> to vector<16xi32>
    %add3A_907 = vector.broadcast %mul3A_885 : i32 to vector<16xi32>
    %add3A_908 = arith.addi %get3A_906, %add3A_907 : vector<16xi32>
    %swap3A_909 = arith.constant 32 : index
    %swap3A_910 = tpu.vector_load %arg10[%swap3A_909] {strides = array<i32>} : memref<128xi32, #tpu.memory_space<vmem>>, vector<16xi32>,
    %swap3A_911 = vector.shape_cast %swap3A_910 : vector<16xi32> to vector<16xi32>
    %swap3A_912 = vector.shape_cast %add3A_908 : vector<16xi32> to vector<16xi32>
    tpu.vector_store %arg10[%swap3A_909], %swap3A_912 {strides = array<i32>} : memref<128xi32, #tpu.memory_space<vmem>>, vector<16xi32>,
    %get3A_913 = arith.constant 48 : index
    %get3A_914 = tpu.vector_load %arg8[%get3A_913] {strides = array<i32>} : memref<128xi32, #tpu.memory_space<vmem>>, vector<16xi32>,
    %get3A_915 = vector.shape_cast %get3A_914 : vector<16xi32> to vector<16xi32>
    %add3A_916 = vector.broadcast %mul3A_885 : i32 to vector<16xi32>
    %add3A_917 = arith.addi %get3A_915, %add3A_916 : vector<16xi32>
    %swap3A_918 = arith.constant 48 : index
    %swap3A_919 = tpu.vector_load %arg10[%swap3A_918] {strides = array<i32>} : memref<128xi32, #tpu.memory_space<vmem>>, vector<16xi32>,
    %swap3A_920 = vector.shape_cast %swap3A_919 : vector<16xi32> to vector<16xi32>
    %swap3A_921 = vector.shape_cast %add3A_917 : vector<16xi32> to vector<16xi32>
    tpu.vector_store %arg10[%swap3A_918], %swap3A_921 {strides = array<i32>} : memref<128xi32, #tpu.memory_space<vmem>>, vector<16xi32>,
    %get3A_922 = arith.constant 64 : index
    %get3A_923 = tpu.vector_load %arg8[%get3A_922] {strides = array<i32>} : memref<128xi32, #tpu.memory_space<vmem>>, vector<16xi32>,
    %get3A_924 = vector.shape_cast %get3A_923 : vector<16xi32> to vector<16xi32>
    %add3A_925 = vector.broadcast %mul3A_885 : i32 to vector<16xi32>
    %add3A_926 = arith.addi %get3A_924, %add3A_925 : vector<16xi32>
    %swap3A_927 = arith.constant 64 : index
    %swap3A_928 = tpu.vector_load %arg10[%swap3A_927] {strides = array<i32>} : memref<128xi32, #tpu.memory_space<vmem>>, vector<16xi32>,
    %swap3A_929 = vector.shape_cast %swap3A_928 : vector<16xi32> to vector<16xi32>
    %swap3A_930 = vector.shape_cast %add3A_926 : vector<16xi32> to vector<16xi32>
    tpu.vector_store %arg10[%swap3A_927], %swap3A_930 {strides = array<i32>} : memref<128xi32, #tpu.memory_space<vmem>>, vector<16xi32>,
    %get3A_931 = arith.constant 80 : index
    %get3A_932 = tpu.vector_load %arg8[%get3A_931] {strides = array<i32>} : memref<128xi32, #tpu.memory_space<vmem>>, vector<16xi32>,
    %get3A_933 = vector.shape_cast %get3A_932 : vector<16xi32> to vector<16xi32>
    %add3A_934 = vector.broadcast %mul3A_885 : i32 to vector<16xi32>
    %add3A_935 = arith.addi %get3A_933, %add3A_934 : vector<16xi32>
    %swap3A_936 = arith.constant 80 : index
    %swap3A_937 = tpu.vector_load %arg10[%swap3A_936] {strides = array<i32>} : memref<128xi32, #tpu.memory_space<vmem>>, vector<16xi32>,
    %swap3A_938 = vector.shape_cast %swap3A_937 : vector<16xi32> to vector<16xi32>
    %swap3A_939 = vector.shape_cast %add3A_935 : vector<16xi32> to vector<16xi32>
    tpu.vector_store %arg10[%swap3A_936], %swap3A_939 {strides = array<i32>} : memref<128xi32, #tpu.memory_space<vmem>>, vector<16xi32>,
    %get3A_940 = arith.constant 96 : index
    %get3A_941 = tpu.vector_load %arg8[%get3A_940] {strides = array<i32>} : memref<128xi32, #tpu.memory_space<vmem>>, vector<16xi32>,
    %get3A_942 = vector.shape_cast %get3A_941 : vector<16xi32> to vector<16xi32>
    %add3A_943 = vector.broadcast %mul3A_885 : i32 to vector<16xi32>
    %add3A_944 = arith.addi %get3A_942, %add3A_943 : vector<16xi32>
    %swap3A_945 = arith.constant 96 : index
    %swap3A_946 = tpu.vector_load %arg10[%swap3A_945] {strides = array<i32>} : memref<128xi32, #tpu.memory_space<vmem>>, vector<16xi32>,
    %swap3A_947 = vector.shape_cast %swap3A_946 : vector<16xi32> to vector<16xi32>
    %swap3A_948 = vector.shape_cast %add3A_944 : vector<16xi32> to vector<16xi32>
    tpu.vector_store %arg10[%swap3A_945], %swap3A_948 {strides = array<i32>} : memref<128xi32, #tpu.memory_space<vmem>>, vector<16xi32>,
    %get3A_949 = arith.constant 112 : index
    %get3A_950 = tpu.vector_load %arg8[%get3A_949] {strides = array<i32>} : memref<128xi32, #tpu.memory_space<vmem>>, vector<16xi32>,
    %get3A_951 = vector.shape_cast %get3A_950 : vector<16xi32> to vector<16xi32>
    %add3A_952 = vector.broadcast %mul3A_885 : i32 to vector<16xi32>
    %add3A_953 = arith.addi %get3A_951, %add3A_952 : vector<16xi32>
    %swap3A_954 = arith.constant 112 : index
    %swap3A_955 = tpu.vector_load %arg10[%swap3A_954] {strides = array<i32>} : memref<128xi32, #tpu.memory_space<vmem>>, vector<16xi32>,
    %swap3A_956 = vector.shape_cast %swap3A_955 : vector<16xi32> to vector<16xi32>
    %swap3A_957 = vector.shape_cast %add3A_953 : vector<16xi32> to vector<16xi32>
    tpu.vector_store %arg10[%swap3A_954], %swap3A_957 {strides = array<i32>} : memref<128xi32, #tpu.memory_space<vmem>>, vector<16xi32>,
    %dma_start3A_958 = arith.constant 0 : i32
    %dma_start3A_959 = tpu.memref_slice %arg2[%dma_start3A_958] : memref<12800000xf32, #tpu.memory_space<hbm>> -> memref<12800000xf32, #tpu.memory_space<hbm>>
    tpu.enqueue_indirect_dma source(%dma_start3A_959 : memref<12800000xf32, #tpu.memory_space<hbm>>) target(%arg11 : memref<128xf32, #tpu.memory_space<vmem>>) offsets(%arg10 : memref<128xi32, #tpu.memory_space<vmem>>) semaphore(%arg17 : memref<!tpu.dma_semaphore, #tpu.memory_space<semaphore_mem>>)
    %dma_wait3A_960 = arith.constant 0 : i32
    %dma_wait3A_961 = tpu.memref_slice %arg2[%dma_wait3A_960] : memref<12800000xf32, #tpu.memory_space<hbm>> -> memref<12800000xf32, #tpu.memory_space<hbm>>
    tpu.wait_indirect_dma semaphore(%arg17 : memref<!tpu.dma_semaphore, #tpu.memory_space<semaphore_mem>>) src(%dma_wait3A_961 : memref<12800000xf32, #tpu.memory_space<hbm>>) dst(%arg11 : memref<128xf32, #tpu.memory_space<vmem>>)
    %get3A_962 = arith.constant 0 : index
    %get3A_963 = tpu.vector_load %arg9[%get3A_962] {strides = array<i32>} : memref<128xi32, #tpu.memory_space<vmem>>, vector<16xi32>,
    %get3A_964 = vector.shape_cast %get3A_963 : vector<16xi32> to vector<16xi32>
    %add3A_965 = vector.broadcast %mul3A_885 : i32 to vector<16xi32>
    %add3A_966 = arith.addi %get3A_964, %add3A_965 : vector<16xi32>
    %swap3A_967 = arith.constant 0 : index
    %swap3A_968 = tpu.vector_load %arg10[%swap3A_967] {strides = array<i32>} : memref<128xi32, #tpu.memory_space<vmem>>, vector<16xi32>,
    %swap3A_969 = vector.shape_cast %swap3A_968 : vector<16xi32> to vector<16xi32>
    %swap3A_970 = vector.shape_cast %add3A_966 : vector<16xi32> to vector<16xi32>
    tpu.vector_store %arg10[%swap3A_967], %swap3A_970 {strides = array<i32>} : memref<128xi32, #tpu.memory_space<vmem>>, vector<16xi32>,
    %get3A_971 = arith.constant 16 : index
    %get3A_972 = tpu.vector_load %arg9[%get3A_971] {strides = array<i32>} : memref<128xi32, #tpu.memory_space<vmem>>, vector<16xi32>,
    %get3A_973 = vector.shape_cast %get3A_972 : vector<16xi32> to vector<16xi32>
    %add3A_974 = vector.broadcast %mul3A_885 : i32 to vector<16xi32>
    %add3A_975 = arith.addi %get3A_973, %add3A_974 : vector<16xi32>
    %swap3A_976 = arith.constant 16 : index
    %swap3A_977 = tpu.vector_load %arg10[%swap3A_976] {strides = array<i32>} : memref<128xi32, #tpu.memory_space<vmem>>, vector<16xi32>,
    %swap3A_978 = vector.shape_cast %swap3A_977 : vector<16xi32> to vector<16xi32>
    %swap3A_979 = vector.shape_cast %add3A_975 : vector<16xi32> to vector<16xi32>
    tpu.vector_store %arg10[%swap3A_976], %swap3A_979 {strides = array<i32>} : memref<128xi32, #tpu.memory_space<vmem>>, vector<16xi32>,
    %get3A_980 = arith.constant 32 : index
    %get3A_981 = tpu.vector_load %arg9[%get3A_980] {strides = array<i32>} : memref<128xi32, #tpu.memory_space<vmem>>, vector<16xi32>,
    %get3A_982 = vector.shape_cast %get3A_981 : vector<16xi32> to vector<16xi32>
    %add3A_983 = vector.broadcast %mul3A_885 : i32 to vector<16xi32>
    %add3A_984 = arith.addi %get3A_982, %add3A_983 : vector<16xi32>
    %swap3A_985 = arith.constant 32 : index
    %swap3A_986 = tpu.vector_load %arg10[%swap3A_985] {strides = array<i32>} : memref<128xi32, #tpu.memory_space<vmem>>, vector<16xi32>,
    %swap3A_987 = vector.shape_cast %swap3A_986 : vector<16xi32> to vector<16xi32>
    %swap3A_988 = vector.shape_cast %add3A_984 : vector<16xi32> to vector<16xi32>
    tpu.vector_store %arg10[%swap3A_985], %swap3A_988 {strides = array<i32>} : memref<128xi32, #tpu.memory_space<vmem>>, vector<16xi32>,
    %get3A_989 = arith.constant 48 : index
    %get3A_990 = tpu.vector_load %arg9[%get3A_989] {strides = array<i32>} : memref<128xi32, #tpu.memory_space<vmem>>, vector<16xi32>,
    %get3A_991 = vector.shape_cast %get3A_990 : vector<16xi32> to vector<16xi32>
    %add3A_992 = vector.broadcast %mul3A_885 : i32 to vector<16xi32>
    %add3A_993 = arith.addi %get3A_991, %add3A_992 : vector<16xi32>
    %swap3A_994 = arith.constant 48 : index
    %swap3A_995 = tpu.vector_load %arg10[%swap3A_994] {strides = array<i32>} : memref<128xi32, #tpu.memory_space<vmem>>, vector<16xi32>,
    %swap3A_996 = vector.shape_cast %swap3A_995 : vector<16xi32> to vector<16xi32>
    %swap3A_997 = vector.shape_cast %add3A_993 : vector<16xi32> to vector<16xi32>
    tpu.vector_store %arg10[%swap3A_994], %swap3A_997 {strides = array<i32>} : memref<128xi32, #tpu.memory_space<vmem>>, vector<16xi32>,
    %get3A_998 = arith.constant 64 : index
    %get3A_999 = tpu.vector_load %arg9[%get3A_998] {strides = array<i32>} : memref<128xi32, #tpu.memory_space<vmem>>, vector<16xi32>,
    %get3A_1000 = vector.shape_cast %get3A_999 : vector<16xi32> to vector<16xi32>
    %add3A_1001 = vector.broadcast %mul3A_885 : i32 to vector<16xi32>
    %add3A_1002 = arith.addi %get3A_1000, %add3A_1001 : vector<16xi32>
    %swap3A_1003 = arith.constant 64 : index
    %swap3A_1004 = tpu.vector_load %arg10[%swap3A_1003] {strides = array<i32>} : memref<128xi32, #tpu.memory_space<vmem>>, vector<16xi32>,
    %swap3A_1005 = vector.shape_cast %swap3A_1004 : vector<16xi32> to vector<16xi32>
    %swap3A_1006 = vector.shape_cast %add3A_1002 : vector<16xi32> to vector<16xi32>
    tpu.vector_store %arg10[%swap3A_1003], %swap3A_1006 {strides = array<i32>} : memref<128xi32, #tpu.memory_space<vmem>>, vector<16xi32>,
    %get3A_1007 = arith.constant 80 : index
    %get3A_1008 = tpu.vector_load %arg9[%get3A_1007] {strides = array<i32>} : memref<128xi32, #tpu.memory_space<vmem>>, vector<16xi32>,
    %get3A_1009 = vector.shape_cast %get3A_1008 : vector<16xi32> to vector<16xi32>
    %add3A_1010 = vector.broadcast %mul3A_885 : i32 to vector<16xi32>
    %add3A_1011 = arith.addi %get3A_1009, %add3A_1010 : vector<16xi32>
    %swap3A_1012 = arith.constant 80 : index
    %swap3A_1013 = tpu.vector_load %arg10[%swap3A_1012] {strides = array<i32>} : memref<128xi32, #tpu.memory_space<vmem>>, vector<16xi32>,
    %swap3A_1014 = vector.shape_cast %swap3A_1013 : vector<16xi32> to vector<16xi32>
    %swap3A_1015 = vector.shape_cast %add3A_1011 : vector<16xi32> to vector<16xi32>
    tpu.vector_store %arg10[%swap3A_1012], %swap3A_1015 {strides = array<i32>} : memref<128xi32, #tpu.memory_space<vmem>>, vector<16xi32>,
    %get3A_1016 = arith.constant 96 : index
    %get3A_1017 = tpu.vector_load %arg9[%get3A_1016] {strides = array<i32>} : memref<128xi32, #tpu.memory_space<vmem>>, vector<16xi32>,
    %get3A_1018 = vector.shape_cast %get3A_1017 : vector<16xi32> to vector<16xi32>
    %add3A_1019 = vector.broadcast %mul3A_885 : i32 to vector<16xi32>
    %add3A_1020 = arith.addi %get3A_1018, %add3A_1019 : vector<16xi32>
    %swap3A_1021 = arith.constant 96 : index
    %swap3A_1022 = tpu.vector_load %arg10[%swap3A_1021] {strides = array<i32>} : memref<128xi32, #tpu.memory_space<vmem>>, vector<16xi32>,
    %swap3A_1023 = vector.shape_cast %swap3A_1022 : vector<16xi32> to vector<16xi32>
    %swap3A_1024 = vector.shape_cast %add3A_1020 : vector<16xi32> to vector<16xi32>
    tpu.vector_store %arg10[%swap3A_1021], %swap3A_1024 {strides = array<i32>} : memref<128xi32, #tpu.memory_space<vmem>>, vector<16xi32>,
    %get3A_1025 = arith.constant 112 : index
    %get3A_1026 = tpu.vector_load %arg9[%get3A_1025] {strides = array<i32>} : memref<128xi32, #tpu.memory_space<vmem>>, vector<16xi32>,
    %get3A_1027 = vector.shape_cast %get3A_1026 : vector<16xi32> to vector<16xi32>
    %add3A_1028 = vector.broadcast %mul3A_885 : i32 to vector<16xi32>
    %add3A_1029 = arith.addi %get3A_1027, %add3A_1028 : vector<16xi32>
    %swap3A_1030 = arith.constant 112 : index
    %swap3A_1031 = tpu.vector_load %arg10[%swap3A_1030] {strides = array<i32>} : memref<128xi32, #tpu.memory_space<vmem>>, vector<16xi32>,
    %swap3A_1032 = vector.shape_cast %swap3A_1031 : vector<16xi32> to vector<16xi32>
    %swap3A_1033 = vector.shape_cast %add3A_1029 : vector<16xi32> to vector<16xi32>
    tpu.vector_store %arg10[%swap3A_1030], %swap3A_1033 {strides = array<i32>} : memref<128xi32, #tpu.memory_space<vmem>>, vector<16xi32>,
    %dma_start3A_1034 = arith.constant 0 : i32
    %dma_start3A_1035 = tpu.memref_slice %arg2[%dma_start3A_1034] : memref<12800000xf32, #tpu.memory_space<hbm>> -> memref<12800000xf32, #tpu.memory_space<hbm>>
    tpu.enqueue_indirect_dma source(%dma_start3A_1035 : memref<12800000xf32, #tpu.memory_space<hbm>>) target(%arg12 : memref<128xf32, #tpu.memory_space<vmem>>) offsets(%arg10 : memref<128xi32, #tpu.memory_space<vmem>>) semaphore(%arg17 : memref<!tpu.dma_semaphore, #tpu.memory_space<semaphore_mem>>)
    %dma_wait3A_1036 = arith.constant 0 : i32
    %dma_wait3A_1037 = tpu.memref_slice %arg2[%dma_wait3A_1036] : memref<12800000xf32, #tpu.memory_space<hbm>> -> memref<12800000xf32, #tpu.memory_space<hbm>>
    tpu.wait_indirect_dma semaphore(%arg17 : memref<!tpu.dma_semaphore, #tpu.memory_space<semaphore_mem>>) src(%dma_wait3A_1037 : memref<12800000xf32, #tpu.memory_space<hbm>>) dst(%arg12 : memref<128xf32, #tpu.memory_space<vmem>>)
    %get3A_1038 = arith.constant 0 : index
    %get3A_1039 = tpu.vector_load %arg13[%get3A_1038] {strides = array<i32>} : memref<128xf32, #tpu.memory_space<vmem>>, vector<16xf32>,
    %get3A_1040 = vector.shape_cast %get3A_1039 : vector<16xf32> to vector<16xf32>
    %get3A_1041 = arith.constant 0 : index
    %get3A_1042 = tpu.vector_load %arg11[%get3A_1041] {strides = array<i32>} : memref<128xf32, #tpu.memory_space<vmem>>, vector<16xf32>,
    %get3A_1043 = vector.shape_cast %get3A_1042 : vector<16xf32> to vector<16xf32>
    %get3A_1044 = arith.constant 0 : index
    %get3A_1045 = tpu.vector_load %arg12[%get3A_1044] {strides = array<i32>} : memref<128xf32, #tpu.memory_space<vmem>>, vector<16xf32>,
    %get3A_1046 = vector.shape_cast %get3A_1045 : vector<16xf32> to vector<16xf32>
    %mul3A_1047 = arith.mulf %get3A_1043, %get3A_1046 : vector<16xf32>
    %add3A_1048 = arith.addf %get3A_1040, %mul3A_1047 : vector<16xf32>
    %swap3A_1049 = arith.constant 0 : index
    %swap3A_1050 = tpu.vector_load %arg13[%swap3A_1049] {strides = array<i32>} : memref<128xf32, #tpu.memory_space<vmem>>, vector<16xf32>,
    %swap3A_1051 = vector.shape_cast %swap3A_1050 : vector<16xf32> to vector<16xf32>
    %swap3A_1052 = vector.shape_cast %add3A_1048 : vector<16xf32> to vector<16xf32>
    tpu.vector_store %arg13[%swap3A_1049], %swap3A_1052 {strides = array<i32>} : memref<128xf32, #tpu.memory_space<vmem>>, vector<16xf32>,
    %get3A_1053 = arith.constant 16 : index
    %get3A_1054 = tpu.vector_load %arg13[%get3A_1053] {strides = array<i32>} : memref<128xf32, #tpu.memory_space<vmem>>, vector<16xf32>,
    %get3A_1055 = vector.shape_cast %get3A_1054 : vector<16xf32> to vector<16xf32>
    %get3A_1056 = arith.constant 16 : index
    %get3A_1057 = tpu.vector_load %arg11[%get3A_1056] {strides = array<i32>} : memref<128xf32, #tpu.memory_space<vmem>>, vector<16xf32>,
    %get3A_1058 = vector.shape_cast %get3A_1057 : vector<16xf32> to vector<16xf32>
    %get3A_1059 = arith.constant 16 : index
    %get3A_1060 = tpu.vector_load %arg12[%get3A_1059] {strides = array<i32>} : memref<128xf32, #tpu.memory_space<vmem>>, vector<16xf32>,
    %get3A_1061 = vector.shape_cast %get3A_1060 : vector<16xf32> to vector<16xf32>
    %mul3A_1062 = arith.mulf %get3A_1058, %get3A_1061 : vector<16xf32>
    %add3A_1063 = arith.addf %get3A_1055, %mul3A_1062 : vector<16xf32>
    %swap3A_1064 = arith.constant 16 : index
    %swap3A_1065 = tpu.vector_load %arg13[%swap3A_1064] {strides = array<i32>} : memref<128xf32, #tpu.memory_space<vmem>>, vector<16xf32>,
    %swap3A_1066 = vector.shape_cast %swap3A_1065 : vector<16xf32> to vector<16xf32>
    %swap3A_1067 = vector.shape_cast %add3A_1063 : vector<16xf32> to vector<16xf32>
    tpu.vector_store %arg13[%swap3A_1064], %swap3A_1067 {strides = array<i32>} : memref<128xf32, #tpu.memory_space<vmem>>, vector<16xf32>,
    %get3A_1068 = arith.constant 32 : index
    %get3A_1069 = tpu.vector_load %arg13[%get3A_1068] {strides = array<i32>} : memref<128xf32, #tpu.memory_space<vmem>>, vector<16xf32>,
    %get3A_1070 = vector.shape_cast %get3A_1069 : vector<16xf32> to vector<16xf32>
    %get3A_1071 = arith.constant 32 : index
    %get3A_1072 = tpu.vector_load %arg11[%get3A_1071] {strides = array<i32>} : memref<128xf32, #tpu.memory_space<vmem>>, vector<16xf32>,
    %get3A_1073 = vector.shape_cast %get3A_1072 : vector<16xf32> to vector<16xf32>
    %get3A_1074 = arith.constant 32 : index
    %get3A_1075 = tpu.vector_load %arg12[%get3A_1074] {strides = array<i32>} : memref<128xf32, #tpu.memory_space<vmem>>, vector<16xf32>,
    %get3A_1076 = vector.shape_cast %get3A_1075 : vector<16xf32> to vector<16xf32>
    %mul3A_1077 = arith.mulf %get3A_1073, %get3A_1076 : vector<16xf32>
    %add3A_1078 = arith.addf %get3A_1070, %mul3A_1077 : vector<16xf32>
    %swap3A_1079 = arith.constant 32 : index
    %swap3A_1080 = tpu.vector_load %arg13[%swap3A_1079] {strides = array<i32>} : memref<128xf32, #tpu.memory_space<vmem>>, vector<16xf32>,
    %swap3A_1081 = vector.shape_cast %swap3A_1080 : vector<16xf32> to vector<16xf32>
    %swap3A_1082 = vector.shape_cast %add3A_1078 : vector<16xf32> to vector<16xf32>
    tpu.vector_store %arg13[%swap3A_1079], %swap3A_1082 {strides = array<i32>} : memref<128xf32, #tpu.memory_space<vmem>>, vector<16xf32>,
    %get3A_1083 = arith.constant 48 : index
    %get3A_1084 = tpu.vector_load %arg13[%get3A_1083] {strides = array<i32>} : memref<128xf32, #tpu.memory_space<vmem>>, vector<16xf32>,
    %get3A_1085 = vector.shape_cast %get3A_1084 : vector<16xf32> to vector<16xf32>
    %get3A_1086 = arith.constant 48 : index
    %get3A_1087 = tpu.vector_load %arg11[%get3A_1086] {strides = array<i32>} : memref<128xf32, #tpu.memory_space<vmem>>, vector<16xf32>,
    %get3A_1088 = vector.shape_cast %get3A_1087 : vector<16xf32> to vector<16xf32>
    %get3A_1089 = arith.constant 48 : index
    %get3A_1090 = tpu.vector_load %arg12[%get3A_1089] {strides = array<i32>} : memref<128xf32, #tpu.memory_space<vmem>>, vector<16xf32>,
    %get3A_1091 = vector.shape_cast %get3A_1090 : vector<16xf32> to vector<16xf32>
    %mul3A_1092 = arith.mulf %get3A_1088, %get3A_1091 : vector<16xf32>
    %add3A_1093 = arith.addf %get3A_1085, %mul3A_1092 : vector<16xf32>
    %swap3A_1094 = arith.constant 48 : index
    %swap3A_1095 = tpu.vector_load %arg13[%swap3A_1094] {strides = array<i32>} : memref<128xf32, #tpu.memory_space<vmem>>, vector<16xf32>,
    %swap3A_1096 = vector.shape_cast %swap3A_1095 : vector<16xf32> to vector<16xf32>
    %swap3A_1097 = vector.shape_cast %add3A_1093 : vector<16xf32> to vector<16xf32>
    tpu.vector_store %arg13[%swap3A_1094], %swap3A_1097 {strides = array<i32>} : memref<128xf32, #tpu.memory_space<vmem>>, vector<16xf32>,
    %get3A_1098 = arith.constant 64 : index
    %get3A_1099 = tpu.vector_load %arg13[%get3A_1098] {strides = array<i32>} : memref<128xf32, #tpu.memory_space<vmem>>, vector<16xf32>,
    %get3A_1100 = vector.shape_cast %get3A_1099 : vector<16xf32> to vector<16xf32>
    %get3A_1101 = arith.constant 64 : index
    %get3A_1102 = tpu.vector_load %arg11[%get3A_1101] {strides = array<i32>} : memref<128xf32, #tpu.memory_space<vmem>>, vector<16xf32>,
    %get3A_1103 = vector.shape_cast %get3A_1102 : vector<16xf32> to vector<16xf32>
    %get3A_1104 = arith.constant 64 : index
    %get3A_1105 = tpu.vector_load %arg12[%get3A_1104] {strides = array<i32>} : memref<128xf32, #tpu.memory_space<vmem>>, vector<16xf32>,
    %get3A_1106 = vector.shape_cast %get3A_1105 : vector<16xf32> to vector<16xf32>
    %mul3A_1107 = arith.mulf %get3A_1103, %get3A_1106 : vector<16xf32>
    %add3A_1108 = arith.addf %get3A_1100, %mul3A_1107 : vector<16xf32>
    %swap3A_1109 = arith.constant 64 : index
    %swap3A_1110 = tpu.vector_load %arg13[%swap3A_1109] {strides = array<i32>} : memref<128xf32, #tpu.memory_space<vmem>>, vector<16xf32>,
    %swap3A_1111 = vector.shape_cast %swap3A_1110 : vector<16xf32> to vector<16xf32>
    %swap3A_1112 = vector.shape_cast %add3A_1108 : vector<16xf32> to vector<16xf32>
    tpu.vector_store %arg13[%swap3A_1109], %swap3A_1112 {strides = array<i32>} : memref<128xf32, #tpu.memory_space<vmem>>, vector<16xf32>,
    %get3A_1113 = arith.constant 80 : index
    %get3A_1114 = tpu.vector_load %arg13[%get3A_1113] {strides = array<i32>} : memref<128xf32, #tpu.memory_space<vmem>>, vector<16xf32>,
    %get3A_1115 = vector.shape_cast %get3A_1114 : vector<16xf32> to vector<16xf32>
    %get3A_1116 = arith.constant 80 : index
    %get3A_1117 = tpu.vector_load %arg11[%get3A_1116] {strides = array<i32>} : memref<128xf32, #tpu.memory_space<vmem>>, vector<16xf32>,
    %get3A_1118 = vector.shape_cast %get3A_1117 : vector<16xf32> to vector<16xf32>
    %get3A_1119 = arith.constant 80 : index
    %get3A_1120 = tpu.vector_load %arg12[%get3A_1119] {strides = array<i32>} : memref<128xf32, #tpu.memory_space<vmem>>, vector<16xf32>,
    %get3A_1121 = vector.shape_cast %get3A_1120 : vector<16xf32> to vector<16xf32>
    %mul3A_1122 = arith.mulf %get3A_1118, %get3A_1121 : vector<16xf32>
    %add3A_1123 = arith.addf %get3A_1115, %mul3A_1122 : vector<16xf32>
    %swap3A_1124 = arith.constant 80 : index
    %swap3A_1125 = tpu.vector_load %arg13[%swap3A_1124] {strides = array<i32>} : memref<128xf32, #tpu.memory_space<vmem>>, vector<16xf32>,
    %swap3A_1126 = vector.shape_cast %swap3A_1125 : vector<16xf32> to vector<16xf32>
    %swap3A_1127 = vector.shape_cast %add3A_1123 : vector<16xf32> to vector<16xf32>
    tpu.vector_store %arg13[%swap3A_1124], %swap3A_1127 {strides = array<i32>} : memref<128xf32, #tpu.memory_space<vmem>>, vector<16xf32>,
    %get3A_1128 = arith.constant 96 : index
    %get3A_1129 = tpu.vector_load %arg13[%get3A_1128] {strides = array<i32>} : memref<128xf32, #tpu.memory_space<vmem>>, vector<16xf32>,
    %get3A_1130 = vector.shape_cast %get3A_1129 : vector<16xf32> to vector<16xf32>
    %get3A_1131 = arith.constant 96 : index
    %get3A_1132 = tpu.vector_load %arg11[%get3A_1131] {strides = array<i32>} : memref<128xf32, #tpu.memory_space<vmem>>, vector<16xf32>,
    %get3A_1133 = vector.shape_cast %get3A_1132 : vector<16xf32> to vector<16xf32>
    %get3A_1134 = arith.constant 96 : index
    %get3A_1135 = tpu.vector_load %arg12[%get3A_1134] {strides = array<i32>} : memref<128xf32, #tpu.memory_space<vmem>>, vector<16xf32>,
    %get3A_1136 = vector.shape_cast %get3A_1135 : vector<16xf32> to vector<16xf32>
    %mul3A_1137 = arith.mulf %get3A_1133, %get3A_1136 : vector<16xf32>
    %add3A_1138 = arith.addf %get3A_1130, %mul3A_1137 : vector<16xf32>
    %swap3A_1139 = arith.constant 96 : index
    %swap3A_1140 = tpu.vector_load %arg13[%swap3A_1139] {strides = array<i32>} : memref<128xf32, #tpu.memory_space<vmem>>, vector<16xf32>,
    %swap3A_1141 = vector.shape_cast %swap3A_1140 : vector<16xf32> to vector<16xf32>
    %swap3A_1142 = vector.shape_cast %add3A_1138 : vector<16xf32> to vector<16xf32>
    tpu.vector_store %arg13[%swap3A_1139], %swap3A_1142 {strides = array<i32>} : memref<128xf32, #tpu.memory_space<vmem>>, vector<16xf32>,
    %get3A_1143 = arith.constant 112 : index
    %get3A_1144 = tpu.vector_load %arg13[%get3A_1143] {strides = array<i32>} : memref<128xf32, #tpu.memory_space<vmem>>, vector<16xf32>,
    %get3A_1145 = vector.shape_cast %get3A_1144 : vector<16xf32> to vector<16xf32>
    %get3A_1146 = arith.constant 112 : index
    %get3A_1147 = tpu.vector_load %arg11[%get3A_1146] {strides = array<i32>} : memref<128xf32, #tpu.memory_space<vmem>>, vector<16xf32>,
    %get3A_1148 = vector.shape_cast %get3A_1147 : vector<16xf32> to vector<16xf32>
    %get3A_1149 = arith.constant 112 : index
    %get3A_1150 = tpu.vector_load %arg12[%get3A_1149] {strides = array<i32>} : memref<128xf32, #tpu.memory_space<vmem>>, vector<16xf32>,
    %get3A_1151 = vector.shape_cast %get3A_1150 : vector<16xf32> to vector<16xf32>
    %mul3A_1152 = arith.mulf %get3A_1148, %get3A_1151 : vector<16xf32>
    %add3A_1153 = arith.addf %get3A_1145, %mul3A_1152 : vector<16xf32>
    %swap3A_1154 = arith.constant 112 : index
    %swap3A_1155 = tpu.vector_load %arg13[%swap3A_1154] {strides = array<i32>} : memref<128xf32, #tpu.memory_space<vmem>>, vector<16xf32>,
    %swap3A_1156 = vector.shape_cast %swap3A_1155 : vector<16xf32> to vector<16xf32>
    %swap3A_1157 = vector.shape_cast %add3A_1153 : vector<16xf32> to vector<16xf32>
    tpu.vector_store %arg13[%swap3A_1154], %swap3A_1157 {strides = array<i32>} : memref<128xf32, #tpu.memory_space<vmem>>, vector<16xf32>,
    "tpu.region"() ({
      %run_scoped3A = tpu.sem_alloc : memref<!tpu.dma_semaphore, #tpu.memory_space<semaphore_mem>>
      %dma_start3A_1163 = arith.constant 0 : i32
      %dma_start3A_1164 = tpu.memref_slice %arg16[%arg1, %dma_start3A_1163] : memref<16x128xf32, #tpu.memory_space<vmem_shared>> -> memref<1x128xf32, #tpu.memory_space<vmem_shared>>
      %dma_start3A_1165 = tpu.memref_squeeze %dma_start3A_1164 : memref<1x128xf32, #tpu.memory_space<vmem_shared>> -> memref<128xf32, #tpu.memory_space<vmem_shared>>
      %dma_start3A_1166 = arith.constant 0 : i32
      %dma_start3A_1167 = tpu.memref_slice %arg16[%arg1, %dma_start3A_1166] : memref<16x128xf32, #tpu.memory_space<vmem_shared>> -> memref<1x128xf32, #tpu.memory_space<vmem_shared>>
      %dma_start3A_1168 = tpu.memref_squeeze %dma_start3A_1167 : memref<1x128xf32, #tpu.memory_space<vmem_shared>> -> memref<128xf32, #tpu.memory_space<vmem_shared>>
      tpu.enqueue_dma source(%arg13 : memref<128xf32, #tpu.memory_space<vmem>>) target(%dma_start3A_1168 : memref<128xf32, #tpu.memory_space<vmem_shared>>) target_semaphore(%run_scoped3A : memref<!tpu.dma_semaphore, #tpu.memory_space<semaphore_mem>>)
      %dma_wait3A_1169 = arith.constant 0 : i32
      %dma_wait3A_1170 = tpu.memref_slice %arg16[%arg1, %dma_wait3A_1169] : memref<16x128xf32, #tpu.memory_space<vmem_shared>> -> memref<1x128xf32, #tpu.memory_space<vmem_shared>>
      %dma_wait3A_1171 = tpu.memref_squeeze %dma_wait3A_1170 : memref<1x128xf32, #tpu.memory_space<vmem_shared>> -> memref<128xf32, #tpu.memory_space<vmem_shared>>
      %dma_wait3A_1172 = arith.constant 0 : i32
      %dma_wait3A_1173 = tpu.memref_slice %arg16[%arg1, %dma_wait3A_1172] : memref<16x128xf32, #tpu.memory_space<vmem_shared>> -> memref<1x128xf32, #tpu.memory_space<vmem_shared>>
      %dma_wait3A_1174 = tpu.memref_squeeze %dma_wait3A_1173 : memref<1x128xf32, #tpu.memory_space<vmem_shared>> -> memref<128xf32, #tpu.memory_space<vmem_shared>>
      tpu.wait_dma2 semaphore(%run_scoped3A : memref<!tpu.dma_semaphore, #tpu.memory_space<semaphore_mem>>) src(%arg13 : memref<128xf32, #tpu.memory_space<vmem>>) dst(%dma_wait3A_1174 : memref<128xf32, #tpu.memory_space<vmem_shared>>)
      tpu.yield
    }) : () -> ()
    %barrier3A = arith.constant 0 : index
    tpu.barrier barrier_id(%barrier3A)
    %eq3A_1158 = arith.constant 0 : i32
    %eq3A_1159 = arith.cmpi eq, %arg1, %eq3A_1158 : i32
    %convert_element_type3A_1160 = arith.extui %eq3A_1159 : i1 to i32
    %cond3A_1161 = arith.constant 0 : i32
    %cond3A_1162 = arith.cmpi ne, %convert_element_type3A_1160, %cond3A_1161 : i32
    scf.if %cond3A_1162 {
      "tpu.region"() ({
        %run_scoped3A = tpu.sem_alloc : memref<!tpu.dma_semaphore, #tpu.memory_space<semaphore_mem>>
        tpu.enqueue_dma source(%arg16 : memref<16x128xf32, #tpu.memory_space<vmem_shared>>) target(%arg14 : memref<16x128xf32, #tpu.memory_space<vmem>>) target_semaphore(%run_scoped3A : memref<!tpu.dma_semaphore, #tpu.memory_space<semaphore_mem>>)
        tpu.wait_dma2 semaphore(%run_scoped3A : memref<!tpu.dma_semaphore, #tpu.memory_space<semaphore_mem>>) src(%arg16 : memref<16x128xf32, #tpu.memory_space<vmem_shared>>) dst(%arg14 : memref<16x128xf32, #tpu.memory_space<vmem>>)
        tpu.yield
      }) : () -> ()
      %get3A_1163 = arith.constant 0 : i32
      %get3A_1164 = arith.index_cast %get3A_1163 : i32 to index
      %get3A_1165 = arith.constant 0 : index
      %get3A_1166 = tpu.vector_load %arg14[%get3A_1164, %get3A_1165] {strides = array<i32>} : memref<16x128xf32, #tpu.memory_space<vmem>>, vector<1x16xf32>,
      %get3A_1167 = vector.shape_cast %get3A_1166 : vector<1x16xf32> to vector<16xf32>
      %get3A_1168 = arith.constant 1 : i32
      %get3A_1169 = arith.index_cast %get3A_1168 : i32 to index
      %get3A_1170 = arith.constant 0 : index
      %get3A_1171 = tpu.vector_load %arg14[%get3A_1169, %get3A_1170] {strides = array<i32>} : memref<16x128xf32, #tpu.memory_space<vmem>>, vector<1x16xf32>,
      %get3A_1172 = vector.shape_cast %get3A_1171 : vector<1x16xf32> to vector<16xf32>
      %add3A_1173 = arith.addf %get3A_1167, %get3A_1172 : vector<16xf32>
      %get3A_1174 = arith.constant 2 : i32
      %get3A_1175 = arith.index_cast %get3A_1174 : i32 to index
      %get3A_1176 = arith.constant 0 : index
      %get3A_1177 = tpu.vector_load %arg14[%get3A_1175, %get3A_1176] {strides = array<i32>} : memref<16x128xf32, #tpu.memory_space<vmem>>, vector<1x16xf32>,
      %get3A_1178 = vector.shape_cast %get3A_1177 : vector<1x16xf32> to vector<16xf32>
      %add3A_1179 = arith.addf %add3A_1173, %get3A_1178 : vector<16xf32>
      %get3A_1180 = arith.constant 3 : i32
      %get3A_1181 = arith.index_cast %get3A_1180 : i32 to index
      %get3A_1182 = arith.constant 0 : index
      %get3A_1183 = tpu.vector_load %arg14[%get3A_1181, %get3A_1182] {strides = array<i32>} : memref<16x128xf32, #tpu.memory_space<vmem>>, vector<1x16xf32>,
      %get3A_1184 = vector.shape_cast %get3A_1183 : vector<1x16xf32> to vector<16xf32>
      %add3A_1185 = arith.addf %add3A_1179, %get3A_1184 : vector<16xf32>
      %get3A_1186 = arith.constant 4 : i32
      %get3A_1187 = arith.index_cast %get3A_1186 : i32 to index
      %get3A_1188 = arith.constant 0 : index
      %get3A_1189 = tpu.vector_load %arg14[%get3A_1187, %get3A_1188] {strides = array<i32>} : memref<16x128xf32, #tpu.memory_space<vmem>>, vector<1x16xf32>,
      %get3A_1190 = vector.shape_cast %get3A_1189 : vector<1x16xf32> to vector<16xf32>
      %add3A_1191 = arith.addf %add3A_1185, %get3A_1190 : vector<16xf32>
      %get3A_1192 = arith.constant 5 : i32
      %get3A_1193 = arith.index_cast %get3A_1192 : i32 to index
      %get3A_1194 = arith.constant 0 : index
      %get3A_1195 = tpu.vector_load %arg14[%get3A_1193, %get3A_1194] {strides = array<i32>} : memref<16x128xf32, #tpu.memory_space<vmem>>, vector<1x16xf32>,
      %get3A_1196 = vector.shape_cast %get3A_1195 : vector<1x16xf32> to vector<16xf32>
      %add3A_1197 = arith.addf %add3A_1191, %get3A_1196 : vector<16xf32>
      %get3A_1198 = arith.constant 6 : i32
      %get3A_1199 = arith.index_cast %get3A_1198 : i32 to index
      %get3A_1200 = arith.constant 0 : index
      %get3A_1201 = tpu.vector_load %arg14[%get3A_1199, %get3A_1200] {strides = array<i32>} : memref<16x128xf32, #tpu.memory_space<vmem>>, vector<1x16xf32>,
      %get3A_1202 = vector.shape_cast %get3A_1201 : vector<1x16xf32> to vector<16xf32>
      %add3A_1203 = arith.addf %add3A_1197, %get3A_1202 : vector<16xf32>
      %get3A_1204 = arith.constant 7 : i32
      %get3A_1205 = arith.index_cast %get3A_1204 : i32 to index
      %get3A_1206 = arith.constant 0 : index
      %get3A_1207 = tpu.vector_load %arg14[%get3A_1205, %get3A_1206] {strides = array<i32>} : memref<16x128xf32, #tpu.memory_space<vmem>>, vector<1x16xf32>,
      %get3A_1208 = vector.shape_cast %get3A_1207 : vector<1x16xf32> to vector<16xf32>
      %add3A_1209 = arith.addf %add3A_1203, %get3A_1208 : vector<16xf32>
      %get3A_1210 = arith.constant 8 : i32
      %get3A_1211 = arith.index_cast %get3A_1210 : i32 to index
      %get3A_1212 = arith.constant 0 : index
      %get3A_1213 = tpu.vector_load %arg14[%get3A_1211, %get3A_1212] {strides = array<i32>} : memref<16x128xf32, #tpu.memory_space<vmem>>, vector<1x16xf32>,
      %get3A_1214 = vector.shape_cast %get3A_1213 : vector<1x16xf32> to vector<16xf32>
      %add3A_1215 = arith.addf %add3A_1209, %get3A_1214 : vector<16xf32>
      %get3A_1216 = arith.constant 9 : i32
      %get3A_1217 = arith.index_cast %get3A_1216 : i32 to index
      %get3A_1218 = arith.constant 0 : index
      %get3A_1219 = tpu.vector_load %arg14[%get3A_1217, %get3A_1218] {strides = array<i32>} : memref<16x128xf32, #tpu.memory_space<vmem>>, vector<1x16xf32>,
      %get3A_1220 = vector.shape_cast %get3A_1219 : vector<1x16xf32> to vector<16xf32>
      %add3A_1221 = arith.addf %add3A_1215, %get3A_1220 : vector<16xf32>
      %get3A_1222 = arith.constant 10 : i32
      %get3A_1223 = arith.index_cast %get3A_1222 : i32 to index
      %get3A_1224 = arith.constant 0 : index
      %get3A_1225 = tpu.vector_load %arg14[%get3A_1223, %get3A_1224] {strides = array<i32>} : memref<16x128xf32, #tpu.memory_space<vmem>>, vector<1x16xf32>,
      %get3A_1226 = vector.shape_cast %get3A_1225 : vector<1x16xf32> to vector<16xf32>
      %add3A_1227 = arith.addf %add3A_1221, %get3A_1226 : vector<16xf32>
      %get3A_1228 = arith.constant 11 : i32
      %get3A_1229 = arith.index_cast %get3A_1228 : i32 to index
      %get3A_1230 = arith.constant 0 : index
      %get3A_1231 = tpu.vector_load %arg14[%get3A_1229, %get3A_1230] {strides = array<i32>} : memref<16x128xf32, #tpu.memory_space<vmem>>, vector<1x16xf32>,
      %get3A_1232 = vector.shape_cast %get3A_1231 : vector<1x16xf32> to vector<16xf32>
      %add3A_1233 = arith.addf %add3A_1227, %get3A_1232 : vector<16xf32>
      %get3A_1234 = arith.constant 12 : i32
      %get3A_1235 = arith.index_cast %get3A_1234 : i32 to index
      %get3A_1236 = arith.constant 0 : index
      %get3A_1237 = tpu.vector_load %arg14[%get3A_1235, %get3A_1236] {strides = array<i32>} : memref<16x128xf32, #tpu.memory_space<vmem>>, vector<1x16xf32>,
      %get3A_1238 = vector.shape_cast %get3A_1237 : vector<1x16xf32> to vector<16xf32>
      %add3A_1239 = arith.addf %add3A_1233, %get3A_1238 : vector<16xf32>
      %get3A_1240 = arith.constant 13 : i32
      %get3A_1241 = arith.index_cast %get3A_1240 : i32 to index
      %get3A_1242 = arith.constant 0 : index
      %get3A_1243 = tpu.vector_load %arg14[%get3A_1241, %get3A_1242] {strides = array<i32>} : memref<16x128xf32, #tpu.memory_space<vmem>>, vector<1x16xf32>,
      %get3A_1244 = vector.shape_cast %get3A_1243 : vector<1x16xf32> to vector<16xf32>
      %add3A_1245 = arith.addf %add3A_1239, %get3A_1244 : vector<16xf32>
      %get3A_1246 = arith.constant 14 : i32
      %get3A_1247 = arith.index_cast %get3A_1246 : i32 to index
      %get3A_1248 = arith.constant 0 : index
      %get3A_1249 = tpu.vector_load %arg14[%get3A_1247, %get3A_1248] {strides = array<i32>} : memref<16x128xf32, #tpu.memory_space<vmem>>, vector<1x16xf32>,
      %get3A_1250 = vector.shape_cast %get3A_1249 : vector<1x16xf32> to vector<16xf32>
      %add3A_1251 = arith.addf %add3A_1245, %get3A_1250 : vector<16xf32>
      %get3A_1252 = arith.constant 15 : i32
      %get3A_1253 = arith.index_cast %get3A_1252 : i32 to index
      %get3A_1254 = arith.constant 0 : index
      %get3A_1255 = tpu.vector_load %arg14[%get3A_1253, %get3A_1254] {strides = array<i32>} : memref<16x128xf32, #tpu.memory_space<vmem>>, vector<1x16xf32>,
      %get3A_1256 = vector.shape_cast %get3A_1255 : vector<1x16xf32> to vector<16xf32>
      %add3A_1257 = arith.addf %add3A_1251, %get3A_1256 : vector<16xf32>
      %swap3A_1258 = arith.constant 0 : index
      %swap3A_1259 = tpu.vector_load %arg13[%swap3A_1258] {strides = array<i32>} : memref<128xf32, #tpu.memory_space<vmem>>, vector<16xf32>,
      %swap3A_1260 = vector.shape_cast %swap3A_1259 : vector<16xf32> to vector<16xf32>
      %swap3A_1261 = vector.shape_cast %add3A_1257 : vector<16xf32> to vector<16xf32>
      tpu.vector_store %arg13[%swap3A_1258], %swap3A_1261 {strides = array<i32>} : memref<128xf32, #tpu.memory_space<vmem>>, vector<16xf32>,
      %get3A_1262 = arith.constant 0 : i32
      %get3A_1263 = arith.index_cast %get3A_1262 : i32 to index
      %get3A_1264 = arith.constant 16 : index
      %get3A_1265 = tpu.vector_load %arg14[%get3A_1263, %get3A_1264] {strides = array<i32>} : memref<16x128xf32, #tpu.memory_space<vmem>>, vector<1x16xf32>,
      %get3A_1266 = vector.shape_cast %get3A_1265 : vector<1x16xf32> to vector<16xf32>
      %get3A_1267 = arith.constant 1 : i32
      %get3A_1268 = arith.index_cast %get3A_1267 : i32 to index
      %get3A_1269 = arith.constant 16 : index
      %get3A_1270 = tpu.vector_load %arg14[%get3A_1268, %get3A_1269] {strides = array<i32>} : memref<16x128xf32, #tpu.memory_space<vmem>>, vector<1x16xf32>,
      %get3A_1271 = vector.shape_cast %get3A_1270 : vector<1x16xf32> to vector<16xf32>
      %add3A_1272 = arith.addf %get3A_1266, %get3A_1271 : vector<16xf32>
      %get3A_1273 = arith.constant 2 : i32
      %get3A_1274 = arith.index_cast %get3A_1273 : i32 to index
      %get3A_1275 = arith.constant 16 : index
      %get3A_1276 = tpu.vector_load %arg14[%get3A_1274, %get3A_1275] {strides = array<i32>} : memref<16x128xf32, #tpu.memory_space<vmem>>, vector<1x16xf32>,
      %get3A_1277 = vector.shape_cast %get3A_1276 : vector<1x16xf32> to vector<16xf32>
      %add3A_1278 = arith.addf %add3A_1272, %get3A_1277 : vector<16xf32>
      %get3A_1279 = arith.constant 3 : i32
      %get3A_1280 = arith.index_cast %get3A_1279 : i32 to index
      %get3A_1281 = arith.constant 16 : index
      %get3A_1282 = tpu.vector_load %arg14[%get3A_1280, %get3A_1281] {strides = array<i32>} : memref<16x128xf32, #tpu.memory_space<vmem>>, vector<1x16xf32>,
      %get3A_1283 = vector.shape_cast %get3A_1282 : vector<1x16xf32> to vector<16xf32>
      %add3A_1284 = arith.addf %add3A_1278, %get3A_1283 : vector<16xf32>
      %get3A_1285 = arith.constant 4 : i32
      %get3A_1286 = arith.index_cast %get3A_1285 : i32 to index
      %get3A_1287 = arith.constant 16 : index
      %get3A_1288 = tpu.vector_load %arg14[%get3A_1286, %get3A_1287] {strides = array<i32>} : memref<16x128xf32, #tpu.memory_space<vmem>>, vector<1x16xf32>,
      %get3A_1289 = vector.shape_cast %get3A_1288 : vector<1x16xf32> to vector<16xf32>
      %add3A_1290 = arith.addf %add3A_1284, %get3A_1289 : vector<16xf32>
      %get3A_1291 = arith.constant 5 : i32
      %get3A_1292 = arith.index_cast %get3A_1291 : i32 to index
      %get3A_1293 = arith.constant 16 : index
      %get3A_1294 = tpu.vector_load %arg14[%get3A_1292, %get3A_1293] {strides = array<i32>} : memref<16x128xf32, #tpu.memory_space<vmem>>, vector<1x16xf32>,
      %get3A_1295 = vector.shape_cast %get3A_1294 : vector<1x16xf32> to vector<16xf32>
      %add3A_1296 = arith.addf %add3A_1290, %get3A_1295 : vector<16xf32>
      %get3A_1297 = arith.constant 6 : i32
      %get3A_1298 = arith.index_cast %get3A_1297 : i32 to index
      %get3A_1299 = arith.constant 16 : index
      %get3A_1300 = tpu.vector_load %arg14[%get3A_1298, %get3A_1299] {strides = array<i32>} : memref<16x128xf32, #tpu.memory_space<vmem>>, vector<1x16xf32>,
      %get3A_1301 = vector.shape_cast %get3A_1300 : vector<1x16xf32> to vector<16xf32>
      %add3A_1302 = arith.addf %add3A_1296, %get3A_1301 : vector<16xf32>
      %get3A_1303 = arith.constant 7 : i32
      %get3A_1304 = arith.index_cast %get3A_1303 : i32 to index
      %get3A_1305 = arith.constant 16 : index
      %get3A_1306 = tpu.vector_load %arg14[%get3A_1304, %get3A_1305] {strides = array<i32>} : memref<16x128xf32, #tpu.memory_space<vmem>>, vector<1x16xf32>,
      %get3A_1307 = vector.shape_cast %get3A_1306 : vector<1x16xf32> to vector<16xf32>
      %add3A_1308 = arith.addf %add3A_1302, %get3A_1307 : vector<16xf32>
      %get3A_1309 = arith.constant 8 : i32
      %get3A_1310 = arith.index_cast %get3A_1309 : i32 to index
      %get3A_1311 = arith.constant 16 : index
      %get3A_1312 = tpu.vector_load %arg14[%get3A_1310, %get3A_1311] {strides = array<i32>} : memref<16x128xf32, #tpu.memory_space<vmem>>, vector<1x16xf32>,
      %get3A_1313 = vector.shape_cast %get3A_1312 : vector<1x16xf32> to vector<16xf32>
      %add3A_1314 = arith.addf %add3A_1308, %get3A_1313 : vector<16xf32>
      %get3A_1315 = arith.constant 9 : i32
      %get3A_1316 = arith.index_cast %get3A_1315 : i32 to index
      %get3A_1317 = arith.constant 16 : index
      %get3A_1318 = tpu.vector_load %arg14[%get3A_1316, %get3A_1317] {strides = array<i32>} : memref<16x128xf32, #tpu.memory_space<vmem>>, vector<1x16xf32>,
      %get3A_1319 = vector.shape_cast %get3A_1318 : vector<1x16xf32> to vector<16xf32>
      %add3A_1320 = arith.addf %add3A_1314, %get3A_1319 : vector<16xf32>
      %get3A_1321 = arith.constant 10 : i32
      %get3A_1322 = arith.index_cast %get3A_1321 : i32 to index
      %get3A_1323 = arith.constant 16 : index
      %get3A_1324 = tpu.vector_load %arg14[%get3A_1322, %get3A_1323] {strides = array<i32>} : memref<16x128xf32, #tpu.memory_space<vmem>>, vector<1x16xf32>,
      %get3A_1325 = vector.shape_cast %get3A_1324 : vector<1x16xf32> to vector<16xf32>
      %add3A_1326 = arith.addf %add3A_1320, %get3A_1325 : vector<16xf32>
      %get3A_1327 = arith.constant 11 : i32
      %get3A_1328 = arith.index_cast %get3A_1327 : i32 to index
      %get3A_1329 = arith.constant 16 : index
      %get3A_1330 = tpu.vector_load %arg14[%get3A_1328, %get3A_1329] {strides = array<i32>} : memref<16x128xf32, #tpu.memory_space<vmem>>, vector<1x16xf32>,
      %get3A_1331 = vector.shape_cast %get3A_1330 : vector<1x16xf32> to vector<16xf32>
      %add3A_1332 = arith.addf %add3A_1326, %get3A_1331 : vector<16xf32>
      %get3A_1333 = arith.constant 12 : i32
      %get3A_1334 = arith.index_cast %get3A_1333 : i32 to index
      %get3A_1335 = arith.constant 16 : index
      %get3A_1336 = tpu.vector_load %arg14[%get3A_1334, %get3A_1335] {strides = array<i32>} : memref<16x128xf32, #tpu.memory_space<vmem>>, vector<1x16xf32>,
      %get3A_1337 = vector.shape_cast %get3A_1336 : vector<1x16xf32> to vector<16xf32>
      %add3A_1338 = arith.addf %add3A_1332, %get3A_1337 : vector<16xf32>
      %get3A_1339 = arith.constant 13 : i32
      %get3A_1340 = arith.index_cast %get3A_1339 : i32 to index
      %get3A_1341 = arith.constant 16 : index
      %get3A_1342 = tpu.vector_load %arg14[%get3A_1340, %get3A_1341] {strides = array<i32>} : memref<16x128xf32, #tpu.memory_space<vmem>>, vector<1x16xf32>,
      %get3A_1343 = vector.shape_cast %get3A_1342 : vector<1x16xf32> to vector<16xf32>
      %add3A_1344 = arith.addf %add3A_1338, %get3A_1343 : vector<16xf32>
      %get3A_1345 = arith.constant 14 : i32
      %get3A_1346 = arith.index_cast %get3A_1345 : i32 to index
      %get3A_1347 = arith.constant 16 : index
      %get3A_1348 = tpu.vector_load %arg14[%get3A_1346, %get3A_1347] {strides = array<i32>} : memref<16x128xf32, #tpu.memory_space<vmem>>, vector<1x16xf32>,
      %get3A_1349 = vector.shape_cast %get3A_1348 : vector<1x16xf32> to vector<16xf32>
      %add3A_1350 = arith.addf %add3A_1344, %get3A_1349 : vector<16xf32>
      %get3A_1351 = arith.constant 15 : i32
      %get3A_1352 = arith.index_cast %get3A_1351 : i32 to index
      %get3A_1353 = arith.constant 16 : index
      %get3A_1354 = tpu.vector_load %arg14[%get3A_1352, %get3A_1353] {strides = array<i32>} : memref<16x128xf32, #tpu.memory_space<vmem>>, vector<1x16xf32>,
      %get3A_1355 = vector.shape_cast %get3A_1354 : vector<1x16xf32> to vector<16xf32>
      %add3A_1356 = arith.addf %add3A_1350, %get3A_1355 : vector<16xf32>
      %swap3A_1357 = arith.constant 16 : index
      %swap3A_1358 = tpu.vector_load %arg13[%swap3A_1357] {strides = array<i32>} : memref<128xf32, #tpu.memory_space<vmem>>, vector<16xf32>,
      %swap3A_1359 = vector.shape_cast %swap3A_1358 : vector<16xf32> to vector<16xf32>
      %swap3A_1360 = vector.shape_cast %add3A_1356 : vector<16xf32> to vector<16xf32>
      tpu.vector_store %arg13[%swap3A_1357], %swap3A_1360 {strides = array<i32>} : memref<128xf32, #tpu.memory_space<vmem>>, vector<16xf32>,
      %get3A_1361 = arith.constant 0 : i32
      %get3A_1362 = arith.index_cast %get3A_1361 : i32 to index
      %get3A_1363 = arith.constant 32 : index
      %get3A_1364 = tpu.vector_load %arg14[%get3A_1362, %get3A_1363] {strides = array<i32>} : memref<16x128xf32, #tpu.memory_space<vmem>>, vector<1x16xf32>,
      %get3A_1365 = vector.shape_cast %get3A_1364 : vector<1x16xf32> to vector<16xf32>
      %get3A_1366 = arith.constant 1 : i32
      %get3A_1367 = arith.index_cast %get3A_1366 : i32 to index
      %get3A_1368 = arith.constant 32 : index
      %get3A_1369 = tpu.vector_load %arg14[%get3A_1367, %get3A_1368] {strides = array<i32>} : memref<16x128xf32, #tpu.memory_space<vmem>>, vector<1x16xf32>,
      %get3A_1370 = vector.shape_cast %get3A_1369 : vector<1x16xf32> to vector<16xf32>
      %add3A_1371 = arith.addf %get3A_1365, %get3A_1370 : vector<16xf32>
      %get3A_1372 = arith.constant 2 : i32
      %get3A_1373 = arith.index_cast %get3A_1372 : i32 to index
      %get3A_1374 = arith.constant 32 : index
      %get3A_1375 = tpu.vector_load %arg14[%get3A_1373, %get3A_1374] {strides = array<i32>} : memref<16x128xf32, #tpu.memory_space<vmem>>, vector<1x16xf32>,
      %get3A_1376 = vector.shape_cast %get3A_1375 : vector<1x16xf32> to vector<16xf32>
      %add3A_1377 = arith.addf %add3A_1371, %get3A_1376 : vector<16xf32>
      %get3A_1378 = arith.constant 3 : i32
      %get3A_1379 = arith.index_cast %get3A_1378 : i32 to index
      %get3A_1380 = arith.constant 32 : index
      %get3A_1381 = tpu.vector_load %arg14[%get3A_1379, %get3A_1380] {strides = array<i32>} : memref<16x128xf32, #tpu.memory_space<vmem>>, vector<1x16xf32>,
      %get3A_1382 = vector.shape_cast %get3A_1381 : vector<1x16xf32> to vector<16xf32>
      %add3A_1383 = arith.addf %add3A_1377, %get3A_1382 : vector<16xf32>
      %get3A_1384 = arith.constant 4 : i32
      %get3A_1385 = arith.index_cast %get3A_1384 : i32 to index
      %get3A_1386 = arith.constant 32 : index
      %get3A_1387 = tpu.vector_load %arg14[%get3A_1385, %get3A_1386] {strides = array<i32>} : memref<16x128xf32, #tpu.memory_space<vmem>>, vector<1x16xf32>,
      %get3A_1388 = vector.shape_cast %get3A_1387 : vector<1x16xf32> to vector<16xf32>
      %add3A_1389 = arith.addf %add3A_1383, %get3A_1388 : vector<16xf32>
      %get3A_1390 = arith.constant 5 : i32
      %get3A_1391 = arith.index_cast %get3A_1390 : i32 to index
      %get3A_1392 = arith.constant 32 : index
      %get3A_1393 = tpu.vector_load %arg14[%get3A_1391, %get3A_1392] {strides = array<i32>} : memref<16x128xf32, #tpu.memory_space<vmem>>, vector<1x16xf32>,
      %get3A_1394 = vector.shape_cast %get3A_1393 : vector<1x16xf32> to vector<16xf32>
      %add3A_1395 = arith.addf %add3A_1389, %get3A_1394 : vector<16xf32>
      %get3A_1396 = arith.constant 6 : i32
      %get3A_1397 = arith.index_cast %get3A_1396 : i32 to index
      %get3A_1398 = arith.constant 32 : index
      %get3A_1399 = tpu.vector_load %arg14[%get3A_1397, %get3A_1398] {strides = array<i32>} : memref<16x128xf32, #tpu.memory_space<vmem>>, vector<1x16xf32>,
      %get3A_1400 = vector.shape_cast %get3A_1399 : vector<1x16xf32> to vector<16xf32>
      %add3A_1401 = arith.addf %add3A_1395, %get3A_1400 : vector<16xf32>
      %get3A_1402 = arith.constant 7 : i32
      %get3A_1403 = arith.index_cast %get3A_1402 : i32 to index
      %get3A_1404 = arith.constant 32 : index
      %get3A_1405 = tpu.vector_load %arg14[%get3A_1403, %get3A_1404] {strides = array<i32>} : memref<16x128xf32, #tpu.memory_space<vmem>>, vector<1x16xf32>,
      %get3A_1406 = vector.shape_cast %get3A_1405 : vector<1x16xf32> to vector<16xf32>
      %add3A_1407 = arith.addf %add3A_1401, %get3A_1406 : vector<16xf32>
      %get3A_1408 = arith.constant 8 : i32
      %get3A_1409 = arith.index_cast %get3A_1408 : i32 to index
      %get3A_1410 = arith.constant 32 : index
      %get3A_1411 = tpu.vector_load %arg14[%get3A_1409, %get3A_1410] {strides = array<i32>} : memref<16x128xf32, #tpu.memory_space<vmem>>, vector<1x16xf32>,
      %get3A_1412 = vector.shape_cast %get3A_1411 : vector<1x16xf32> to vector<16xf32>
      %add3A_1413 = arith.addf %add3A_1407, %get3A_1412 : vector<16xf32>
      %get3A_1414 = arith.constant 9 : i32
      %get3A_1415 = arith.index_cast %get3A_1414 : i32 to index
      %get3A_1416 = arith.constant 32 : index
      %get3A_1417 = tpu.vector_load %arg14[%get3A_1415, %get3A_1416] {strides = array<i32>} : memref<16x128xf32, #tpu.memory_space<vmem>>, vector<1x16xf32>,
      %get3A_1418 = vector.shape_cast %get3A_1417 : vector<1x16xf32> to vector<16xf32>
      %add3A_1419 = arith.addf %add3A_1413, %get3A_1418 : vector<16xf32>
      %get3A_1420 = arith.constant 10 : i32
      %get3A_1421 = arith.index_cast %get3A_1420 : i32 to index
      %get3A_1422 = arith.constant 32 : index
      %get3A_1423 = tpu.vector_load %arg14[%get3A_1421, %get3A_1422] {strides = array<i32>} : memref<16x128xf32, #tpu.memory_space<vmem>>, vector<1x16xf32>,
      %get3A_1424 = vector.shape_cast %get3A_1423 : vector<1x16xf32> to vector<16xf32>
      %add3A_1425 = arith.addf %add3A_1419, %get3A_1424 : vector<16xf32>
      %get3A_1426 = arith.constant 11 : i32
      %get3A_1427 = arith.index_cast %get3A_1426 : i32 to index
      %get3A_1428 = arith.constant 32 : index
      %get3A_1429 = tpu.vector_load %arg14[%get3A_1427, %get3A_1428] {strides = array<i32>} : memref<16x128xf32, #tpu.memory_space<vmem>>, vector<1x16xf32>,
      %get3A_1430 = vector.shape_cast %get3A_1429 : vector<1x16xf32> to vector<16xf32>
      %add3A_1431 = arith.addf %add3A_1425, %get3A_1430 : vector<16xf32>
      %get3A_1432 = arith.constant 12 : i32
      %get3A_1433 = arith.index_cast %get3A_1432 : i32 to index
      %get3A_1434 = arith.constant 32 : index
      %get3A_1435 = tpu.vector_load %arg14[%get3A_1433, %get3A_1434] {strides = array<i32>} : memref<16x128xf32, #tpu.memory_space<vmem>>, vector<1x16xf32>,
      %get3A_1436 = vector.shape_cast %get3A_1435 : vector<1x16xf32> to vector<16xf32>
      %add3A_1437 = arith.addf %add3A_1431, %get3A_1436 : vector<16xf32>
      %get3A_1438 = arith.constant 13 : i32
      %get3A_1439 = arith.index_cast %get3A_1438 : i32 to index
      %get3A_1440 = arith.constant 32 : index
      %get3A_1441 = tpu.vector_load %arg14[%get3A_1439, %get3A_1440] {strides = array<i32>} : memref<16x128xf32, #tpu.memory_space<vmem>>, vector<1x16xf32>,
      %get3A_1442 = vector.shape_cast %get3A_1441 : vector<1x16xf32> to vector<16xf32>
      %add3A_1443 = arith.addf %add3A_1437, %get3A_1442 : vector<16xf32>
      %get3A_1444 = arith.constant 14 : i32
      %get3A_1445 = arith.index_cast %get3A_1444 : i32 to index
      %get3A_1446 = arith.constant 32 : index
      %get3A_1447 = tpu.vector_load %arg14[%get3A_1445, %get3A_1446] {strides = array<i32>} : memref<16x128xf32, #tpu.memory_space<vmem>>, vector<1x16xf32>,
      %get3A_1448 = vector.shape_cast %get3A_1447 : vector<1x16xf32> to vector<16xf32>
      %add3A_1449 = arith.addf %add3A_1443, %get3A_1448 : vector<16xf32>
      %get3A_1450 = arith.constant 15 : i32
      %get3A_1451 = arith.index_cast %get3A_1450 : i32 to index
      %get3A_1452 = arith.constant 32 : index
      %get3A_1453 = tpu.vector_load %arg14[%get3A_1451, %get3A_1452] {strides = array<i32>} : memref<16x128xf32, #tpu.memory_space<vmem>>, vector<1x16xf32>,
      %get3A_1454 = vector.shape_cast %get3A_1453 : vector<1x16xf32> to vector<16xf32>
      %add3A_1455 = arith.addf %add3A_1449, %get3A_1454 : vector<16xf32>
      %swap3A_1456 = arith.constant 32 : index
      %swap3A_1457 = tpu.vector_load %arg13[%swap3A_1456] {strides = array<i32>} : memref<128xf32, #tpu.memory_space<vmem>>, vector<16xf32>,
      %swap3A_1458 = vector.shape_cast %swap3A_1457 : vector<16xf32> to vector<16xf32>
      %swap3A_1459 = vector.shape_cast %add3A_1455 : vector<16xf32> to vector<16xf32>
      tpu.vector_store %arg13[%swap3A_1456], %swap3A_1459 {strides = array<i32>} : memref<128xf32, #tpu.memory_space<vmem>>, vector<16xf32>,
      %get3A_1460 = arith.constant 0 : i32
      %get3A_1461 = arith.index_cast %get3A_1460 : i32 to index
      %get3A_1462 = arith.constant 48 : index
      %get3A_1463 = tpu.vector_load %arg14[%get3A_1461, %get3A_1462] {strides = array<i32>} : memref<16x128xf32, #tpu.memory_space<vmem>>, vector<1x16xf32>,
      %get3A_1464 = vector.shape_cast %get3A_1463 : vector<1x16xf32> to vector<16xf32>
      %get3A_1465 = arith.constant 1 : i32
      %get3A_1466 = arith.index_cast %get3A_1465 : i32 to index
      %get3A_1467 = arith.constant 48 : index
      %get3A_1468 = tpu.vector_load %arg14[%get3A_1466, %get3A_1467] {strides = array<i32>} : memref<16x128xf32, #tpu.memory_space<vmem>>, vector<1x16xf32>,
      %get3A_1469 = vector.shape_cast %get3A_1468 : vector<1x16xf32> to vector<16xf32>
      %add3A_1470 = arith.addf %get3A_1464, %get3A_1469 : vector<16xf32>
      %get3A_1471 = arith.constant 2 : i32
      %get3A_1472 = arith.index_cast %get3A_1471 : i32 to index
      %get3A_1473 = arith.constant 48 : index
      %get3A_1474 = tpu.vector_load %arg14[%get3A_1472, %get3A_1473] {strides = array<i32>} : memref<16x128xf32, #tpu.memory_space<vmem>>, vector<1x16xf32>,
      %get3A_1475 = vector.shape_cast %get3A_1474 : vector<1x16xf32> to vector<16xf32>
      %add3A_1476 = arith.addf %add3A_1470, %get3A_1475 : vector<16xf32>
      %get3A_1477 = arith.constant 3 : i32
      %get3A_1478 = arith.index_cast %get3A_1477 : i32 to index
      %get3A_1479 = arith.constant 48 : index
      %get3A_1480 = tpu.vector_load %arg14[%get3A_1478, %get3A_1479] {strides = array<i32>} : memref<16x128xf32, #tpu.memory_space<vmem>>, vector<1x16xf32>,
      %get3A_1481 = vector.shape_cast %get3A_1480 : vector<1x16xf32> to vector<16xf32>
      %add3A_1482 = arith.addf %add3A_1476, %get3A_1481 : vector<16xf32>
      %get3A_1483 = arith.constant 4 : i32
      %get3A_1484 = arith.index_cast %get3A_1483 : i32 to index
      %get3A_1485 = arith.constant 48 : index
      %get3A_1486 = tpu.vector_load %arg14[%get3A_1484, %get3A_1485] {strides = array<i32>} : memref<16x128xf32, #tpu.memory_space<vmem>>, vector<1x16xf32>,
      %get3A_1487 = vector.shape_cast %get3A_1486 : vector<1x16xf32> to vector<16xf32>
      %add3A_1488 = arith.addf %add3A_1482, %get3A_1487 : vector<16xf32>
      %get3A_1489 = arith.constant 5 : i32
      %get3A_1490 = arith.index_cast %get3A_1489 : i32 to index
      %get3A_1491 = arith.constant 48 : index
      %get3A_1492 = tpu.vector_load %arg14[%get3A_1490, %get3A_1491] {strides = array<i32>} : memref<16x128xf32, #tpu.memory_space<vmem>>, vector<1x16xf32>,
      %get3A_1493 = vector.shape_cast %get3A_1492 : vector<1x16xf32> to vector<16xf32>
      %add3A_1494 = arith.addf %add3A_1488, %get3A_1493 : vector<16xf32>
      %get3A_1495 = arith.constant 6 : i32
      %get3A_1496 = arith.index_cast %get3A_1495 : i32 to index
      %get3A_1497 = arith.constant 48 : index
      %get3A_1498 = tpu.vector_load %arg14[%get3A_1496, %get3A_1497] {strides = array<i32>} : memref<16x128xf32, #tpu.memory_space<vmem>>, vector<1x16xf32>,
      %get3A_1499 = vector.shape_cast %get3A_1498 : vector<1x16xf32> to vector<16xf32>
      %add3A_1500 = arith.addf %add3A_1494, %get3A_1499 : vector<16xf32>
      %get3A_1501 = arith.constant 7 : i32
      %get3A_1502 = arith.index_cast %get3A_1501 : i32 to index
      %get3A_1503 = arith.constant 48 : index
      %get3A_1504 = tpu.vector_load %arg14[%get3A_1502, %get3A_1503] {strides = array<i32>} : memref<16x128xf32, #tpu.memory_space<vmem>>, vector<1x16xf32>,
      %get3A_1505 = vector.shape_cast %get3A_1504 : vector<1x16xf32> to vector<16xf32>
      %add3A_1506 = arith.addf %add3A_1500, %get3A_1505 : vector<16xf32>
      %get3A_1507 = arith.constant 8 : i32
      %get3A_1508 = arith.index_cast %get3A_1507 : i32 to index
      %get3A_1509 = arith.constant 48 : index
      %get3A_1510 = tpu.vector_load %arg14[%get3A_1508, %get3A_1509] {strides = array<i32>} : memref<16x128xf32, #tpu.memory_space<vmem>>, vector<1x16xf32>,
      %get3A_1511 = vector.shape_cast %get3A_1510 : vector<1x16xf32> to vector<16xf32>
      %add3A_1512 = arith.addf %add3A_1506, %get3A_1511 : vector<16xf32>
      %get3A_1513 = arith.constant 9 : i32
      %get3A_1514 = arith.index_cast %get3A_1513 : i32 to index
      %get3A_1515 = arith.constant 48 : index
      %get3A_1516 = tpu.vector_load %arg14[%get3A_1514, %get3A_1515] {strides = array<i32>} : memref<16x128xf32, #tpu.memory_space<vmem>>, vector<1x16xf32>,
      %get3A_1517 = vector.shape_cast %get3A_1516 : vector<1x16xf32> to vector<16xf32>
      %add3A_1518 = arith.addf %add3A_1512, %get3A_1517 : vector<16xf32>
      %get3A_1519 = arith.constant 10 : i32
      %get3A_1520 = arith.index_cast %get3A_1519 : i32 to index
      %get3A_1521 = arith.constant 48 : index
      %get3A_1522 = tpu.vector_load %arg14[%get3A_1520, %get3A_1521] {strides = array<i32>} : memref<16x128xf32, #tpu.memory_space<vmem>>, vector<1x16xf32>,
      %get3A_1523 = vector.shape_cast %get3A_1522 : vector<1x16xf32> to vector<16xf32>
      %add3A_1524 = arith.addf %add3A_1518, %get3A_1523 : vector<16xf32>
      %get3A_1525 = arith.constant 11 : i32
      %get3A_1526 = arith.index_cast %get3A_1525 : i32 to index
      %get3A_1527 = arith.constant 48 : index
      %get3A_1528 = tpu.vector_load %arg14[%get3A_1526, %get3A_1527] {strides = array<i32>} : memref<16x128xf32, #tpu.memory_space<vmem>>, vector<1x16xf32>,
      %get3A_1529 = vector.shape_cast %get3A_1528 : vector<1x16xf32> to vector<16xf32>
      %add3A_1530 = arith.addf %add3A_1524, %get3A_1529 : vector<16xf32>
      %get3A_1531 = arith.constant 12 : i32
      %get3A_1532 = arith.index_cast %get3A_1531 : i32 to index
      %get3A_1533 = arith.constant 48 : index
      %get3A_1534 = tpu.vector_load %arg14[%get3A_1532, %get3A_1533] {strides = array<i32>} : memref<16x128xf32, #tpu.memory_space<vmem>>, vector<1x16xf32>,
      %get3A_1535 = vector.shape_cast %get3A_1534 : vector<1x16xf32> to vector<16xf32>
      %add3A_1536 = arith.addf %add3A_1530, %get3A_1535 : vector<16xf32>
      %get3A_1537 = arith.constant 13 : i32
      %get3A_1538 = arith.index_cast %get3A_1537 : i32 to index
      %get3A_1539 = arith.constant 48 : index
      %get3A_1540 = tpu.vector_load %arg14[%get3A_1538, %get3A_1539] {strides = array<i32>} : memref<16x128xf32, #tpu.memory_space<vmem>>, vector<1x16xf32>,
      %get3A_1541 = vector.shape_cast %get3A_1540 : vector<1x16xf32> to vector<16xf32>
      %add3A_1542 = arith.addf %add3A_1536, %get3A_1541 : vector<16xf32>
      %get3A_1543 = arith.constant 14 : i32
      %get3A_1544 = arith.index_cast %get3A_1543 : i32 to index
      %get3A_1545 = arith.constant 48 : index
      %get3A_1546 = tpu.vector_load %arg14[%get3A_1544, %get3A_1545] {strides = array<i32>} : memref<16x128xf32, #tpu.memory_space<vmem>>, vector<1x16xf32>,
      %get3A_1547 = vector.shape_cast %get3A_1546 : vector<1x16xf32> to vector<16xf32>
      %add3A_1548 = arith.addf %add3A_1542, %get3A_1547 : vector<16xf32>
      %get3A_1549 = arith.constant 15 : i32
      %get3A_1550 = arith.index_cast %get3A_1549 : i32 to index
      %get3A_1551 = arith.constant 48 : index
      %get3A_1552 = tpu.vector_load %arg14[%get3A_1550, %get3A_1551] {strides = array<i32>} : memref<16x128xf32, #tpu.memory_space<vmem>>, vector<1x16xf32>,
      %get3A_1553 = vector.shape_cast %get3A_1552 : vector<1x16xf32> to vector<16xf32>
      %add3A_1554 = arith.addf %add3A_1548, %get3A_1553 : vector<16xf32>
      %swap3A_1555 = arith.constant 48 : index
      %swap3A_1556 = tpu.vector_load %arg13[%swap3A_1555] {strides = array<i32>} : memref<128xf32, #tpu.memory_space<vmem>>, vector<16xf32>,
      %swap3A_1557 = vector.shape_cast %swap3A_1556 : vector<16xf32> to vector<16xf32>
      %swap3A_1558 = vector.shape_cast %add3A_1554 : vector<16xf32> to vector<16xf32>
      tpu.vector_store %arg13[%swap3A_1555], %swap3A_1558 {strides = array<i32>} : memref<128xf32, #tpu.memory_space<vmem>>, vector<16xf32>,
      %get3A_1559 = arith.constant 0 : i32
      %get3A_1560 = arith.index_cast %get3A_1559 : i32 to index
      %get3A_1561 = arith.constant 64 : index
      %get3A_1562 = tpu.vector_load %arg14[%get3A_1560, %get3A_1561] {strides = array<i32>} : memref<16x128xf32, #tpu.memory_space<vmem>>, vector<1x16xf32>,
      %get3A_1563 = vector.shape_cast %get3A_1562 : vector<1x16xf32> to vector<16xf32>
      %get3A_1564 = arith.constant 1 : i32
      %get3A_1565 = arith.index_cast %get3A_1564 : i32 to index
      %get3A_1566 = arith.constant 64 : index
      %get3A_1567 = tpu.vector_load %arg14[%get3A_1565, %get3A_1566] {strides = array<i32>} : memref<16x128xf32, #tpu.memory_space<vmem>>, vector<1x16xf32>,
      %get3A_1568 = vector.shape_cast %get3A_1567 : vector<1x16xf32> to vector<16xf32>
      %add3A_1569 = arith.addf %get3A_1563, %get3A_1568 : vector<16xf32>
      %get3A_1570 = arith.constant 2 : i32
      %get3A_1571 = arith.index_cast %get3A_1570 : i32 to index
      %get3A_1572 = arith.constant 64 : index
      %get3A_1573 = tpu.vector_load %arg14[%get3A_1571, %get3A_1572] {strides = array<i32>} : memref<16x128xf32, #tpu.memory_space<vmem>>, vector<1x16xf32>,
      %get3A_1574 = vector.shape_cast %get3A_1573 : vector<1x16xf32> to vector<16xf32>
      %add3A_1575 = arith.addf %add3A_1569, %get3A_1574 : vector<16xf32>
      %get3A_1576 = arith.constant 3 : i32
      %get3A_1577 = arith.index_cast %get3A_1576 : i32 to index
      %get3A_1578 = arith.constant 64 : index
      %get3A_1579 = tpu.vector_load %arg14[%get3A_1577, %get3A_1578] {strides = array<i32>} : memref<16x128xf32, #tpu.memory_space<vmem>>, vector<1x16xf32>,
      %get3A_1580 = vector.shape_cast %get3A_1579 : vector<1x16xf32> to vector<16xf32>
      %add3A_1581 = arith.addf %add3A_1575, %get3A_1580 : vector<16xf32>
      %get3A_1582 = arith.constant 4 : i32
      %get3A_1583 = arith.index_cast %get3A_1582 : i32 to index
      %get3A_1584 = arith.constant 64 : index
      %get3A_1585 = tpu.vector_load %arg14[%get3A_1583, %get3A_1584] {strides = array<i32>} : memref<16x128xf32, #tpu.memory_space<vmem>>, vector<1x16xf32>,
      %get3A_1586 = vector.shape_cast %get3A_1585 : vector<1x16xf32> to vector<16xf32>
      %add3A_1587 = arith.addf %add3A_1581, %get3A_1586 : vector<16xf32>
      %get3A_1588 = arith.constant 5 : i32
      %get3A_1589 = arith.index_cast %get3A_1588 : i32 to index
      %get3A_1590 = arith.constant 64 : index
      %get3A_1591 = tpu.vector_load %arg14[%get3A_1589, %get3A_1590] {strides = array<i32>} : memref<16x128xf32, #tpu.memory_space<vmem>>, vector<1x16xf32>,
      %get3A_1592 = vector.shape_cast %get3A_1591 : vector<1x16xf32> to vector<16xf32>
      %add3A_1593 = arith.addf %add3A_1587, %get3A_1592 : vector<16xf32>
      %get3A_1594 = arith.constant 6 : i32
      %get3A_1595 = arith.index_cast %get3A_1594 : i32 to index
      %get3A_1596 = arith.constant 64 : index
      %get3A_1597 = tpu.vector_load %arg14[%get3A_1595, %get3A_1596] {strides = array<i32>} : memref<16x128xf32, #tpu.memory_space<vmem>>, vector<1x16xf32>,
      %get3A_1598 = vector.shape_cast %get3A_1597 : vector<1x16xf32> to vector<16xf32>
      %add3A_1599 = arith.addf %add3A_1593, %get3A_1598 : vector<16xf32>
      %get3A_1600 = arith.constant 7 : i32
      %get3A_1601 = arith.index_cast %get3A_1600 : i32 to index
      %get3A_1602 = arith.constant 64 : index
      %get3A_1603 = tpu.vector_load %arg14[%get3A_1601, %get3A_1602] {strides = array<i32>} : memref<16x128xf32, #tpu.memory_space<vmem>>, vector<1x16xf32>,
      %get3A_1604 = vector.shape_cast %get3A_1603 : vector<1x16xf32> to vector<16xf32>
      %add3A_1605 = arith.addf %add3A_1599, %get3A_1604 : vector<16xf32>
      %get3A_1606 = arith.constant 8 : i32
      %get3A_1607 = arith.index_cast %get3A_1606 : i32 to index
      %get3A_1608 = arith.constant 64 : index
      %get3A_1609 = tpu.vector_load %arg14[%get3A_1607, %get3A_1608] {strides = array<i32>} : memref<16x128xf32, #tpu.memory_space<vmem>>, vector<1x16xf32>,
      %get3A_1610 = vector.shape_cast %get3A_1609 : vector<1x16xf32> to vector<16xf32>
      %add3A_1611 = arith.addf %add3A_1605, %get3A_1610 : vector<16xf32>
      %get3A_1612 = arith.constant 9 : i32
      %get3A_1613 = arith.index_cast %get3A_1612 : i32 to index
      %get3A_1614 = arith.constant 64 : index
      %get3A_1615 = tpu.vector_load %arg14[%get3A_1613, %get3A_1614] {strides = array<i32>} : memref<16x128xf32, #tpu.memory_space<vmem>>, vector<1x16xf32>,
      %get3A_1616 = vector.shape_cast %get3A_1615 : vector<1x16xf32> to vector<16xf32>
      %add3A_1617 = arith.addf %add3A_1611, %get3A_1616 : vector<16xf32>
      %get3A_1618 = arith.constant 10 : i32
      %get3A_1619 = arith.index_cast %get3A_1618 : i32 to index
      %get3A_1620 = arith.constant 64 : index
      %get3A_1621 = tpu.vector_load %arg14[%get3A_1619, %get3A_1620] {strides = array<i32>} : memref<16x128xf32, #tpu.memory_space<vmem>>, vector<1x16xf32>,
      %get3A_1622 = vector.shape_cast %get3A_1621 : vector<1x16xf32> to vector<16xf32>
      %add3A_1623 = arith.addf %add3A_1617, %get3A_1622 : vector<16xf32>
      %get3A_1624 = arith.constant 11 : i32
      %get3A_1625 = arith.index_cast %get3A_1624 : i32 to index
      %get3A_1626 = arith.constant 64 : index
      %get3A_1627 = tpu.vector_load %arg14[%get3A_1625, %get3A_1626] {strides = array<i32>} : memref<16x128xf32, #tpu.memory_space<vmem>>, vector<1x16xf32>,
      %get3A_1628 = vector.shape_cast %get3A_1627 : vector<1x16xf32> to vector<16xf32>
      %add3A_1629 = arith.addf %add3A_1623, %get3A_1628 : vector<16xf32>
      %get3A_1630 = arith.constant 12 : i32
      %get3A_1631 = arith.index_cast %get3A_1630 : i32 to index
      %get3A_1632 = arith.constant 64 : index
      %get3A_1633 = tpu.vector_load %arg14[%get3A_1631, %get3A_1632] {strides = array<i32>} : memref<16x128xf32, #tpu.memory_space<vmem>>, vector<1x16xf32>,
      %get3A_1634 = vector.shape_cast %get3A_1633 : vector<1x16xf32> to vector<16xf32>
      %add3A_1635 = arith.addf %add3A_1629, %get3A_1634 : vector<16xf32>
      %get3A_1636 = arith.constant 13 : i32
      %get3A_1637 = arith.index_cast %get3A_1636 : i32 to index
      %get3A_1638 = arith.constant 64 : index
      %get3A_1639 = tpu.vector_load %arg14[%get3A_1637, %get3A_1638] {strides = array<i32>} : memref<16x128xf32, #tpu.memory_space<vmem>>, vector<1x16xf32>,
      %get3A_1640 = vector.shape_cast %get3A_1639 : vector<1x16xf32> to vector<16xf32>
      %add3A_1641 = arith.addf %add3A_1635, %get3A_1640 : vector<16xf32>
      %get3A_1642 = arith.constant 14 : i32
      %get3A_1643 = arith.index_cast %get3A_1642 : i32 to index
      %get3A_1644 = arith.constant 64 : index
      %get3A_1645 = tpu.vector_load %arg14[%get3A_1643, %get3A_1644] {strides = array<i32>} : memref<16x128xf32, #tpu.memory_space<vmem>>, vector<1x16xf32>,
      %get3A_1646 = vector.shape_cast %get3A_1645 : vector<1x16xf32> to vector<16xf32>
      %add3A_1647 = arith.addf %add3A_1641, %get3A_1646 : vector<16xf32>
      %get3A_1648 = arith.constant 15 : i32
      %get3A_1649 = arith.index_cast %get3A_1648 : i32 to index
      %get3A_1650 = arith.constant 64 : index
      %get3A_1651 = tpu.vector_load %arg14[%get3A_1649, %get3A_1650] {strides = array<i32>} : memref<16x128xf32, #tpu.memory_space<vmem>>, vector<1x16xf32>,
      %get3A_1652 = vector.shape_cast %get3A_1651 : vector<1x16xf32> to vector<16xf32>
      %add3A_1653 = arith.addf %add3A_1647, %get3A_1652 : vector<16xf32>
      %swap3A_1654 = arith.constant 64 : index
      %swap3A_1655 = tpu.vector_load %arg13[%swap3A_1654] {strides = array<i32>} : memref<128xf32, #tpu.memory_space<vmem>>, vector<16xf32>,
      %swap3A_1656 = vector.shape_cast %swap3A_1655 : vector<16xf32> to vector<16xf32>
      %swap3A_1657 = vector.shape_cast %add3A_1653 : vector<16xf32> to vector<16xf32>
      tpu.vector_store %arg13[%swap3A_1654], %swap3A_1657 {strides = array<i32>} : memref<128xf32, #tpu.memory_space<vmem>>, vector<16xf32>,
      %get3A_1658 = arith.constant 0 : i32
      %get3A_1659 = arith.index_cast %get3A_1658 : i32 to index
      %get3A_1660 = arith.constant 80 : index
      %get3A_1661 = tpu.vector_load %arg14[%get3A_1659, %get3A_1660] {strides = array<i32>} : memref<16x128xf32, #tpu.memory_space<vmem>>, vector<1x16xf32>,
      %get3A_1662 = vector.shape_cast %get3A_1661 : vector<1x16xf32> to vector<16xf32>
      %get3A_1663 = arith.constant 1 : i32
      %get3A_1664 = arith.index_cast %get3A_1663 : i32 to index
      %get3A_1665 = arith.constant 80 : index
      %get3A_1666 = tpu.vector_load %arg14[%get3A_1664, %get3A_1665] {strides = array<i32>} : memref<16x128xf32, #tpu.memory_space<vmem>>, vector<1x16xf32>,
      %get3A_1667 = vector.shape_cast %get3A_1666 : vector<1x16xf32> to vector<16xf32>
      %add3A_1668 = arith.addf %get3A_1662, %get3A_1667 : vector<16xf32>
      %get3A_1669 = arith.constant 2 : i32
      %get3A_1670 = arith.index_cast %get3A_1669 : i32 to index
      %get3A_1671 = arith.constant 80 : index
      %get3A_1672 = tpu.vector_load %arg14[%get3A_1670, %get3A_1671] {strides = array<i32>} : memref<16x128xf32, #tpu.memory_space<vmem>>, vector<1x16xf32>,
      %get3A_1673 = vector.shape_cast %get3A_1672 : vector<1x16xf32> to vector<16xf32>
      %add3A_1674 = arith.addf %add3A_1668, %get3A_1673 : vector<16xf32>
      %get3A_1675 = arith.constant 3 : i32
      %get3A_1676 = arith.index_cast %get3A_1675 : i32 to index
      %get3A_1677 = arith.constant 80 : index
      %get3A_1678 = tpu.vector_load %arg14[%get3A_1676, %get3A_1677] {strides = array<i32>} : memref<16x128xf32, #tpu.memory_space<vmem>>, vector<1x16xf32>,
      %get3A_1679 = vector.shape_cast %get3A_1678 : vector<1x16xf32> to vector<16xf32>
      %add3A_1680 = arith.addf %add3A_1674, %get3A_1679 : vector<16xf32>
      %get3A_1681 = arith.constant 4 : i32
      %get3A_1682 = arith.index_cast %get3A_1681 : i32 to index
      %get3A_1683 = arith.constant 80 : index
      %get3A_1684 = tpu.vector_load %arg14[%get3A_1682, %get3A_1683] {strides = array<i32>} : memref<16x128xf32, #tpu.memory_space<vmem>>, vector<1x16xf32>,
      %get3A_1685 = vector.shape_cast %get3A_1684 : vector<1x16xf32> to vector<16xf32>
      %add3A_1686 = arith.addf %add3A_1680, %get3A_1685 : vector<16xf32>
      %get3A_1687 = arith.constant 5 : i32
      %get3A_1688 = arith.index_cast %get3A_1687 : i32 to index
      %get3A_1689 = arith.constant 80 : index
      %get3A_1690 = tpu.vector_load %arg14[%get3A_1688, %get3A_1689] {strides = array<i32>} : memref<16x128xf32, #tpu.memory_space<vmem>>, vector<1x16xf32>,
      %get3A_1691 = vector.shape_cast %get3A_1690 : vector<1x16xf32> to vector<16xf32>
      %add3A_1692 = arith.addf %add3A_1686, %get3A_1691 : vector<16xf32>
      %get3A_1693 = arith.constant 6 : i32
      %get3A_1694 = arith.index_cast %get3A_1693 : i32 to index
      %get3A_1695 = arith.constant 80 : index
      %get3A_1696 = tpu.vector_load %arg14[%get3A_1694, %get3A_1695] {strides = array<i32>} : memref<16x128xf32, #tpu.memory_space<vmem>>, vector<1x16xf32>,
      %get3A_1697 = vector.shape_cast %get3A_1696 : vector<1x16xf32> to vector<16xf32>
      %add3A_1698 = arith.addf %add3A_1692, %get3A_1697 : vector<16xf32>
      %get3A_1699 = arith.constant 7 : i32
      %get3A_1700 = arith.index_cast %get3A_1699 : i32 to index
      %get3A_1701 = arith.constant 80 : index
      %get3A_1702 = tpu.vector_load %arg14[%get3A_1700, %get3A_1701] {strides = array<i32>} : memref<16x128xf32, #tpu.memory_space<vmem>>, vector<1x16xf32>,
      %get3A_1703 = vector.shape_cast %get3A_1702 : vector<1x16xf32> to vector<16xf32>
      %add3A_1704 = arith.addf %add3A_1698, %get3A_1703 : vector<16xf32>
      %get3A_1705 = arith.constant 8 : i32
      %get3A_1706 = arith.index_cast %get3A_1705 : i32 to index
      %get3A_1707 = arith.constant 80 : index
      %get3A_1708 = tpu.vector_load %arg14[%get3A_1706, %get3A_1707] {strides = array<i32>} : memref<16x128xf32, #tpu.memory_space<vmem>>, vector<1x16xf32>,
      %get3A_1709 = vector.shape_cast %get3A_1708 : vector<1x16xf32> to vector<16xf32>
      %add3A_1710 = arith.addf %add3A_1704, %get3A_1709 : vector<16xf32>
      %get3A_1711 = arith.constant 9 : i32
      %get3A_1712 = arith.index_cast %get3A_1711 : i32 to index
      %get3A_1713 = arith.constant 80 : index
      %get3A_1714 = tpu.vector_load %arg14[%get3A_1712, %get3A_1713] {strides = array<i32>} : memref<16x128xf32, #tpu.memory_space<vmem>>, vector<1x16xf32>,
      %get3A_1715 = vector.shape_cast %get3A_1714 : vector<1x16xf32> to vector<16xf32>
      %add3A_1716 = arith.addf %add3A_1710, %get3A_1715 : vector<16xf32>
      %get3A_1717 = arith.constant 10 : i32
      %get3A_1718 = arith.index_cast %get3A_1717 : i32 to index
      %get3A_1719 = arith.constant 80 : index
      %get3A_1720 = tpu.vector_load %arg14[%get3A_1718, %get3A_1719] {strides = array<i32>} : memref<16x128xf32, #tpu.memory_space<vmem>>, vector<1x16xf32>,
      %get3A_1721 = vector.shape_cast %get3A_1720 : vector<1x16xf32> to vector<16xf32>
      %add3A_1722 = arith.addf %add3A_1716, %get3A_1721 : vector<16xf32>
      %get3A_1723 = arith.constant 11 : i32
      %get3A_1724 = arith.index_cast %get3A_1723 : i32 to index
      %get3A_1725 = arith.constant 80 : index
      %get3A_1726 = tpu.vector_load %arg14[%get3A_1724, %get3A_1725] {strides = array<i32>} : memref<16x128xf32, #tpu.memory_space<vmem>>, vector<1x16xf32>,
      %get3A_1727 = vector.shape_cast %get3A_1726 : vector<1x16xf32> to vector<16xf32>
      %add3A_1728 = arith.addf %add3A_1722, %get3A_1727 : vector<16xf32>
      %get3A_1729 = arith.constant 12 : i32
      %get3A_1730 = arith.index_cast %get3A_1729 : i32 to index
      %get3A_1731 = arith.constant 80 : index
      %get3A_1732 = tpu.vector_load %arg14[%get3A_1730, %get3A_1731] {strides = array<i32>} : memref<16x128xf32, #tpu.memory_space<vmem>>, vector<1x16xf32>,
      %get3A_1733 = vector.shape_cast %get3A_1732 : vector<1x16xf32> to vector<16xf32>
      %add3A_1734 = arith.addf %add3A_1728, %get3A_1733 : vector<16xf32>
      %get3A_1735 = arith.constant 13 : i32
      %get3A_1736 = arith.index_cast %get3A_1735 : i32 to index
      %get3A_1737 = arith.constant 80 : index
      %get3A_1738 = tpu.vector_load %arg14[%get3A_1736, %get3A_1737] {strides = array<i32>} : memref<16x128xf32, #tpu.memory_space<vmem>>, vector<1x16xf32>,
      %get3A_1739 = vector.shape_cast %get3A_1738 : vector<1x16xf32> to vector<16xf32>
      %add3A_1740 = arith.addf %add3A_1734, %get3A_1739 : vector<16xf32>
      %get3A_1741 = arith.constant 14 : i32
      %get3A_1742 = arith.index_cast %get3A_1741 : i32 to index
      %get3A_1743 = arith.constant 80 : index
      %get3A_1744 = tpu.vector_load %arg14[%get3A_1742, %get3A_1743] {strides = array<i32>} : memref<16x128xf32, #tpu.memory_space<vmem>>, vector<1x16xf32>,
      %get3A_1745 = vector.shape_cast %get3A_1744 : vector<1x16xf32> to vector<16xf32>
      %add3A_1746 = arith.addf %add3A_1740, %get3A_1745 : vector<16xf32>
      %get3A_1747 = arith.constant 15 : i32
      %get3A_1748 = arith.index_cast %get3A_1747 : i32 to index
      %get3A_1749 = arith.constant 80 : index
      %get3A_1750 = tpu.vector_load %arg14[%get3A_1748, %get3A_1749] {strides = array<i32>} : memref<16x128xf32, #tpu.memory_space<vmem>>, vector<1x16xf32>,
      %get3A_1751 = vector.shape_cast %get3A_1750 : vector<1x16xf32> to vector<16xf32>
      %add3A_1752 = arith.addf %add3A_1746, %get3A_1751 : vector<16xf32>
      %swap3A_1753 = arith.constant 80 : index
      %swap3A_1754 = tpu.vector_load %arg13[%swap3A_1753] {strides = array<i32>} : memref<128xf32, #tpu.memory_space<vmem>>, vector<16xf32>,
      %swap3A_1755 = vector.shape_cast %swap3A_1754 : vector<16xf32> to vector<16xf32>
      %swap3A_1756 = vector.shape_cast %add3A_1752 : vector<16xf32> to vector<16xf32>
      tpu.vector_store %arg13[%swap3A_1753], %swap3A_1756 {strides = array<i32>} : memref<128xf32, #tpu.memory_space<vmem>>, vector<16xf32>,
      %get3A_1757 = arith.constant 0 : i32
      %get3A_1758 = arith.index_cast %get3A_1757 : i32 to index
      %get3A_1759 = arith.constant 96 : index
      %get3A_1760 = tpu.vector_load %arg14[%get3A_1758, %get3A_1759] {strides = array<i32>} : memref<16x128xf32, #tpu.memory_space<vmem>>, vector<1x16xf32>,
      %get3A_1761 = vector.shape_cast %get3A_1760 : vector<1x16xf32> to vector<16xf32>
      %get3A_1762 = arith.constant 1 : i32
      %get3A_1763 = arith.index_cast %get3A_1762 : i32 to index
      %get3A_1764 = arith.constant 96 : index
      %get3A_1765 = tpu.vector_load %arg14[%get3A_1763, %get3A_1764] {strides = array<i32>} : memref<16x128xf32, #tpu.memory_space<vmem>>, vector<1x16xf32>,
      %get3A_1766 = vector.shape_cast %get3A_1765 : vector<1x16xf32> to vector<16xf32>
      %add3A_1767 = arith.addf %get3A_1761, %get3A_1766 : vector<16xf32>
      %get3A_1768 = arith.constant 2 : i32
      %get3A_1769 = arith.index_cast %get3A_1768 : i32 to index
      %get3A_1770 = arith.constant 96 : index
      %get3A_1771 = tpu.vector_load %arg14[%get3A_1769, %get3A_1770] {strides = array<i32>} : memref<16x128xf32, #tpu.memory_space<vmem>>, vector<1x16xf32>,
      %get3A_1772 = vector.shape_cast %get3A_1771 : vector<1x16xf32> to vector<16xf32>
      %add3A_1773 = arith.addf %add3A_1767, %get3A_1772 : vector<16xf32>
      %get3A_1774 = arith.constant 3 : i32
      %get3A_1775 = arith.index_cast %get3A_1774 : i32 to index
      %get3A_1776 = arith.constant 96 : index
      %get3A_1777 = tpu.vector_load %arg14[%get3A_1775, %get3A_1776] {strides = array<i32>} : memref<16x128xf32, #tpu.memory_space<vmem>>, vector<1x16xf32>,
      %get3A_1778 = vector.shape_cast %get3A_1777 : vector<1x16xf32> to vector<16xf32>
      %add3A_1779 = arith.addf %add3A_1773, %get3A_1778 : vector<16xf32>
      %get3A_1780 = arith.constant 4 : i32
      %get3A_1781 = arith.index_cast %get3A_1780 : i32 to index
      %get3A_1782 = arith.constant 96 : index
      %get3A_1783 = tpu.vector_load %arg14[%get3A_1781, %get3A_1782] {strides = array<i32>} : memref<16x128xf32, #tpu.memory_space<vmem>>, vector<1x16xf32>,
      %get3A_1784 = vector.shape_cast %get3A_1783 : vector<1x16xf32> to vector<16xf32>
      %add3A_1785 = arith.addf %add3A_1779, %get3A_1784 : vector<16xf32>
      %get3A_1786 = arith.constant 5 : i32
      %get3A_1787 = arith.index_cast %get3A_1786 : i32 to index
      %get3A_1788 = arith.constant 96 : index
      %get3A_1789 = tpu.vector_load %arg14[%get3A_1787, %get3A_1788] {strides = array<i32>} : memref<16x128xf32, #tpu.memory_space<vmem>>, vector<1x16xf32>,
      %get3A_1790 = vector.shape_cast %get3A_1789 : vector<1x16xf32> to vector<16xf32>
      %add3A_1791 = arith.addf %add3A_1785, %get3A_1790 : vector<16xf32>
      %get3A_1792 = arith.constant 6 : i32
      %get3A_1793 = arith.index_cast %get3A_1792 : i32 to index
      %get3A_1794 = arith.constant 96 : index
      %get3A_1795 = tpu.vector_load %arg14[%get3A_1793, %get3A_1794] {strides = array<i32>} : memref<16x128xf32, #tpu.memory_space<vmem>>, vector<1x16xf32>,
      %get3A_1796 = vector.shape_cast %get3A_1795 : vector<1x16xf32> to vector<16xf32>
      %add3A_1797 = arith.addf %add3A_1791, %get3A_1796 : vector<16xf32>
      %get3A_1798 = arith.constant 7 : i32
      %get3A_1799 = arith.index_cast %get3A_1798 : i32 to index
      %get3A_1800 = arith.constant 96 : index
      %get3A_1801 = tpu.vector_load %arg14[%get3A_1799, %get3A_1800] {strides = array<i32>} : memref<16x128xf32, #tpu.memory_space<vmem>>, vector<1x16xf32>,
      %get3A_1802 = vector.shape_cast %get3A_1801 : vector<1x16xf32> to vector<16xf32>
      %add3A_1803 = arith.addf %add3A_1797, %get3A_1802 : vector<16xf32>
      %get3A_1804 = arith.constant 8 : i32
      %get3A_1805 = arith.index_cast %get3A_1804 : i32 to index
      %get3A_1806 = arith.constant 96 : index
      %get3A_1807 = tpu.vector_load %arg14[%get3A_1805, %get3A_1806] {strides = array<i32>} : memref<16x128xf32, #tpu.memory_space<vmem>>, vector<1x16xf32>,
      %get3A_1808 = vector.shape_cast %get3A_1807 : vector<1x16xf32> to vector<16xf32>
      %add3A_1809 = arith.addf %add3A_1803, %get3A_1808 : vector<16xf32>
      %get3A_1810 = arith.constant 9 : i32
      %get3A_1811 = arith.index_cast %get3A_1810 : i32 to index
      %get3A_1812 = arith.constant 96 : index
      %get3A_1813 = tpu.vector_load %arg14[%get3A_1811, %get3A_1812] {strides = array<i32>} : memref<16x128xf32, #tpu.memory_space<vmem>>, vector<1x16xf32>,
      %get3A_1814 = vector.shape_cast %get3A_1813 : vector<1x16xf32> to vector<16xf32>
      %add3A_1815 = arith.addf %add3A_1809, %get3A_1814 : vector<16xf32>
      %get3A_1816 = arith.constant 10 : i32
      %get3A_1817 = arith.index_cast %get3A_1816 : i32 to index
      %get3A_1818 = arith.constant 96 : index
      %get3A_1819 = tpu.vector_load %arg14[%get3A_1817, %get3A_1818] {strides = array<i32>} : memref<16x128xf32, #tpu.memory_space<vmem>>, vector<1x16xf32>,
      %get3A_1820 = vector.shape_cast %get3A_1819 : vector<1x16xf32> to vector<16xf32>
      %add3A_1821 = arith.addf %add3A_1815, %get3A_1820 : vector<16xf32>
      %get3A_1822 = arith.constant 11 : i32
      %get3A_1823 = arith.index_cast %get3A_1822 : i32 to index
      %get3A_1824 = arith.constant 96 : index
      %get3A_1825 = tpu.vector_load %arg14[%get3A_1823, %get3A_1824] {strides = array<i32>} : memref<16x128xf32, #tpu.memory_space<vmem>>, vector<1x16xf32>,
      %get3A_1826 = vector.shape_cast %get3A_1825 : vector<1x16xf32> to vector<16xf32>
      %add3A_1827 = arith.addf %add3A_1821, %get3A_1826 : vector<16xf32>
      %get3A_1828 = arith.constant 12 : i32
      %get3A_1829 = arith.index_cast %get3A_1828 : i32 to index
      %get3A_1830 = arith.constant 96 : index
      %get3A_1831 = tpu.vector_load %arg14[%get3A_1829, %get3A_1830] {strides = array<i32>} : memref<16x128xf32, #tpu.memory_space<vmem>>, vector<1x16xf32>,
      %get3A_1832 = vector.shape_cast %get3A_1831 : vector<1x16xf32> to vector<16xf32>
      %add3A_1833 = arith.addf %add3A_1827, %get3A_1832 : vector<16xf32>
      %get3A_1834 = arith.constant 13 : i32
      %get3A_1835 = arith.index_cast %get3A_1834 : i32 to index
      %get3A_1836 = arith.constant 96 : index
      %get3A_1837 = tpu.vector_load %arg14[%get3A_1835, %get3A_1836] {strides = array<i32>} : memref<16x128xf32, #tpu.memory_space<vmem>>, vector<1x16xf32>,
      %get3A_1838 = vector.shape_cast %get3A_1837 : vector<1x16xf32> to vector<16xf32>
      %add3A_1839 = arith.addf %add3A_1833, %get3A_1838 : vector<16xf32>
      %get3A_1840 = arith.constant 14 : i32
      %get3A_1841 = arith.index_cast %get3A_1840 : i32 to index
      %get3A_1842 = arith.constant 96 : index
      %get3A_1843 = tpu.vector_load %arg14[%get3A_1841, %get3A_1842] {strides = array<i32>} : memref<16x128xf32, #tpu.memory_space<vmem>>, vector<1x16xf32>,
      %get3A_1844 = vector.shape_cast %get3A_1843 : vector<1x16xf32> to vector<16xf32>
      %add3A_1845 = arith.addf %add3A_1839, %get3A_1844 : vector<16xf32>
      %get3A_1846 = arith.constant 15 : i32
      %get3A_1847 = arith.index_cast %get3A_1846 : i32 to index
      %get3A_1848 = arith.constant 96 : index
      %get3A_1849 = tpu.vector_load %arg14[%get3A_1847, %get3A_1848] {strides = array<i32>} : memref<16x128xf32, #tpu.memory_space<vmem>>, vector<1x16xf32>,
      %get3A_1850 = vector.shape_cast %get3A_1849 : vector<1x16xf32> to vector<16xf32>
      %add3A_1851 = arith.addf %add3A_1845, %get3A_1850 : vector<16xf32>
      %swap3A_1852 = arith.constant 96 : index
      %swap3A_1853 = tpu.vector_load %arg13[%swap3A_1852] {strides = array<i32>} : memref<128xf32, #tpu.memory_space<vmem>>, vector<16xf32>,
      %swap3A_1854 = vector.shape_cast %swap3A_1853 : vector<16xf32> to vector<16xf32>
      %swap3A_1855 = vector.shape_cast %add3A_1851 : vector<16xf32> to vector<16xf32>
      tpu.vector_store %arg13[%swap3A_1852], %swap3A_1855 {strides = array<i32>} : memref<128xf32, #tpu.memory_space<vmem>>, vector<16xf32>,
      %get3A_1856 = arith.constant 0 : i32
      %get3A_1857 = arith.index_cast %get3A_1856 : i32 to index
      %get3A_1858 = arith.constant 112 : index
      %get3A_1859 = tpu.vector_load %arg14[%get3A_1857, %get3A_1858] {strides = array<i32>} : memref<16x128xf32, #tpu.memory_space<vmem>>, vector<1x16xf32>,
      %get3A_1860 = vector.shape_cast %get3A_1859 : vector<1x16xf32> to vector<16xf32>
      %get3A_1861 = arith.constant 1 : i32
      %get3A_1862 = arith.index_cast %get3A_1861 : i32 to index
      %get3A_1863 = arith.constant 112 : index
      %get3A_1864 = tpu.vector_load %arg14[%get3A_1862, %get3A_1863] {strides = array<i32>} : memref<16x128xf32, #tpu.memory_space<vmem>>, vector<1x16xf32>,
      %get3A_1865 = vector.shape_cast %get3A_1864 : vector<1x16xf32> to vector<16xf32>
      %add3A_1866 = arith.addf %get3A_1860, %get3A_1865 : vector<16xf32>
      %get3A_1867 = arith.constant 2 : i32
      %get3A_1868 = arith.index_cast %get3A_1867 : i32 to index
      %get3A_1869 = arith.constant 112 : index
      %get3A_1870 = tpu.vector_load %arg14[%get3A_1868, %get3A_1869] {strides = array<i32>} : memref<16x128xf32, #tpu.memory_space<vmem>>, vector<1x16xf32>,
      %get3A_1871 = vector.shape_cast %get3A_1870 : vector<1x16xf32> to vector<16xf32>
      %add3A_1872 = arith.addf %add3A_1866, %get3A_1871 : vector<16xf32>
      %get3A_1873 = arith.constant 3 : i32
      %get3A_1874 = arith.index_cast %get3A_1873 : i32 to index
      %get3A_1875 = arith.constant 112 : index
      %get3A_1876 = tpu.vector_load %arg14[%get3A_1874, %get3A_1875] {strides = array<i32>} : memref<16x128xf32, #tpu.memory_space<vmem>>, vector<1x16xf32>,
      %get3A_1877 = vector.shape_cast %get3A_1876 : vector<1x16xf32> to vector<16xf32>
      %add3A_1878 = arith.addf %add3A_1872, %get3A_1877 : vector<16xf32>
      %get3A_1879 = arith.constant 4 : i32
      %get3A_1880 = arith.index_cast %get3A_1879 : i32 to index
      %get3A_1881 = arith.constant 112 : index
      %get3A_1882 = tpu.vector_load %arg14[%get3A_1880, %get3A_1881] {strides = array<i32>} : memref<16x128xf32, #tpu.memory_space<vmem>>, vector<1x16xf32>,
      %get3A_1883 = vector.shape_cast %get3A_1882 : vector<1x16xf32> to vector<16xf32>
      %add3A_1884 = arith.addf %add3A_1878, %get3A_1883 : vector<16xf32>
      %get3A_1885 = arith.constant 5 : i32
      %get3A_1886 = arith.index_cast %get3A_1885 : i32 to index
      %get3A_1887 = arith.constant 112 : index
      %get3A_1888 = tpu.vector_load %arg14[%get3A_1886, %get3A_1887] {strides = array<i32>} : memref<16x128xf32, #tpu.memory_space<vmem>>, vector<1x16xf32>,
      %get3A_1889 = vector.shape_cast %get3A_1888 : vector<1x16xf32> to vector<16xf32>
      %add3A_1890 = arith.addf %add3A_1884, %get3A_1889 : vector<16xf32>
      %get3A_1891 = arith.constant 6 : i32
      %get3A_1892 = arith.index_cast %get3A_1891 : i32 to index
      %get3A_1893 = arith.constant 112 : index
      %get3A_1894 = tpu.vector_load %arg14[%get3A_1892, %get3A_1893] {strides = array<i32>} : memref<16x128xf32, #tpu.memory_space<vmem>>, vector<1x16xf32>,
      %get3A_1895 = vector.shape_cast %get3A_1894 : vector<1x16xf32> to vector<16xf32>
      %add3A_1896 = arith.addf %add3A_1890, %get3A_1895 : vector<16xf32>
      %get3A_1897 = arith.constant 7 : i32
      %get3A_1898 = arith.index_cast %get3A_1897 : i32 to index
      %get3A_1899 = arith.constant 112 : index
      %get3A_1900 = tpu.vector_load %arg14[%get3A_1898, %get3A_1899] {strides = array<i32>} : memref<16x128xf32, #tpu.memory_space<vmem>>, vector<1x16xf32>,
      %get3A_1901 = vector.shape_cast %get3A_1900 : vector<1x16xf32> to vector<16xf32>
      %add3A_1902 = arith.addf %add3A_1896, %get3A_1901 : vector<16xf32>
      %get3A_1903 = arith.constant 8 : i32
      %get3A_1904 = arith.index_cast %get3A_1903 : i32 to index
      %get3A_1905 = arith.constant 112 : index
      %get3A_1906 = tpu.vector_load %arg14[%get3A_1904, %get3A_1905] {strides = array<i32>} : memref<16x128xf32, #tpu.memory_space<vmem>>, vector<1x16xf32>,
      %get3A_1907 = vector.shape_cast %get3A_1906 : vector<1x16xf32> to vector<16xf32>
      %add3A_1908 = arith.addf %add3A_1902, %get3A_1907 : vector<16xf32>
      %get3A_1909 = arith.constant 9 : i32
      %get3A_1910 = arith.index_cast %get3A_1909 : i32 to index
      %get3A_1911 = arith.constant 112 : index
      %get3A_1912 = tpu.vector_load %arg14[%get3A_1910, %get3A_1911] {strides = array<i32>} : memref<16x128xf32, #tpu.memory_space<vmem>>, vector<1x16xf32>,
      %get3A_1913 = vector.shape_cast %get3A_1912 : vector<1x16xf32> to vector<16xf32>
      %add3A_1914 = arith.addf %add3A_1908, %get3A_1913 : vector<16xf32>
      %get3A_1915 = arith.constant 10 : i32
      %get3A_1916 = arith.index_cast %get3A_1915 : i32 to index
      %get3A_1917 = arith.constant 112 : index
      %get3A_1918 = tpu.vector_load %arg14[%get3A_1916, %get3A_1917] {strides = array<i32>} : memref<16x128xf32, #tpu.memory_space<vmem>>, vector<1x16xf32>,
      %get3A_1919 = vector.shape_cast %get3A_1918 : vector<1x16xf32> to vector<16xf32>
      %add3A_1920 = arith.addf %add3A_1914, %get3A_1919 : vector<16xf32>
      %get3A_1921 = arith.constant 11 : i32
      %get3A_1922 = arith.index_cast %get3A_1921 : i32 to index
      %get3A_1923 = arith.constant 112 : index
      %get3A_1924 = tpu.vector_load %arg14[%get3A_1922, %get3A_1923] {strides = array<i32>} : memref<16x128xf32, #tpu.memory_space<vmem>>, vector<1x16xf32>,
      %get3A_1925 = vector.shape_cast %get3A_1924 : vector<1x16xf32> to vector<16xf32>
      %add3A_1926 = arith.addf %add3A_1920, %get3A_1925 : vector<16xf32>
      %get3A_1927 = arith.constant 12 : i32
      %get3A_1928 = arith.index_cast %get3A_1927 : i32 to index
      %get3A_1929 = arith.constant 112 : index
      %get3A_1930 = tpu.vector_load %arg14[%get3A_1928, %get3A_1929] {strides = array<i32>} : memref<16x128xf32, #tpu.memory_space<vmem>>, vector<1x16xf32>,
      %get3A_1931 = vector.shape_cast %get3A_1930 : vector<1x16xf32> to vector<16xf32>
      %add3A_1932 = arith.addf %add3A_1926, %get3A_1931 : vector<16xf32>
      %get3A_1933 = arith.constant 13 : i32
      %get3A_1934 = arith.index_cast %get3A_1933 : i32 to index
      %get3A_1935 = arith.constant 112 : index
      %get3A_1936 = tpu.vector_load %arg14[%get3A_1934, %get3A_1935] {strides = array<i32>} : memref<16x128xf32, #tpu.memory_space<vmem>>, vector<1x16xf32>,
      %get3A_1937 = vector.shape_cast %get3A_1936 : vector<1x16xf32> to vector<16xf32>
      %add3A_1938 = arith.addf %add3A_1932, %get3A_1937 : vector<16xf32>
      %get3A_1939 = arith.constant 14 : i32
      %get3A_1940 = arith.index_cast %get3A_1939 : i32 to index
      %get3A_1941 = arith.constant 112 : index
      %get3A_1942 = tpu.vector_load %arg14[%get3A_1940, %get3A_1941] {strides = array<i32>} : memref<16x128xf32, #tpu.memory_space<vmem>>, vector<1x16xf32>,
      %get3A_1943 = vector.shape_cast %get3A_1942 : vector<1x16xf32> to vector<16xf32>
      %add3A_1944 = arith.addf %add3A_1938, %get3A_1943 : vector<16xf32>
      %get3A_1945 = arith.constant 15 : i32
      %get3A_1946 = arith.index_cast %get3A_1945 : i32 to index
      %get3A_1947 = arith.constant 112 : index
      %get3A_1948 = tpu.vector_load %arg14[%get3A_1946, %get3A_1947] {strides = array<i32>} : memref<16x128xf32, #tpu.memory_space<vmem>>, vector<1x16xf32>,
      %get3A_1949 = vector.shape_cast %get3A_1948 : vector<1x16xf32> to vector<16xf32>
      %add3A_1950 = arith.addf %add3A_1944, %get3A_1949 : vector<16xf32>
      %swap3A_1951 = arith.constant 112 : index
      %swap3A_1952 = tpu.vector_load %arg13[%swap3A_1951] {strides = array<i32>} : memref<128xf32, #tpu.memory_space<vmem>>, vector<16xf32>,
      %swap3A_1953 = vector.shape_cast %swap3A_1952 : vector<16xf32> to vector<16xf32>
      %swap3A_1954 = vector.shape_cast %add3A_1950 : vector<16xf32> to vector<16xf32>
      tpu.vector_store %arg13[%swap3A_1951], %swap3A_1954 {strides = array<i32>} : memref<128xf32, #tpu.memory_space<vmem>>, vector<16xf32>,
      "tpu.region"() ({
        %run_scoped3A = tpu.sem_alloc : memref<!tpu.dma_semaphore, #tpu.memory_space<semaphore_mem>>
        %dma_start3A_1955 = arith.constant 0 : i32
        %dma_start3A_1956 = tpu.memref_slice %arg6[%arg0, %dma_start3A_1955] : memref<2x128xf32, #tpu.memory_space<hbm>> -> memref<1x128xf32, #tpu.memory_space<hbm>>
        %dma_start3A_1957 = tpu.memref_squeeze %dma_start3A_1956 : memref<1x128xf32, #tpu.memory_space<hbm>> -> memref<128xf32, #tpu.memory_space<hbm>>
        %dma_start3A_1958 = arith.constant 0 : i32
        %dma_start3A_1959 = tpu.memref_slice %arg6[%arg0, %dma_start3A_1958] : memref<2x128xf32, #tpu.memory_space<hbm>> -> memref<1x128xf32, #tpu.memory_space<hbm>>
        %dma_start3A_1960 = tpu.memref_squeeze %dma_start3A_1959 : memref<1x128xf32, #tpu.memory_space<hbm>> -> memref<128xf32, #tpu.memory_space<hbm>>
        tpu.enqueue_dma source(%arg13 : memref<128xf32, #tpu.memory_space<vmem>>) target(%dma_start3A_1960 : memref<128xf32, #tpu.memory_space<hbm>>) target_semaphore(%run_scoped3A : memref<!tpu.dma_semaphore, #tpu.memory_space<semaphore_mem>>)
        %dma_wait3A_1961 = arith.constant 0 : i32
        %dma_wait3A_1962 = tpu.memref_slice %arg6[%arg0, %dma_wait3A_1961] : memref<2x128xf32, #tpu.memory_space<hbm>> -> memref<1x128xf32, #tpu.memory_space<hbm>>
        %dma_wait3A_1963 = tpu.memref_squeeze %dma_wait3A_1962 : memref<1x128xf32, #tpu.memory_space<hbm>> -> memref<128xf32, #tpu.memory_space<hbm>>
        %dma_wait3A_1964 = arith.constant 0 : i32
        %dma_wait3A_1965 = tpu.memref_slice %arg6[%arg0, %dma_wait3A_1964] : memref<2x128xf32, #tpu.memory_space<hbm>> -> memref<1x128xf32, #tpu.memory_space<hbm>>
        %dma_wait3A_1966 = tpu.memref_squeeze %dma_wait3A_1965 : memref<1x128xf32, #tpu.memory_space<hbm>> -> memref<128xf32, #tpu.memory_space<hbm>>
        tpu.wait_dma2 semaphore(%run_scoped3A : memref<!tpu.dma_semaphore, #tpu.memory_space<semaphore_mem>>) src(%arg13 : memref<128xf32, #tpu.memory_space<vmem>>) dst(%dma_wait3A_1966 : memref<128xf32, #tpu.memory_space<hbm>>)
        tpu.yield
      }) : () -> ()
    } else {
    }
    return
  }
}

module attributes {stable_mosaic.version = 14 : i64} {
  func.func @_stats_body(%arg0: i32, %arg1: memref<128x2048xf32, #tpu.memory_space<vmem>>, %arg2: memref<128x1xf32, #tpu.memory_space<vmem>>, %arg3: memref<128x1xf32, #tpu.memory_space<vmem>>, %arg4: memref<128x1xi32, #tpu.memory_space<vmem>>) attributes {dimension_semantics = [#tpu.dimension_semantics<arbitrary>], iteration_bounds = array<i64: 49>, scalar_prefetch = 0 : i64, scratch_operands = 0 : i64, tpu.core_type = #tpu.core_type<tc>, window_params = [{transform_indices = @transform_0, window_bounds = array<i64: 128, 2048>}, {pipeline_mode = #tpu.pipeline_mode<synchronous>, transform_indices = @transform_1, window_bounds = array<i64: 128, 1>}, {pipeline_mode = #tpu.pipeline_mode<synchronous>, transform_indices = @transform_2, window_bounds = array<i64: 128, 1>}, {pipeline_mode = #tpu.pipeline_mode<synchronous>, transform_indices = @transform_3, window_bounds = array<i64: 128, 1>}]} {
    %eq3A = arith.constant 0 : i32
    %eq3A_0 = arith.cmpi eq, %arg0, %eq3A : i32
    %convert_element_type3A = arith.extui %eq3A_0 : i1 to i32
    %cond3A = arith.constant 0 : i32
    %cond3A_1 = arith.cmpi ne, %convert_element_type3A, %cond3A : i32
    scf.if %cond3A_1 {
      %broadcast_in_dim3A_46 = arith.constant 0xFF800000 : f32
      %broadcast_in_dim3A_47 = vector.broadcast %broadcast_in_dim3A_46 : f32 to vector<128x1xf32>
      %swap3A_48 = arith.constant 0 : index
      %swap3A_49 = arith.constant 0 : index
      %swap3A_50 = vector.load %arg2[%swap3A_48, %swap3A_49] : memref<128x1xf32, #tpu.memory_space<vmem>>, vector<128x1xf32>
      tpu.vector_store %arg2[%swap3A_48, %swap3A_49], %broadcast_in_dim3A_47 {strides = array<i32>} : memref<128x1xf32, #tpu.memory_space<vmem>>, vector<128x1xf32>,
      %broadcast_in_dim3A_51 = arith.constant 0.000000e+00 : f32
      %broadcast_in_dim3A_52 = vector.broadcast %broadcast_in_dim3A_51 : f32 to vector<128x1xf32>
      %swap3A_53 = arith.constant 0 : index
      %swap3A_54 = arith.constant 0 : index
      %swap3A_55 = vector.load %arg3[%swap3A_53, %swap3A_54] : memref<128x1xf32, #tpu.memory_space<vmem>>, vector<128x1xf32>
      tpu.vector_store %arg3[%swap3A_53, %swap3A_54], %broadcast_in_dim3A_52 {strides = array<i32>} : memref<128x1xf32, #tpu.memory_space<vmem>>, vector<128x1xf32>,
      %broadcast_in_dim3A_56 = arith.constant 0 : i32
      %broadcast_in_dim3A_57 = vector.broadcast %broadcast_in_dim3A_56 : i32 to vector<128x1xi32>
      %swap3A_58 = arith.constant 0 : index
      %swap3A_59 = arith.constant 0 : index
      %swap3A_60 = vector.load %arg4[%swap3A_58, %swap3A_59] : memref<128x1xi32, #tpu.memory_space<vmem>>, vector<128x1xi32>
      tpu.vector_store %arg4[%swap3A_58, %swap3A_59], %broadcast_in_dim3A_57 {strides = array<i32>} : memref<128x1xi32, #tpu.memory_space<vmem>>, vector<128x1xi32>,
    } else {
    }
    %get3A = arith.constant 0 : index
    %get3A_2 = arith.constant 0 : index
    %get3A_3 = vector.load %arg1[%get3A, %get3A_2] : memref<128x2048xf32, #tpu.memory_space<vmem>>, vector<128x2048xf32>
    %mul3A = arith.constant 2048 : i32
    %mul3A_4 = arith.muli %arg0, %mul3A : i32
    %iota3A = tpu.iota {dimensions = array<i32: 1>} : vector<1x2048xi32>
    %add3A = vector.broadcast %mul3A_4 : i32 to vector<1x2048xi32>
    %add3A_5 = arith.addi %add3A, %iota3A : vector<1x2048xi32>
    %lt3A = arith.constant 100000 : i32
    %lt3A_6 = vector.broadcast %lt3A : i32 to vector<1x2048xi32>
    %lt3A_7 = arith.cmpi slt, %add3A_5, %lt3A_6 : vector<1x2048xi32>
    %jit3A = arith.constant 0xFF800000 : f32
    %broadcast_in_dim3A = vector.shape_cast %lt3A_7 : vector<1x2048xi1> to vector<1x2048xi1>
    %broadcast_in_dim3A_8 = vector.broadcast %broadcast_in_dim3A : vector<1x2048xi1> to vector<128x2048xi1>
    %broadcast_in_dim3A_9 = vector.broadcast %jit3A : f32 to vector<128x2048xf32>
    %select_n3A = arith.select %broadcast_in_dim3A_8, %get3A_3, %broadcast_in_dim3A_9 : vector<128x2048xi1>, vector<128x2048xf32>
    %get3A_10 = arith.constant 0 : index
    %get3A_11 = arith.constant 0 : index
    %get3A_12 = vector.load %arg2[%get3A_10, %get3A_11] : memref<128x1xf32, #tpu.memory_space<vmem>>, vector<128x1xf32>
    %reduce_max3A = arith.constant dense<0xFF800000> : vector<128xf32>
    %reduce_max3A_13 = vector.multi_reduction <maximumf>, %select_n3A, %reduce_max3A [1] : vector<128x2048xf32> to vector<128xf32>
    %broadcast_in_dim3A_14 = vector.shape_cast %reduce_max3A_13 : vector<128xf32> to vector<128x1xf32>
    %max3A = arith.maximumf %get3A_12, %broadcast_in_dim3A_14 : vector<128x1xf32>
    %sub3A = vector.broadcast %max3A : vector<128x1xf32> to vector<128x2048xf32>
    %sub3A_15 = arith.subf %select_n3A, %sub3A : vector<128x2048xf32>
    %exp3A = math.exp %sub3A_15 : vector<128x2048xf32>
    %get3A_16 = arith.constant 0 : index
    %get3A_17 = arith.constant 0 : index
    %get3A_18 = vector.load %arg3[%get3A_16, %get3A_17] : memref<128x1xf32, #tpu.memory_space<vmem>>, vector<128x1xf32>
    %sub3A_19 = arith.subf %get3A_12, %max3A : vector<128x1xf32>
    %exp3A_20 = math.exp %sub3A_19 : vector<128x1xf32>
    %mul3A_21 = arith.mulf %get3A_18, %exp3A_20 : vector<128x1xf32>
    %reduce_sum3A = arith.constant dense<0.000000e+00> : vector<128xf32>
    %reduce_sum3A_22 = vector.multi_reduction <add>, %exp3A, %reduce_sum3A [1] : vector<128x2048xf32> to vector<128xf32>
    %broadcast_in_dim3A_23 = vector.shape_cast %reduce_sum3A_22 : vector<128xf32> to vector<128x1xf32>
    %add3A_24 = arith.addf %mul3A_21, %broadcast_in_dim3A_23 : vector<128x1xf32>
    %swap3A = arith.constant 0 : index
    %swap3A_25 = arith.constant 0 : index
    %swap3A_26 = vector.load %arg3[%swap3A, %swap3A_25] : memref<128x1xf32, #tpu.memory_space<vmem>>, vector<128x1xf32>
    tpu.vector_store %arg3[%swap3A, %swap3A_25], %add3A_24 {strides = array<i32>} : memref<128x1xf32, #tpu.memory_space<vmem>>, vector<128x1xf32>,
    %swap3A_27 = arith.constant 0 : index
    %swap3A_28 = arith.constant 0 : index
    %swap3A_29 = vector.load %arg2[%swap3A_27, %swap3A_28] : memref<128x1xf32, #tpu.memory_space<vmem>>, vector<128x1xf32>
    tpu.vector_store %arg2[%swap3A_27, %swap3A_28], %max3A {strides = array<i32>} : memref<128x1xf32, #tpu.memory_space<vmem>>, vector<128x1xf32>,
    %eq3A_30 = vector.broadcast %broadcast_in_dim3A_14 : vector<128x1xf32> to vector<128x2048xf32>
    %eq3A_31 = arith.cmpf oeq, %select_n3A, %eq3A_30 : vector<128x2048xf32>
    %jit3A_32 = arith.constant 1073741824 : i32
    %broadcast_in_dim3A_33 = vector.shape_cast %add3A_5 : vector<1x2048xi32> to vector<1x2048xi32>
    %broadcast_in_dim3A_34 = vector.broadcast %broadcast_in_dim3A_33 : vector<1x2048xi32> to vector<128x2048xi32>
    %broadcast_in_dim3A_35 = vector.broadcast %jit3A_32 : i32 to vector<128x2048xi32>
    %select_n3A_36 = arith.select %eq3A_31, %broadcast_in_dim3A_34, %broadcast_in_dim3A_35 : vector<128x2048xi1>, vector<128x2048xi32>
    %reduce_min3A = arith.constant dense<2147483647> : vector<128xi32>
    %reduce_min3A_37 = vector.multi_reduction <minsi>, %select_n3A_36, %reduce_min3A [1] : vector<128x2048xi32> to vector<128xi32>
    %broadcast_in_dim3A_38 = vector.shape_cast %reduce_min3A_37 : vector<128xi32> to vector<128x1xi32>
    %gt3A = arith.cmpf ogt, %broadcast_in_dim3A_14, %get3A_12 : vector<128x1xf32>
    %get3A_39 = arith.constant 0 : index
    %get3A_40 = arith.constant 0 : index
    %get3A_41 = vector.load %arg4[%get3A_39, %get3A_40] : memref<128x1xi32, #tpu.memory_space<vmem>>, vector<128x1xi32>
    %select_n3A_42 = arith.select %gt3A, %broadcast_in_dim3A_38, %get3A_41 : vector<128x1xi1>, vector<128x1xi32>
    %swap3A_43 = arith.constant 0 : index
    %swap3A_44 = arith.constant 0 : index
    %swap3A_45 = vector.load %arg4[%swap3A_43, %swap3A_44] : memref<128x1xi32, #tpu.memory_space<vmem>>, vector<128x1xi32>
    tpu.vector_store %arg4[%swap3A_43, %swap3A_44], %select_n3A_42 {strides = array<i32>} : memref<128x1xi32, #tpu.memory_space<vmem>>, vector<128x1xi32>,
    return
  }
  func.func @transform_0(%arg0: i32) -> (i32, i32) {
    %c0_i32 = arith.constant 0 : i32
    %c0_i32_0 = arith.constant 0 : i32
    return %c0_i32, %arg0 : i32, i32
  }
  func.func @transform_1(%arg0: i32) -> (i32, i32) {
    %c0_i32 = arith.constant 0 : i32
    %c0_i32_0 = arith.constant 0 : i32
    %c0_i32_1 = arith.constant 0 : i32
    return %c0_i32, %c0_i32_0 : i32, i32
  }
  func.func @transform_2(%arg0: i32) -> (i32, i32) {
    %c0_i32 = arith.constant 0 : i32
    %c0_i32_0 = arith.constant 0 : i32
    %c0_i32_1 = arith.constant 0 : i32
    return %c0_i32, %c0_i32_0 : i32, i32
  }
  func.func @transform_3(%arg0: i32) -> (i32, i32) {
    %c0_i32 = arith.constant 0 : i32
    %c0_i32_0 = arith.constant 0 : i32
    %c0_i32_1 = arith.constant 0 : i32
    return %c0_i32, %c0_i32_0 : i32, i32
  }
}

module attributes {stable_mosaic.version = 14 : i64} {
  func.func @_loss_body(%arg0: memref<1x128xf32, #tpu.memory_space<vmem>>, %arg1: memref<1x128xf32, #tpu.memory_space<vmem>>, %arg2: memref<1x128xf32, #tpu.memory_space<vmem>>, %arg3: memref<2x128xf32, #tpu.memory_space<vmem>>, %arg4: memref<1x1xf32, #tpu.memory_space<vmem>>) attributes {dimension_semantics = [], scalar_prefetch = 0 : i64, scratch_operands = 0 : i64, tpu.core_type = #tpu.core_type<tc>} {
    %get3A = arith.constant 0 : index
    %get3A_0 = arith.constant 0 : index
    %get3A_1 = vector.load %arg0[%get3A, %get3A_0] : memref<1x128xf32, #tpu.memory_space<vmem>>, vector<1x128xf32>
    %get3A_2 = arith.constant 0 : index
    %get3A_3 = arith.constant 0 : index
    %get3A_4 = vector.load %arg1[%get3A_2, %get3A_3] : memref<1x128xf32, #tpu.memory_space<vmem>>, vector<1x128xf32>
    %get3A_5 = arith.constant 0 : index
    %get3A_6 = arith.constant 0 : index
    %get3A_7 = vector.load %arg2[%get3A_5, %get3A_6] : memref<1x128xf32, #tpu.memory_space<vmem>>, vector<1x128xf32>
    %get3A_8 = arith.constant 0 : index
    %get3A_9 = arith.constant 0 : index
    %get3A_10 = vector.load %arg3[%get3A_8, %get3A_9] : memref<2x128xf32, #tpu.memory_space<vmem>>, vector<1x128xf32>
    %get3A_11 = arith.constant 1 : index
    %get3A_12 = arith.constant 0 : index
    %get3A_13 = vector.load %arg3[%get3A_11, %get3A_12] : memref<2x128xf32, #tpu.memory_space<vmem>>, vector<1x128xf32>
    %add3A = arith.addf %get3A_10, %get3A_13 : vector<1x128xf32>
    %sub3A = arith.subf %get3A_7, %get3A_1 : vector<1x128xf32>
    %exp3A = math.exp %sub3A : vector<1x128xf32>
    %sub3A_14 = arith.subf %get3A_4, %exp3A : vector<1x128xf32>
    %sub3A_15 = arith.subf %get3A_7, %add3A : vector<1x128xf32>
    %sub3A_16 = arith.subf %sub3A_15, %get3A_1 : vector<1x128xf32>
    %exp3A_17 = math.exp %sub3A_16 : vector<1x128xf32>
    %add3A_18 = arith.addf %sub3A_14, %exp3A_17 : vector<1x128xf32>
    %log3A = math.log %add3A_18 : vector<1x128xf32>
    %add3A_19 = arith.addf %get3A_1, %log3A : vector<1x128xf32>
    %sub3A_20 = arith.subf %add3A_19, %get3A_7 : vector<1x128xf32>
    %add3A_21 = arith.addf %sub3A_20, %add3A : vector<1x128xf32>
    %reduce_sum3A = arith.constant dense<0.000000e+00> : vector<1xf32>
    %reduce_sum3A_22 = vector.multi_reduction <add>, %add3A_21, %reduce_sum3A [1] : vector<1x128xf32> to vector<1xf32>
    %broadcast_in_dim3A = vector.shape_cast %reduce_sum3A_22 : vector<1xf32> to vector<1x1xf32>
    %mul3A = arith.constant 7.812500e-03 : f32
    %mul3A_23 = vector.broadcast %mul3A : f32 to vector<1x1xf32>
    %mul3A_24 = arith.mulf %broadcast_in_dim3A, %mul3A_23 : vector<1x1xf32>
    %swap3A = arith.constant 0 : index
    %swap3A_25 = arith.constant 0 : index
    %swap3A_26 = vector.load %arg4[%swap3A, %swap3A_25] : memref<1x1xf32, #tpu.memory_space<vmem>>, vector<1x1xf32>
    tpu.vector_store %arg4[%swap3A, %swap3A_25], %mul3A_24 {strides = array<i32>} : memref<1x1xf32, #tpu.memory_space<vmem>>, vector<1x1xf32>,
    return
  }
}

</mosaic_0001>

<sc_bundles>
// kernel: kernel.5.cloned.1.call-start
scs
__scs_entry_jumppad:
0x0: {  	(pc) =	sbr.rel $0x88, $3  }
0x1: {  	(tag) =	ssettag $0x0;
	lr =	simm.s32 $0x1  }
0x2: {  	[smem:$0x3F9E] =	sst lr;
	_ =	strace $0xD0000000  }
0x3: {  	_ = 	snop  }
0x4: {  	_ = 	snop  }
0x5: {  	_ = 	snop  }
0x6: {  	_ = 	snop  }
0x7: {  	_ = 	snop  }
__scs_overlays_trampoline_lowered:
0x8: {  	[smem:$0x3FAD] =	sst s0  }
0x9: {  	[smem:$0x3FAE] =	sst s1  }
0xa: {  	[smem:$0x3FAF] =	sst s2  }
0xb: {  	[smem:$0x3FB0] =	sst s3  }
0xc: {  	[smem:$0x3FB1] =	sst s4  }
0xd: {  	[smem:$0x3FB2] =	sst s5  }
0xe: {  	[smem:$0x3FB3] =	sst s6  }
0xf: {  	[smem:$0x3FB4] =	sst s7  }
0x10: {  	[smem:$0x3FB5] =	sst s8  }
0x11: {  	[smem:$0x3FB6] =	sst s9;
	s0 =	simm.s32 @!p0 $0x0  }
0x12: {  	s1 =	sld [smem:$0x3F9C];
	s0 =	simm.s32 @p0 $0x1  }
0x13: {  	[smem:$0x3FB7] =	sst s0;
	s0 =	simm.s32 @!p1 $0x0  }
0x14: {  	s2 =	sld [smem:$0x3F9B];
	s0 =	simm.s32 @p1 $0x1  }
0x15: {  	[smem:$0x3FB8] =	sst s0;
	s0 =	simm.s32 @!p2 $0x0  }
0x16: {  	s3 =	sld [smem:$0x3FDB];
	s0 =	simm.s32 @p2 $0x1  }
0x17: {  	s4 =	simm.s32 $0x1BF5;
	[smem:$0x3FBA] =	sst s0  }
0x18: {  	s0 =	sld [smem:$0x3F9D];
	_ =	swait.ge [sflag:s4], $0x0  }
0x19: {  	s7 =	sld [smem:$0x3F9E]  }
0x1a: {  	s8 =	sadd.s32 $0xFFFFE003, lr  }
0x1b: {  	s9 =	sadd.s32 $0xFFFFFEF7, lr;
	s5 =	simm.s32 $0xFFFFFFFF;
	p2 =	slt.u32 s8, $0xFFFFF086  }
0x1c: {  	p1 =	slt.u32 s9, $0xF7A;
	s5 =	simm.s32 @!p2 $0x0  }
0x1d: {  	s5 =	simm.s32 @p1 $0x1;
	p0 =	seq.s32 s7, s2  }
0x1e: {  	s7 =	smul.u32 @!p0 $0xF7A, s2;
	p2 =	seq.s32 @!p0 s5, $0x0  }
0x1f: {  	s9 =	smul.u32 $0xF7A, s1;
	s8 =	simm.s32 @!p0 $0x1BF5;
	p2 =	por !p2, p0  }
0x20: {  	[sflag:s8] =	ssyncset.s32 @!p0 $0xFFFFF086;
	s6 =	sadd.s32 @!p0 s3, s7;
	s7 =	simm.s32 @!p0 $0x108  }
0x21: {  	s3 =	sadd.s32 s3, s9;
	s6 =	sadd.s32 @!p0 $0x88, s6;
	s7 =	simm.s32 @p2 $0x1082  }
0x22: {  	[simem:s7], [sflag:s8] =	dma.local @!p0 [hbm:s6], $0xF7A  }
0x23: {  	s9 =	sor.u32 $0xD0000000, s2;
	s6 =	simm.s32 $0x108;
	_ =	swait.ge @!p0 [sflag:s8], $0x0  }
0x24: {  	s3 =	sadd.s32 $0x88, s3;
	s6 =	simm.s32 @!p1 $0x1082;
	[sflag:s4] =	ssyncset.s32 $0xFFFFF086  }
0x25: {  	[simem:s6], [sflag:s4] =	dma.local [hbm:s3], $0xF7A  }
0x26: {  	[smem:$0x3F9E] =	sst s1;
	(tag) =	ssettag s2;
	_ =	strace s9  }
0x27: {  	s1 =	sld [smem:$0x3FAE]  }
0x28: {  	s2 =	sld [smem:$0x3FAF]  }
0x29: {  	s4 =	sld [smem:$0x3FB1]  }
0x2a: {  	p0 =	seq.s32 s5, $0x0;
	s5 =	sld [smem:$0x3FB2]  }
0x2b: {  	s6 =	sld [smem:$0x3FB3]  }
0x2c: {  	s7 =	sld [smem:$0x3FB4]  }
0x2d: {  	s3 =	simm.s32 $0x108;
	s8 =	sld [smem:$0x3FB5]  }
0x2e: {  	s3 =	simm.s32 @!p0 $0x1082;
	s9 =	sld [smem:$0x3FB6]  }
0x2f: {  	lr =	sadd.s32 s0, s3;
	s0 =	sld [smem:$0x3FAD]  }
0x30: {  	s3 =	sld [smem:$0x3FB0]  }
0x31: {  	[smem:$0x3FB9] =	sst s10  }
0x32: {  	s10 =	sld [smem:$0x3FB7];
	_ =	sdelay $0x3  }
0x33: {  	p0 =	seq.s32 s10, $0x1;
	s10 =	sld [smem:$0x3FB9];
	_ =	sdelay $0x3  }
0x34: {  	[smem:$0x3FB9] =	sst s10  }
0x35: {  	s10 =	sld [smem:$0x3FB8];
	_ =	sdelay $0x3  }
0x36: {  	p1 =	seq.s32 s10, $0x1;
	s10 =	sld [smem:$0x3FB9];
	_ =	sdelay $0x3  }
0x37: {  	[smem:$0x3FB9] =	sst s10  }
0x38: {  	s10 =	sld [smem:$0x3FBA]  }
0x39: {  	_ = 	snop;
	(pc) =	sbr.ind lr, $3  }
0x3a: {  	_ = 	snop  }
0x3b: {  	_ = 	snop  }
0x3c: {  	p2 =	seq.s32 s10, $0x1;
	s10 =	sld [smem:$0x3FB9]  }
0x3d: {  	_ =	shalt  }
0x3e: {  	_ =	shalt  }
0x3f: {  	_ =	shalt  }
0x40: {  	_ =	shalt  }
0x41: {  	_ =	shalt  }
0x42: {  	_ =	shalt  }
0x43: {  	_ =	shalt  }
0x44: {  	_ =	shalt  }
0x45: {  	_ =	shalt  }
0x46: {  	_ =	shalt  }
0x47: {  	_ =	shalt  }
0x48: {  	_ =	shalt  }
0x49: {  	_ =	shalt  }
0x4a: {  	_ =	shalt  }
0x4b: {  	_ =	shalt  }
0x4c: {  	_ =	shalt  }
0x4d: {  	_ =	shalt  }
0x4e: {  	_ =	shalt  }
0x4f: {  	_ =	shalt  }
0x50: {  	_ =	shalt  }
0x51: {  	_ =	shalt  }
0x52: {  	_ =	shalt  }
0x53: {  	_ =	shalt  }
0x54: {  	_ =	shalt  }
0x55: {  	_ =	shalt  }
0x56: {  	_ =	shalt  }
0x57: {  	_ =	shalt  }
0x58: {  	_ =	shalt  }
0x59: {  	_ =	shalt  }
0x5a: {  	_ =	shalt  }
0x5b: {  	_ =	shalt  }
0x5c: {  	_ =	shalt  }
0x5d: {  	_ =	shalt  }
0x5e: {  	_ =	shalt  }
0x5f: {  	_ =	shalt  }
0x60: {  	_ =	shalt  }
0x61: {  	_ =	shalt  }
0x62: {  	_ =	shalt  }
0x63: {  	_ =	shalt  }
0x64: {  	_ =	shalt  }
0x65: {  	_ =	shalt  }
0x66: {  	_ =	shalt  }
0x67: {  	_ =	shalt  }
0x68: {  	_ =	shalt  }
0x69: {  	_ =	shalt  }
0x6a: {  	_ =	shalt  }
0x6b: {  	_ =	shalt  }
0x6c: {  	_ =	shalt  }
0x6d: {  	_ =	shalt  }
0x6e: {  	_ =	shalt  }
0x6f: {  	_ =	shalt  }
0x70: {  	_ =	shalt  }
0x71: {  	_ =	shalt  }
0x72: {  	_ =	shalt  }
0x73: {  	_ =	shalt  }
0x74: {  	_ =	shalt  }
0x75: {  	_ =	shalt  }
0x76: {  	_ =	shalt  }
0x77: {  	_ =	shalt  }
0x78: {  	_ =	shalt  }
0x79: {  	_ =	shalt  }
0x7a: {  	_ =	shalt  }
0x7b: {  	_ =	shalt  }
0x7c: {  	_ =	shalt  }
0x7d: {  	_ =	shalt  }
0x7e: {  	_ =	shalt  }
0x7f: {  	_ =	shalt  }
0x80: {  	_ =	shalt  }
0x81: {  	_ =	shalt  }
0x82: {  	_ =	shalt  }
0x83: {  	_ =	shalt  }
0x84: {  	_ =	shalt  }
0x85: {  	_ =	shalt  }
0x86: {  	_ =	shalt  }
0x87: {  	_ =	shalt  }
.Lfunc_end0:
.L_simem_size_0:
called_computation_lowered:
.L_overlay_start_0:
0x88: {  	s2 =	sld [smem:$0x3FD9]  }
0x89: {  	s3 =	sld [smem:$0x3FFE];
	_ =	sdelay $0x1  }
0x8a: {  	s1 =	srdreg.scid  }
0x8b: {  	s0 =	sand.u32 $0x1, s1  }
0x8c: {  	s17 =	sshll.u32 s0, $0xA;
	s2 =	sadd.s32 s3, s2  }
0x8d: {  	s2 =	sadd.s32 s2, s17  }
0x8e: {  	[smem:$0x3FC5] =	sst s2  }
0x8f: {  	_ = 	snop  }
0x90: {  	s2 =	sld [smem:$0x3FC8]  }
0x91: {  	s18 =	sld [smem:$0x3FD0];
	(tm) =	ssettm $0x1  }
0x92: {  	s4 =	sld [smem:$0x3FFB];
	_ =	sdelay $0x3  }
0x93: {  	_ =	strace s4  }
0x94: {  	s4 =	sld [smem:$0x3FFC];
	_ =	sdelay $0x3  }
0x95: {  	_ =	strace s4  }
0x96: {  	s4 =	sld [smem:$0x3FFD];
	_ =	sdelay $0x3  }
0x97: {  	_ =	strace s4  }
0x98: {  	_ =	strace $0x8FFFFFFF  }
0x99: {  	s19 =	sld [smem:$0x3FDB];
	_ =	sdelay $0x1  }
0x9a: {  	s5 =	simm.s32 $_scs_section_size  }
0x9b: {  	s6 =	simm.s32 $_size__tile_overlayer_lowered;
	s7 =	simm.s32 $_tile_overlayer_lowered  }
0x9c: {  	s22 =	simm.s32 $0x1BFF;
	s21 =	sshll.u32 s7, $0x1;
	s4 =	sadd.s32 s5, s19  }
0x9d: {  	s8 =	simm.s32 $0x0;
	s20 =	sshll.u32 s6, $0x1;
	s6 =	sadd.s32 s21, s4  }
0x9e: {  	[timem:s8], [sflag:s22] =	dma.local [hbm:s6], s20  }
0x9f: {  	_ =	swait.ge [sflag:s22], s20  }
0xa0: {  	s5 =	ssub.s32 $0x0, s20;
	[sflag:s22] =	ssyncset.done $0x0  }
0xa1: {  	[sflag:s22] =	ssyncadd.s32 s5;
	_ =	sdelay $0x1  }
0xa2: {  	s23 =	simm.s32 $0x1B8B  }
0xa3: {  	_ =	swait.ge [sflag:s23], $0x1  }
0xa4: {  	[sflag:s23] =	ssyncset.done $0x0  }
0xa5: {  	s25 =	simm.s32 $0x1B8E;
	s24 =	sld [smem:$0x3FFE];
	[sflag:s23] =	ssyncadd.s32 $0xFFFFFFFF  }
0xa6: {  	s26 =	simm.s32 $execute0_lowered;
	[smem:$0x3FD2] =	sst s25  }
0xa7: {  	s6 =	sshll.u32 s26, $0x1;
	_ =	strace $0x80000046;
	[dreg:$0x1] =	wrdreg $0xFFFFFFFF  }
0xa8: {  	s28 =	simm.s32 $_size_execute0_lowered;
	s4 =	sadd.s32 s4, s6;
	[dreg:$0x0] =	wrdreg $0x0  }
0xa9: {  	s6 =	sshll.u32 s28, $0x1;
	[dreg:$0x2] =	wrdreg s4  }
0xaa: {  	[dreg:$0x3] =	wrdreg s6  }
0xab: {  	[dreg:$0x4] =	wrdreg $0xC0  }
0xac: {  	_ =	task [dreg:s8], $0x5FFFF  }
0xad: {  	[dreg:$0x1] =	wrdreg $0xFFFFFFFF  }
0xae: {  	[dreg:$0x0] =	wrdreg $0x60  }
0xaf: {  	[dreg:$0x2] =	wrdreg s24  }
0xb0: {  	[dreg:$0x3] =	wrdreg s18  }
0xb1: {  	[dreg:$0x4] =	wrdreg s2  }
0xb2: {  	[dreg:$0x5] =	wrdreg $0xB800  }
0xb3: {  	[dreg:$0x6] =	wrdreg $0x9  }
0xb4: {  	_ =	task.clear_ibuf [dreg:s8], $0x7FFFF;
	_ =	strace $0x90000046  }
0xb5: {  	s29 =	simm.s32 $0x9;
	_ =	strace $0x80000048  }
0xb6: {  	_ =	swait.ge [sflag:s29], $0x1  }
0xb7: {  	[sflag:s29] =	ssyncadd.s32 $0xFFFFFFFF  }
0xb8: {  	_ =	strace $0x90000048  }
0xb9: {  	_ =	sfence  }
0xba: {  	s30 =	sld [smem:$0x0];
	_ =	sdelay $0x2  }
0xbb: {  	s31 =	sshll.u32 s1, $0xD;
	s1 =	sshrl.u32 s1, $0x2  }
0xbc: {  	s3 =	sand.u32 $0x4000, s31;
	s1 =	sadd.s32 s1, s30  }
0xbd: {  	s0 =	sor.u32 s3, s0;
	s1 =	sshll.u32 s1, $0x11  }
0xbe: {  	s0 =	sor.u32 s1, s0  }
0xbf: {  	s0 =	sadd.s32 $0x8F2B, s0  }
0xc0: {  	[sflag:s0] =	ssyncadd.remote.s32 $0x1  }
0xc1: {  	_ =	sfence.sel $0xFFFF  }
0xc2: {  	[dreg:$0x0] =	wrdreg $0xFFFFFFFF;
	(pc) =	sbr.abs _section_cstart, $3  }
0xc3: {  	[dreg:$0x1] =	wrdreg $0xFFFFFFFF  }
0xc4: {  	_ =	task.clear_ibuf [dreg:s8], $0x2FFFF;
	_ =	strace $0x9FFFFFFF  }
0xc5: {  	(tm) =	ssettm $0x7FFFFFFF  }
tec
execute0_lowered:
.L_overlay_start_1:
0x0: {  	(tag) =	ssettag $0x1  }
0x1: {  	s7 =	rddreg [dreg:$0x0]  }
0x2: {  	s1 =	rddreg [dreg:$0x1]  }
0x3: {  	s2 =	rddreg [dreg:$0x2]  }
0x4: {  	s3 =	rddreg [dreg:$0x3]  }
0x5: {  	s5 =	srdreg.scid;
	s0 =	rddreg [dreg:$0x4]  }
0x6: {  	s4 =	simm.s32 $0x0;
	s13 =	stileid.u32;
	s12 =	simm.s32 $0x80  }
0x7: {  	s18 =	simm.s32 $0x300;
	s8 =	sand.u32 $0x1, s5;
	[smem:$0x7FF] =	sst s4  }
0x8: {  	s5 =	sadd.s32 $0x30F000, s7;
	s6 =	sadd.s32 $0x188600, s7;
	s31 =	sshll.u32 s13, $0x7  }
0x9: {  	p0 =	sne.s32 s13, $0x0;
	s9 =	sshll.u32 s8, $0x4;
	_ =	strace $0x80000047  }
0xa: {  	s8 =	ssub.s32 $0x2, s8;
	s11 =	sor.u32 s13, s9;
	s9 =	sadd.s32 s9, s7  }
0xb: {  	s7 =	sadd.s32 $0x800, s7;
	s10 =	sshrl.u32 s8, $0x1;
	s14 =	smul.u32 $0x61A80, s11  }
.Ltmp0:
0xc: {  	s13 =	simm.s32 $0x100;
	s10 =	ssub.s32 s8, s10;
	(pc) =	sbr.rel .LBB2_1-.Ltmp0, $4  }
0xd: {  	s8 =	sadd.s32 s31, s3;
	s9 =	sadd.s32 $0x600, s9;
	p1 =	sne.s32 s11, $0x0  }
0xe: {  	s11 =	simm.s32 $0x2;
	s10 =	smax.u32 s10, $0x1;
	s15 =	sadd.s32 $0x186A0, s14  }
0xf: {  	v4 =	vimm.f32 $0.0e+00;
	s16 =	sadd.s32 $0x30D40, s14;
	s17 =	sadd.s32 $0x493E0, s14;
	v0 =	vmov s14;
	s14 =	simm.s32 $0x180  }
0x10: {  	v1 =	vmov s15;
	s15 =	simm.s32 $0x1;
	v2 =	vmov s16;
	v3 =	vmov s17;
	s16 =	simm.s32 $0x200;
	s17 =	simm.s32 $0x280  }
.LBB2_3:
0x11: {  	s10 =	sadd.s32 $0xFFFFFFFF, s10  }
0x12: {  	p2 =	sne.s32 s10, $0x0  }
.Ltmp1:
0x13: {  	_ = 	snop;
	(pc) =	sbr.rel @!p2 .LBB2_4-.Ltmp1, $1  }
0x14: {  	_ =	sdelay $0x3  }
.LBB2_1:
0x15: {  	[tilespmem:s4], [sflag:$0x2] =	stream.linear.gather [hbm4b:s1+s4], $0x80, $0x38;
	[tilespmem:$0xC00] =	vst v63  }
0x16: {  	_ =	swait.ge [sflag:s11], $0x80  }
0x17: {  	[sflag:s11] =	ssyncset.done $0x0  }
0x18: {  	[sflag:s11] =	ssyncadd.s32 $0xFFFFFF80  }
0x19: {  	[tilespmem:s12], [sflag:$0x2] =	stream.linear.gather [hbm4b:s2+s4], $0x80, $0x38;
	[tilespmem:$0xC00] =	vst v63  }
0x1a: {  	_ =	swait.ge [sflag:s11], $0x80  }
0x1b: {  	[sflag:s11] =	ssyncset.done $0x0  }
0x1c: {  	[sflag:s11] =	ssyncadd.s32 $0xFFFFFF80  }
0x1d: {  	v5 =	vld @!p1 [tilespmem:$0x80]  }
0x1e: {  	v6 =	vld @!p1 [tilespmem:$0x90]  }
0x1f: {  	v7 =	vlaneseq.u32 @!p1;
	v8 =	vld @!p1 [tilespmem:$0xA0]  }
0x20: {  	v7 =	vmul.u32 @!p1 $0x186A0, v7;
	v9 =	vld @!p1 [tilespmem:$0xB0]  }
0x21: {  	v10 =	vld @!p1 [tilespmem:$0xC0]  }
0x22: {  	v11 =	vadd.s32 @!p1 $0x186A00, v7;
	v12 =	vld @!p1 [tilespmem:$0xD0];
	v5 =	vadd.s32 @!p1 v7, v5  }
0x23: {  	[tilespmem:$0x100] =	vst @!p1 v5;
	v5 =	vadd.s32 @!p1 v11, v6;
	v6 =	vadd.s32 @!p1 $0x30D400, v7;
	v11 =	vld @!p1 [tilespmem:$0xE0]  }
0x24: {  	[tilespmem:$0x110] =	vst @!p1 v5;
	v5 =	vadd.s32 @!p1 v6, v8;
	v6 =	vadd.s32 @!p1 $0x493E00, v7;
	v8 =	vld @!p1 [tilespmem:$0xF0]  }
0x25: {  	[tilespmem:$0x120] =	vst @!p1 v5;
	v5 =	vadd.s32 @!p1 v6, v9;
	v6 =	vadd.s32 @!p1 $0x61A800, v7  }
0x26: {  	[tilespmem:$0x130] =	vst @!p1 v5;
	v5 =	vadd.s32 @!p1 v6, v10;
	v6 =	vadd.s32 @!p1 $0x7A1200, v7  }
0x27: {  	[tilespmem:$0x140] =	vst @!p1 v5;
	v5 =	vadd.s32 @!p1 v6, v12;
	v6 =	vadd.s32 @!p1 $0x927C00, v7  }
0x28: {  	[tilespmem:$0x150] =	vst @!p1 v5;
	v5 =	vadd.s32 @!p1 v6, v11;
	v6 =	vadd.s32 @!p1 $0xAAE600, v7  }
0x29: {  	[tilespmem:$0x160] =	vst @!p1 v5;
	v5 =	vadd.s32 @!p1 v6, v8  }
0x2a: {  	s19 =	simm.s32 @!p1 $0x80;
	s20 =	simm.s32 @!p1 $0x100;
	s21 =	simm.s32 @!p1 $0xB00;
	[tilespmem:$0x170] =	vst @!p1 v5  }
0x2b: {  	[tilespmem:s21], [sflag:$0x1] =	stream.indirect.gather @!p1 [hbm4b:s6+s19], $0x1, s20, s19, $0xb8;
	[tilespmem:$0xC00] =	vst v63  }
0x2c: {  	s19 =	simm.s32 @!p1 $0x1  }
0x2d: {  	_ =	swait.ge @!p1 [sflag:s19], $0x80  }
0x2e: {  	[sflag:s19] =	ssyncset.done @!p1 $0x0  }
0x2f: {  	[sflag:s19] =	ssyncadd.s32 @!p1 $0xFFFFFF80;
	s19 =	simm.s32 @!p1 $0x0  }
0x30: {  	[hbm4b:s7+s19] =	stream.linear.scatter @!p1 [tilespmem:s21], [sflag:$0x2], $0x80, $0x38;
	[tilespmem:$0xC00] =	vst v63  }
0x31: {  	s19 =	simm.s32 @!p1 $0x2  }
0x32: {  	_ =	swait.ge @!p1 [sflag:s19], $0x80  }
0x33: {  	[sflag:s19] =	ssyncset.done @!p1 $0x0  }
0x34: {  	[sflag:s19] =	ssyncadd.s32 @!p1 $0xFFFFFF80  }
0x35: {  	[tilespmem:$0x280] =	vst v4  }
0x36: {  	[tilespmem:$0x290] =	vst v4  }
0x37: {  	[tilespmem:$0x2A0] =	vst v4;
	v5 =	vld [tilespmem:$0x0]  }
0x38: {  	[tilespmem:$0x2B0] =	vst v4;
	v6 =	vld [tilespmem:$0x10]  }
0x39: {  	[tilespmem:$0x2C0] =	vst v4;
	v7 =	vld [tilespmem:$0x20]  }
0x3a: {  	[tilespmem:$0x2D0] =	vst v4;
	v26 =	vld [tilespmem:$0x30]  }
0x3b: {  	[tilespmem:$0x2E0] =	vst v4;
	v27 =	vld [tilespmem:$0x40]  }
0x3c: {  	[tilespmem:$0x2F0] =	vst v4;
	v28 =	vld [tilespmem:$0x50];
	v5 =	vadd.s32 v0, v5  }
0x3d: {  	[tilespmem:$0x100] =	vst v5;
	v5 =	vadd.s32 v0, v6;
	v6 =	vld [tilespmem:$0x60]  }
0x3e: {  	[tilespmem:$0x110] =	vst v5;
	v5 =	vadd.s32 v0, v7;
	v7 =	vld [tilespmem:$0x70]  }
0x3f: {  	[tilespmem:$0x120] =	vst v5;
	v5 =	vadd.s32 v0, v26  }
0x40: {  	[tilespmem:$0x130] =	vst v5;
	v5 =	vadd.s32 v0, v27  }
0x41: {  	[tilespmem:$0x140] =	vst v5;
	v5 =	vadd.s32 v0, v28  }
0x42: {  	[tilespmem:$0x150] =	vst v5;
	v5 =	vadd.s32 v0, v6  }
0x43: {  	[tilespmem:$0x160] =	vst v5;
	v5 =	vadd.s32 v0, v7  }
0x44: {  	[tilespmem:$0x170] =	vst v5  }
0x45: {  	[tilespmem:s14], [sflag:$0x1] =	stream.indirect.gather [hbm4b:s5+s12], $0x1, s13, s12, $0xb8;
	[tilespmem:$0xC00] =	vst v63  }
0x46: {  	_ =	swait.ge [sflag:s15], $0x80  }
0x47: {  	[sflag:s15] =	ssyncset.done $0x0  }
0x48: {  	[sflag:s15] =	ssyncadd.s32 $0xFFFFFF80  }
0x49: {  	v5 =	vld [tilespmem:$0x80]  }
0x4a: {  	v6 =	vld [tilespmem:$0x90]  }
0x4b: {  	v7 =	vld [tilespmem:$0xA0]  }
0x4c: {  	v29 =	vld [tilespmem:$0xB0]  }
0x4d: {  	v30 =	vld [tilespmem:$0xC0]  }
0x4e: {  	v31 =	vld [tilespmem:$0xD0];
	v5 =	vadd.s32 v0, v5  }
0x4f: {  	[tilespmem:$0x100] =	vst v5;
	v5 =	vadd.s32 v0, v6;
	v6 =	vld [tilespmem:$0xE0]  }
0x50: {  	[tilespmem:$0x110] =	vst v5;
	v5 =	vadd.s32 v0, v7;
	v7 =	vld [tilespmem:$0xF0]  }
0x51: {  	[tilespmem:$0x120] =	vst v5;
	v5 =	vadd.s32 v0, v29  }
0x52: {  	[tilespmem:$0x130] =	vst v5;
	v5 =	vadd.s32 v0, v30  }
0x53: {  	[tilespmem:$0x140] =	vst v5;
	v5 =	vadd.s32 v0, v31  }
0x54: {  	[tilespmem:$0x150] =	vst v5;
	v5 =	vadd.s32 v0, v6  }
0x55: {  	[tilespmem:$0x160] =	vst v5;
	v5 =	vadd.s32 v0, v7  }
0x56: {  	[tilespmem:$0x170] =	vst v5  }
0x57: {  	[tilespmem:s16], [sflag:$0x1] =	stream.indirect.gather [hbm4b:s5+s12], $0x1, s13, s12, $0xb8;
	[tilespmem:$0xC00] =	vst v63  }
0x58: {  	_ =	swait.ge [sflag:s15], $0x80  }
0x59: {  	[sflag:s15] =	ssyncset.done $0x0  }
0x5a: {  	[sflag:s15] =	ssyncadd.s32 $0xFFFFFF80  }
0x5b: {  	v5 =	vld [tilespmem:$0x280]  }
0x5c: {  	v6 =	vld [tilespmem:$0x180]  }
0x5d: {  	v7 =	vld [tilespmem:$0x200]  }
0x5e: {  	v32 =	vld [tilespmem:$0x290]  }
0x5f: {  	v33 =	vld [tilespmem:$0x190]  }
0x60: {  	v34 =	vld [tilespmem:$0x210]  }
0x61: {  	v35 =	vld [tilespmem:$0x2A0]  }
0x62: {  	v36 =	vld [tilespmem:$0x1A0]  }
0x63: {  	v13 =	vld [tilespmem:$0x220]  }
0x64: {  	v14 =	vld [tilespmem:$0x2B0]  }
0x65: {  	v15 =	vld [tilespmem:$0x1B0]  }
0x66: {  	v16 =	vld [tilespmem:$0x230]  }
0x67: {  	v17 =	vld [tilespmem:$0x2C0]  }
0x68: {  	v18 =	vld [tilespmem:$0x1C0]  }
0x69: {  	v19 =	vld [tilespmem:$0x240]  }
0x6a: {  	v20 =	vld [tilespmem:$0x2D0]  }
0x6b: {  	v21 =	vld [tilespmem:$0x1D0]  }
0x6c: {  	v22 =	vld [tilespmem:$0x250]  }
0x6d: {  	v23 =	vld [tilespmem:$0x1E0]  }
0x6e: {  	v37 =	vld [tilespmem:$0x1F0];
	v6 =	vmul.f32 v7, v6  }
0x6f: {  	v7 =	vld [tilespmem:$0x260];
	v9 =	vmul.f32 v34, v33  }
0x70: {  	v38 =	vld [tilespmem:$0x270];
	v5 =	vadd.f32 v6, v5;
	v6 =	vmul.f32 v13, v36  }
0x71: {  	v40 =	vld [tilespmem:$0x2E0];
	v39 =	vmul.f32 v16, v15;
	v8 =	vadd.f32 v9, v32  }
0x72: {  	v41 =	vld [tilespmem:$0x2F0];
	[tilespmem:$0x280] =	vst v5;
	v5 =	vadd.f32 v6, v35;
	v6 =	vmul.f32 v19, v18  }
0x73: {  	v43 =	vmul.f32 v22, v21;
	v42 =	vadd.f32 v39, v14;
	[tilespmem:$0x290] =	vst v8  }
0x74: {  	[tilespmem:$0x2A0] =	vst v5;
	v5 =	vadd.f32 v6, v17;
	v6 =	vmul.f32 v7, v23;
	v7 =	vld [tilespmem:$0x0]  }
0x75: {  	v46 =	vld [tilespmem:$0x10];
	v45 =	vmul.f32 v38, v37;
	v44 =	vadd.f32 v43, v20;
	[tilespmem:$0x2B0] =	vst v42  }
0x76: {  	[tilespmem:$0x2C0] =	vst v5;
	v5 =	vadd.f32 v6, v40;
	v6 =	vld [tilespmem:$0x20]  }
0x77: {  	v48 =	vld [tilespmem:$0x30];
	v47 =	vadd.f32 v45, v41;
	[tilespmem:$0x2D0] =	vst v44  }
0x78: {  	[tilespmem:$0x2E0] =	vst v5;
	v5 =	vld [tilespmem:$0x40]  }
0x79: {  	v49 =	vld [tilespmem:$0x50];
	[tilespmem:$0x2F0] =	vst v47;
	v7 =	vadd.s32 v1, v7  }
0x7a: {  	v50 =	vld [tilespmem:$0x60];
	[tilespmem:$0x100] =	vst v7;
	v7 =	vadd.s32 v1, v46  }
0x7b: {  	[tilespmem:$0x110] =	vst v7;
	v6 =	vadd.s32 v1, v6;
	v7 =	vld [tilespmem:$0x70]  }
0x7c: {  	[tilespmem:$0x120] =	vst v6;
	v6 =	vadd.s32 v1, v48  }
0x7d: {  	[tilespmem:$0x130] =	vst v6;
	v5 =	vadd.s32 v1, v5  }
0x7e: {  	[tilespmem:$0x140] =	vst v5;
	v5 =	vadd.s32 v1, v49  }
0x7f: {  	[tilespmem:$0x150] =	vst v5;
	v5 =	vadd.s32 v1, v50  }
0x80: {  	[tilespmem:$0x160] =	vst v5;
	v5 =	vadd.s32 v1, v7  }
0x81: {  	[tilespmem:$0x170] =	vst v5  }
0x82: {  	[tilespmem:s14], [sflag:$0x1] =	stream.indirect.gather [hbm4b:s5+s12], $0x1, s13, s12, $0xb8;
	[tilespmem:$0xC00] =	vst v63  }
0x83: {  	_ =	swait.ge [sflag:s15], $0x80  }
0x84: {  	[sflag:s15] =	ssyncset.done $0x0  }
0x85: {  	[sflag:s15] =	ssyncadd.s32 $0xFFFFFF80  }
0x86: {  	v5 =	vld [tilespmem:$0x80]  }
0x87: {  	v6 =	vld [tilespmem:$0x90]  }
0x88: {  	v7 =	vld [tilespmem:$0xA0]  }
0x89: {  	v51 =	vld [tilespmem:$0xB0]  }
0x8a: {  	v52 =	vld [tilespmem:$0xC0]  }
0x8b: {  	v53 =	vld [tilespmem:$0xD0];
	v5 =	vadd.s32 v1, v5  }
0x8c: {  	[tilespmem:$0x100] =	vst v5;
	v5 =	vadd.s32 v1, v6;
	v6 =	vld [tilespmem:$0xE0]  }
0x8d: {  	[tilespmem:$0x110] =	vst v5;
	v5 =	vadd.s32 v1, v7;
	v7 =	vld [tilespmem:$0xF0]  }
0x8e: {  	[tilespmem:$0x120] =	vst v5;
	v5 =	vadd.s32 v1, v51  }
0x8f: {  	[tilespmem:$0x130] =	vst v5;
	v5 =	vadd.s32 v1, v52  }
0x90: {  	[tilespmem:$0x140] =	vst v5;
	v5 =	vadd.s32 v1, v53  }
0x91: {  	[tilespmem:$0x150] =	vst v5;
	v5 =	vadd.s32 v1, v6  }
0x92: {  	[tilespmem:$0x160] =	vst v5;
	v5 =	vadd.s32 v1, v7  }
0x93: {  	[tilespmem:$0x170] =	vst v5  }
0x94: {  	[tilespmem:s16], [sflag:$0x1] =	stream.indirect.gather [hbm4b:s5+s12], $0x1, s13, s12, $0xb8;
	[tilespmem:$0xC00] =	vst v63  }
0x95: {  	_ =	swait.ge [sflag:s15], $0x80  }
0x96: {  	[sflag:s15] =	ssyncset.done $0x0  }
0x97: {  	[sflag:s15] =	ssyncadd.s32 $0xFFFFFF80  }
0x98: {  	v5 =	vld [tilespmem:$0x280]  }
0x99: {  	v6 =	vld [tilespmem:$0x180]  }
0x9a: {  	v7 =	vld [tilespmem:$0x200]  }
0x9b: {  	v54 =	vld [tilespmem:$0x290]  }
0x9c: {  	v55 =	vld [tilespmem:$0x190]  }
0x9d: {  	v56 =	vld [tilespmem:$0x210]  }
0x9e: {  	v57 =	vld [tilespmem:$0x2A0]  }
0x9f: {  	v58 =	vld [tilespmem:$0x1A0]  }
0xa0: {  	v59 =	vld [tilespmem:$0x220]  }
0xa1: {  	v60 =	vld [tilespmem:$0x2B0]  }
0xa2: {  	v61 =	vld [tilespmem:$0x1B0]  }
0xa3: {  	v62 =	vld [tilespmem:$0x230]  }
0xa4: {  	v63 =	vld [tilespmem:$0x2C0]  }
0xa5: {  	v24 =	vld [tilespmem:$0x1C0]  }
0xa6: {  	v25 =	vld [tilespmem:$0x240]  }
0xa7: {  	v26 =	vld [tilespmem:$0x2D0]  }
0xa8: {  	v27 =	vld [tilespmem:$0x1D0]  }
0xa9: {  	v28 =	vld [tilespmem:$0x250]  }
0xaa: {  	v29 =	vld [tilespmem:$0x1E0]  }
0xab: {  	v30 =	vld [tilespmem:$0x1F0];
	v6 =	vmul.f32 v7, v6  }
0xac: {  	v7 =	vld [tilespmem:$0x260];
	v9 =	vmul.f32 v56, v55  }
0xad: {  	v31 =	vld [tilespmem:$0x270];
	v5 =	vadd.f32 v6, v5;
	v6 =	vmul.f32 v59, v58  }
0xae: {  	v33 =	vld [tilespmem:$0x2E0];
	v32 =	vmul.f32 v62, v61;
	v8 =	vadd.f32 v9, v54  }
0xaf: {  	v34 =	vld [tilespmem:$0x2F0];
	[tilespmem:$0x280] =	vst v5;
	v5 =	vadd.f32 v6, v57;
	v6 =	vmul.f32 v25, v24  }
0xb0: {  	v36 =	vmul.f32 v28, v27;
	v35 =	vadd.f32 v32, v60;
	[tilespmem:$0x290] =	vst v8  }
0xb1: {  	[tilespmem:$0x2A0] =	vst v5;
	v5 =	vadd.f32 v6, v63;
	v6 =	vmul.f32 v7, v29;
	v7 =	vld [tilespmem:$0x0]  }
0xb2: {  	v39 =	vld [tilespmem:$0x10];
	v38 =	vmul.f32 v31, v30;
	v37 =	vadd.f32 v36, v26;
	[tilespmem:$0x2B0] =	vst v35  }
0xb3: {  	[tilespmem:$0x2C0] =	vst v5;
	v5 =	vadd.f32 v6, v33;
	v6 =	vld [tilespmem:$0x20]  }
0xb4: {  	v41 =	vld [tilespmem:$0x30];
	v40 =	vadd.f32 v38, v34;
	[tilespmem:$0x2D0] =	vst v37  }
0xb5: {  	[tilespmem:$0x2E0] =	vst v5;
	v5 =	vld [tilespmem:$0x40]  }
0xb6: {  	v42 =	vld [tilespmem:$0x50];
	[tilespmem:$0x2F0] =	vst v40;
	v7 =	vadd.s32 v2, v7  }
0xb7: {  	v43 =	vld [tilespmem:$0x60];
	[tilespmem:$0x100] =	vst v7;
	v7 =	vadd.s32 v2, v39  }
0xb8: {  	[tilespmem:$0x110] =	vst v7;
	v6 =	vadd.s32 v2, v6;
	v7 =	vld [tilespmem:$0x70]  }
0xb9: {  	[tilespmem:$0x120] =	vst v6;
	v6 =	vadd.s32 v2, v41  }
0xba: {  	[tilespmem:$0x130] =	vst v6;
	v5 =	vadd.s32 v2, v5  }
0xbb: {  	[tilespmem:$0x140] =	vst v5;
	v5 =	vadd.s32 v2, v42  }
0xbc: {  	[tilespmem:$0x150] =	vst v5;
	v5 =	vadd.s32 v2, v43  }
0xbd: {  	[tilespmem:$0x160] =	vst v5;
	v5 =	vadd.s32 v2, v7  }
0xbe: {  	[tilespmem:$0x170] =	vst v5  }
0xbf: {  	[tilespmem:s14], [sflag:$0x1] =	stream.indirect.gather [hbm4b:s5+s12], $0x1, s13, s12, $0xb8;
	[tilespmem:$0xC00] =	vst v63  }
0xc0: {  	_ =	swait.ge [sflag:s15], $0x80  }
0xc1: {  	[sflag:s15] =	ssyncset.done $0x0  }
0xc2: {  	[sflag:s15] =	ssyncadd.s32 $0xFFFFFF80  }
0xc3: {  	v5 =	vld [tilespmem:$0x80]  }
0xc4: {  	v6 =	vld [tilespmem:$0x90]  }
0xc5: {  	v7 =	vld [tilespmem:$0xA0]  }
0xc6: {  	v44 =	vld [tilespmem:$0xB0]  }
0xc7: {  	v45 =	vld [tilespmem:$0xC0]  }
0xc8: {  	v46 =	vld [tilespmem:$0xD0];
	v5 =	vadd.s32 v2, v5  }
0xc9: {  	[tilespmem:$0x100] =	vst v5;
	v5 =	vadd.s32 v2, v6;
	v6 =	vld [tilespmem:$0xE0]  }
0xca: {  	[tilespmem:$0x110] =	vst v5;
	v5 =	vadd.s32 v2, v7;
	v7 =	vld [tilespmem:$0xF0]  }
0xcb: {  	[tilespmem:$0x120] =	vst v5;
	v5 =	vadd.s32 v2, v44  }
0xcc: {  	[tilespmem:$0x130] =	vst v5;
	v5 =	vadd.s32 v2, v45  }
0xcd: {  	[tilespmem:$0x140] =	vst v5;
	v5 =	vadd.s32 v2, v46  }
0xce: {  	[tilespmem:$0x150] =	vst v5;
	v5 =	vadd.s32 v2, v6  }
0xcf: {  	[tilespmem:$0x160] =	vst v5;
	v5 =	vadd.s32 v2, v7  }
0xd0: {  	[tilespmem:$0x170] =	vst v5  }
0xd1: {  	[tilespmem:s16], [sflag:$0x1] =	stream.indirect.gather [hbm4b:s5+s12], $0x1, s13, s12, $0xb8;
	[tilespmem:$0xC00] =	vst v63  }
0xd2: {  	_ =	swait.ge [sflag:s15], $0x80  }
0xd3: {  	[sflag:s15] =	ssyncset.done $0x0  }
0xd4: {  	[sflag:s15] =	ssyncadd.s32 $0xFFFFFF80  }
0xd5: {  	v5 =	vld [tilespmem:$0x280]  }
0xd6: {  	v6 =	vld [tilespmem:$0x180]  }
0xd7: {  	v7 =	vld [tilespmem:$0x200]  }
0xd8: {  	v47 =	vld [tilespmem:$0x290]  }
0xd9: {  	v48 =	vld [tilespmem:$0x190]  }
0xda: {  	v49 =	vld [tilespmem:$0x210]  }
0xdb: {  	v50 =	vld [tilespmem:$0x2A0]  }
0xdc: {  	v51 =	vld [tilespmem:$0x1A0]  }
0xdd: {  	v52 =	vld [tilespmem:$0x220]  }
0xde: {  	v53 =	vld [tilespmem:$0x2B0]  }
0xdf: {  	v54 =	vld [tilespmem:$0x1B0]  }
0xe0: {  	v55 =	vld [tilespmem:$0x230]  }
0xe1: {  	v56 =	vld [tilespmem:$0x2C0]  }
0xe2: {  	v57 =	vld [tilespmem:$0x1C0]  }
0xe3: {  	v58 =	vld [tilespmem:$0x240]  }
0xe4: {  	v59 =	vld [tilespmem:$0x2D0]  }
0xe5: {  	v60 =	vld [tilespmem:$0x1D0]  }
0xe6: {  	v61 =	vld [tilespmem:$0x250]  }
0xe7: {  	v62 =	vld [tilespmem:$0x1E0]  }
0xe8: {  	v63 =	vld [tilespmem:$0x1F0];
	v6 =	vmul.f32 v7, v6  }
0xe9: {  	v7 =	vld [tilespmem:$0x260];
	v9 =	vmul.f32 v49, v48  }
0xea: {  	v24 =	vld [tilespmem:$0x270];
	v5 =	vadd.f32 v6, v5;
	v6 =	vmul.f32 v52, v51  }
0xeb: {  	v26 =	vld [tilespmem:$0x2E0];
	v25 =	vmul.f32 v55, v54;
	v8 =	vadd.f32 v9, v47  }
0xec: {  	v27 =	vld [tilespmem:$0x2F0];
	[tilespmem:$0x280] =	vst v5;
	v5 =	vadd.f32 v6, v50;
	v6 =	vmul.f32 v58, v57  }
0xed: {  	v29 =	vmul.f32 v61, v60;
	v28 =	vadd.f32 v25, v53;
	[tilespmem:$0x290] =	vst v8  }
0xee: {  	[tilespmem:$0x2A0] =	vst v5;
	v5 =	vadd.f32 v6, v56;
	v6 =	vmul.f32 v7, v62;
	v7 =	vld [tilespmem:$0x0]  }
0xef: {  	v32 =	vld [tilespmem:$0x10];
	v31 =	vmul.f32 v24, v63;
	v30 =	vadd.f32 v29, v59;
	[tilespmem:$0x2B0] =	vst v28  }
0xf0: {  	[tilespmem:$0x2C0] =	vst v5;
	v5 =	vadd.f32 v6, v26;
	v6 =	vld [tilespmem:$0x20]  }
0xf1: {  	v34 =	vld [tilespmem:$0x30];
	v33 =	vadd.f32 v31, v27;
	[tilespmem:$0x2D0] =	vst v30  }
0xf2: {  	[tilespmem:$0x2E0] =	vst v5;
	v5 =	vld [tilespmem:$0x40]  }
0xf3: {  	v35 =	vld [tilespmem:$0x50];
	[tilespmem:$0x2F0] =	vst v33;
	v7 =	vadd.s32 v3, v7  }
0xf4: {  	v36 =	vld [tilespmem:$0x60];
	[tilespmem:$0x100] =	vst v7;
	v7 =	vadd.s32 v3, v32  }
0xf5: {  	[tilespmem:$0x110] =	vst v7;
	v6 =	vadd.s32 v3, v6;
	v7 =	vld [tilespmem:$0x70]  }
0xf6: {  	[tilespmem:$0x120] =	vst v6;
	v6 =	vadd.s32 v3, v34  }
0xf7: {  	[tilespmem:$0x130] =	vst v6;
	v5 =	vadd.s32 v3, v5  }
0xf8: {  	[tilespmem:$0x140] =	vst v5;
	v5 =	vadd.s32 v3, v35  }
0xf9: {  	[tilespmem:$0x150] =	vst v5;
	v5 =	vadd.s32 v3, v36  }
0xfa: {  	[tilespmem:$0x160] =	vst v5;
	v5 =	vadd.s32 v3, v7  }
0xfb: {  	[tilespmem:$0x170] =	vst v5  }
0xfc: {  	[tilespmem:s14], [sflag:$0x1] =	stream.indirect.gather [hbm4b:s5+s12], $0x1, s13, s12, $0xb8;
	[tilespmem:$0xC00] =	vst v63  }
0xfd: {  	_ =	swait.ge [sflag:s15], $0x80  }
0xfe: {  	[sflag:s15] =	ssyncset.done $0x0  }
0xff: {  	[sflag:s15] =	ssyncadd.s32 $0xFFFFFF80  }
0x100: {  	v5 =	vld [tilespmem:$0x80]  }
0x101: {  	v6 =	vld [tilespmem:$0x90]  }
0x102: {  	v7 =	vld [tilespmem:$0xA0]  }
0x103: {  	v37 =	vld [tilespmem:$0xB0]  }
0x104: {  	v38 =	vld [tilespmem:$0xC0]  }
0x105: {  	v39 =	vld [tilespmem:$0xD0];
	v5 =	vadd.s32 v3, v5  }
0x106: {  	[tilespmem:$0x100] =	vst v5;
	v5 =	vadd.s32 v3, v6;
	v6 =	vld [tilespmem:$0xE0]  }
0x107: {  	[tilespmem:$0x110] =	vst v5;
	v5 =	vadd.s32 v3, v7;
	v7 =	vld [tilespmem:$0xF0]  }
0x108: {  	[tilespmem:$0x120] =	vst v5;
	v5 =	vadd.s32 v3, v37  }
0x109: {  	[tilespmem:$0x130] =	vst v5;
	v5 =	vadd.s32 v3, v38  }
0x10a: {  	[tilespmem:$0x140] =	vst v5;
	v5 =	vadd.s32 v3, v39  }
0x10b: {  	[tilespmem:$0x150] =	vst v5;
	v5 =	vadd.s32 v3, v6  }
0x10c: {  	[tilespmem:$0x160] =	vst v5;
	v5 =	vadd.s32 v3, v7  }
0x10d: {  	[tilespmem:$0x170] =	vst v5  }
0x10e: {  	[tilespmem:s16], [sflag:$0x1] =	stream.indirect.gather [hbm4b:s5+s12], $0x1, s13, s12, $0xb8;
	[tilespmem:$0xC00] =	vst v63  }
0x10f: {  	_ =	swait.ge [sflag:s15], $0x80  }
0x110: {  	[sflag:s15] =	ssyncset.done $0x0  }
0x111: {  	[sflag:s15] =	ssyncadd.s32 $0xFFFFFF80  }
0x112: {  	v5 =	vld [tilespmem:$0x280]  }
0x113: {  	v6 =	vld [tilespmem:$0x180]  }
0x114: {  	v7 =	vld [tilespmem:$0x200]  }
0x115: {  	v40 =	vld [tilespmem:$0x290]  }
0x116: {  	v41 =	vld [tilespmem:$0x190]  }
0x117: {  	v42 =	vld [tilespmem:$0x210]  }
0x118: {  	v43 =	vld [tilespmem:$0x2A0]  }
0x119: {  	v44 =	vld [tilespmem:$0x1A0]  }
0x11a: {  	v45 =	vld [tilespmem:$0x220]  }
0x11b: {  	v46 =	vld [tilespmem:$0x2B0]  }
0x11c: {  	v47 =	vld [tilespmem:$0x1B0]  }
0x11d: {  	v48 =	vld [tilespmem:$0x230]  }
0x11e: {  	v49 =	vld [tilespmem:$0x2C0]  }
0x11f: {  	v50 =	vld [tilespmem:$0x1C0]  }
0x120: {  	v51 =	vld [tilespmem:$0x240]  }
0x121: {  	v52 =	vld [tilespmem:$0x2D0]  }
0x122: {  	v53 =	vld [tilespmem:$0x1D0]  }
0x123: {  	v54 =	vld [tilespmem:$0x250]  }
0x124: {  	v55 =	vld [tilespmem:$0x1E0]  }
0x125: {  	v56 =	vld [tilespmem:$0x1F0];
	v6 =	vmul.f32 v7, v6  }
0x126: {  	v7 =	vld [tilespmem:$0x260];
	v9 =	vmul.f32 v42, v41  }
0x127: {  	v57 =	vld [tilespmem:$0x270];
	v5 =	vadd.f32 v6, v5;
	v6 =	vmul.f32 v45, v44  }
0x128: {  	v59 =	vld [tilespmem:$0x2E0];
	v58 =	vmul.f32 v48, v47;
	v8 =	vadd.f32 v9, v40  }
0x129: {  	v60 =	vld [tilespmem:$0x2F0];
	[tilespmem:$0x280] =	vst v5;
	v5 =	vadd.f32 v6, v43;
	v6 =	vmul.f32 v51, v50  }
0x12a: {  	v62 =	vmul.f32 v54, v53;
	v61 =	vadd.f32 v58, v46;
	[tilespmem:$0x290] =	vst v8  }
0x12b: {  	[tilespmem:$0x2A0] =	vst v5;
	v5 =	vadd.f32 v6, v49;
	v6 =	vmul.f32 v7, v55  }
0x12c: {  	v63 =	vmul.f32 v57, v56;
	[tilespmem:$0x2B0] =	vst v61;
	v7 =	vadd.f32 v62, v52  }
0x12d: {  	[tilespmem:$0x2C0] =	vst v5;
	v5 =	vadd.f32 v6, v59  }
0x12e: {  	[tilespmem:$0x2D0] =	vst v7;
	v6 =	vadd.f32 v63, v60  }
0x12f: {  	[tilespmem:$0x2E0] =	vst v5  }
0x130: {  	[tilespmem:$0x2F0] =	vst v6  }
0x131: {  	[spmem:s8] =	stream.linear.scatter [tilespmem:s17], [sflag:$0x2], $0x80, $0x38;
	[tilespmem:$0xC00] =	vst v63  }
.Ltmp2:
0x132: {  	_ =	swait.ge [sflag:s11], $0x80;
	(pc) =	sbr.rel @p0 .LBB2_3-.Ltmp2, $3  }
0x133: {  	[sflag:s11] =	ssyncset.done $0x0  }
0x134: {  	[sflag:s11] =	ssyncadd.s32 $0xFFFFFF80  }
0x135: {  	[bflag:$0x0] =	sbarrier.arrive $0xFFFF;
	_ =	sdelay $0x1  }
0x136: {  	[tilespmem:s18], [sflag:$0x2] =	stream.linear.gather [spmem:s3], $0x800, $0x38;
	[tilespmem:$0xC00] =	vst v63  }
0x137: {  	_ =	swait.ge [sflag:s11], $0x800  }
0x138: {  	[sflag:s11] =	ssyncset.done $0x0  }
0x139: {  	[sflag:s11] =	ssyncadd.s32 $0xFFFFF800  }
0x13a: {  	v5 =	vld [tilespmem:$0x300]  }
0x13b: {  	v6 =	vld [tilespmem:$0x380]  }
0x13c: {  	v7 =	vld [tilespmem:$0x400]  }
0x13d: {  	v8 =	vld [tilespmem:$0x480]  }
0x13e: {  	v14 =	vld [tilespmem:$0x500]  }
0x13f: {  	v15 =	vld [tilespmem:$0x580]  }
0x140: {  	v16 =	vld [tilespmem:$0x600]  }
0x141: {  	v19 =	vld [tilespmem:$0x680]  }
0x142: {  	v22 =	vld [tilespmem:$0x700]  }
0x143: {  	v34 =	vld [tilespmem:$0x780]  }
0x144: {  	v4 =	vld [tilespmem:$0x800]  }
0x145: {  	v10 =	vld [tilespmem:$0x310]  }
0x146: {  	v12 =	vld [tilespmem:$0x390]  }
0x147: {  	v24 =	vld [tilespmem:$0x410]  }
0x148: {  	v25 =	vld [tilespmem:$0x490]  }
0x149: {  	v26 =	vld [tilespmem:$0x510]  }
0x14a: {  	v27 =	vld [tilespmem:$0x590]  }
0x14b: {  	v28 =	vld [tilespmem:$0x610]  }
0x14c: {  	v29 =	vld [tilespmem:$0x690]  }
0x14d: {  	v30 =	vld [tilespmem:$0x710]  }
0x14e: {  	v31 =	vld [tilespmem:$0x790]  }
0x14f: {  	v32 =	vld [tilespmem:$0x810]  }
0x150: {  	v33 =	vld [tilespmem:$0x890]  }
0x151: {  	v36 =	vld [tilespmem:$0x910]  }
0x152: {  	v13 =	vld [tilespmem:$0x320]  }
0x153: {  	v38 =	vld [tilespmem:$0x3A0]  }
0x154: {  	v39 =	vld [tilespmem:$0x420]  }
0x155: {  	v40 =	vld [tilespmem:$0x4A0]  }
0x156: {  	v41 =	vld [tilespmem:$0x520]  }
0x157: {  	v42 =	vld [tilespmem:$0x5A0]  }
0x158: {  	v43 =	vld [tilespmem:$0x620]  }
0x159: {  	v44 =	vld [tilespmem:$0x6A0]  }
0x15a: {  	v45 =	vld [tilespmem:$0x720]  }
0x15b: {  	v46 =	vld [tilespmem:$0x7A0]  }
0x15c: {  	v47 =	vld [tilespmem:$0x820]  }
0x15d: {  	v48 =	vld [tilespmem:$0x8A0]  }
0x15e: {  	v49 =	vld [tilespmem:$0x920]  }
0x15f: {  	v50 =	vld [tilespmem:$0x9A0]  }
0x160: {  	v51 =	vld [tilespmem:$0xA20]  }
0x161: {  	v53 =	vld [tilespmem:$0x330]  }
0x162: {  	v54 =	vld [tilespmem:$0x3B0]  }
0x163: {  	v55 =	vld [tilespmem:$0x430]  }
0x164: {  	v56 =	vld [tilespmem:$0x4B0]  }
0x165: {  	v57 =	vld [tilespmem:$0x530]  }
0x166: {  	v58 =	vld [tilespmem:$0x5B0]  }
0x167: {  	v59 =	vld [tilespmem:$0x630]  }
0x168: {  	v60 =	vld [tilespmem:$0x6B0]  }
0x169: {  	v61 =	vld [tilespmem:$0x730]  }
0x16a: {  	v62 =	vld [tilespmem:$0x7B0]  }
0x16b: {  	v63 =	vld [tilespmem:$0x830]  }
0x16c: {  	v9 =	vld [tilespmem:$0x930]  }
0x16d: {  	v11 =	vld [tilespmem:$0x9B0]  }
0x16e: {  	v37 =	vld [tilespmem:$0xA30]  }
0x16f: {  	v20 =	vld [tilespmem:$0xAB0]  }
0x170: {  	v18 =	vld [tilespmem:$0x340]  }
0x171: {  	v17 =	vld [tilespmem:$0x3C0]  }
0x172: {  	v52 =	vld [tilespmem:$0x5C0]  }
0x173: {  	v21 =	vld [tilespmem:$0x440]  }
0x174: {  	[tilespmem:$0x1FF40] =	vst v4;
	v4 =	vld [tilespmem:$0x880]  }
0x175: {  	v23 =	vld [tilespmem:$0x4C0]  }
0x176: {  	v35 =	vld [tilespmem:$0x540]  }
0x177: {  	[tilespmem:$0x1FFE0] =	vst v52;
	v52 =	vld [tilespmem:$0x640]  }
0x178: {  	v5 =	vadd.f32 v6, v5;
	v6 =	vld [tilespmem:$0x6C0]  }
0x179: {  	[tilespmem:$0x1FF50] =	vst v4;
	v4 =	vld [tilespmem:$0x900]  }
0x17a: {  	v10 =	vadd.f32 v12, v10;
	v12 =	vld [tilespmem:$0x740]  }
0x17b: {  	v5 =	vadd.f32 v7, v5;
	v7 =	vadd.f32 v38, v13;
	v13 =	vld [tilespmem:$0x7C0]  }
0x17c: {  	v38 =	vadd.f32 v24, v10;
	v24 =	vld [tilespmem:$0x840]  }
0x17d: {  	v10 =	vld [tilespmem:$0x8C0]  }
0x17e: {  	v17 =	vadd.f32 v17, v18;
	[tilespmem:$0x1FF60] =	vst v4;
	v4 =	vld [tilespmem:$0x980]  }
0x17f: {  	v5 =	vadd.f32 v8, v5;
	v7 =	vadd.f32 v39, v7;
	v8 =	vld [tilespmem:$0x940]  }
0x180: {  	v25 =	vadd.f32 v25, v38;
	v38 =	vld [tilespmem:$0x3D0]  }
0x181: {  	v17 =	vadd.f32 v21, v17;
	v39 =	vadd.f32 v40, v7;
	v7 =	vld [tilespmem:$0x9C0]  }
0x182: {  	v53 =	vadd.f32 v54, v53;
	v5 =	vadd.f32 v14, v5;
	v14 =	vld [tilespmem:$0xA40]  }
0x183: {  	v17 =	vadd.f32 v23, v17;
	[tilespmem:$0x1FF70] =	vst v4;
	v4 =	vld [tilespmem:$0xA00]  }
0x184: {  	[tilespmem:$0x1FFF0] =	vst v52;
	v52 =	vadd.f32 v55, v53;
	v40 =	vld [tilespmem:$0x8D0]  }
0x185: {  	v17 =	vadd.f32 v35, v17;
	v35 =	vld [tilespmem:$0x1FFE0]  }
0x186: {  	v53 =	vadd.f32 v56, v52;
	v56 =	vld [tilespmem:$0x1FF40]  }
0x187: {  	v25 =	vadd.f32 v26, v25;
	v15 =	vadd.f32 v15, v5;
	v5 =	vld [tilespmem:$0xAC0]  }
0x188: {  	[tilespmem:$0x1FF90] =	vst v4;
	v4 =	vld [tilespmem:$0xA80]  }
0x189: {  	v25 =	vadd.f32 v27, v25;
	v27 =	vld [tilespmem:$0x350]  }
0x18a: {  	v54 =	vadd.f32 v41, v39;
	v39 =	vld [tilespmem:$0x7D0]  }
0x18b: {  	v41 =	vld [tilespmem:$0x9D0]  }
0x18c: {  	v26 =	vadd.f32 v57, v53;
	v57 =	vld [tilespmem:$0x1FF50]  }
0x18d: {  	[tilespmem:$0x1FFB0] =	vst v4;
	v4 =	vld [tilespmem:$0x990]  }
0x18e: {  	v53 =	vld [tilespmem:$0x460]  }
0x18f: {  	v25 =	vadd.f32 v28, v25;
	v28 =	vld [tilespmem:$0x450]  }
0x190: {  	v55 =	vadd.f32 v42, v54;
	v42 =	vld [tilespmem:$0x1FFF0]  }
0x191: {  	v15 =	vadd.f32 v16, v15;
	v26 =	vadd.f32 v58, v26;
	v58 =	vld [tilespmem:$0x1FF60]  }
0x192: {  	[tilespmem:$0x1FF80] =	vst v4;
	v4 =	vld [tilespmem:$0xA10]  }
0x193: {  	v15 =	vadd.f32 v19, v15;
	v19 =	vld [tilespmem:$0x4D0]  }
0x194: {  	v25 =	vadd.f32 v29, v25;
	v29 =	vld [tilespmem:$0x550]  }
0x195: {  	v16 =	vadd.f32 v43, v55;
	v55 =	vld [tilespmem:$0x470]  }
0x196: {  	v43 =	vld [tilespmem:$0x6F0]  }
0x197: {  	[tilespmem:$0x1FFA0] =	vst v4;
	v4 =	vld [tilespmem:$0xA90]  }
0x198: {  	v15 =	vadd.f32 v22, v15;
	v22 =	vld [tilespmem:$0x5D0]  }
0x199: {  	v25 =	vadd.f32 v30, v25;
	v30 =	vld [tilespmem:$0x650]  }
0x19a: {  	v16 =	vadd.f32 v44, v16;
	v44 =	vld [tilespmem:$0x760]  }
0x19b: {  	v15 =	vadd.f32 v34, v15;
	v34 =	vld [tilespmem:$0x6D0]  }
0x19c: {  	v26 =	vadd.f32 v59, v26;
	v16 =	vadd.f32 v45, v16;
	[tilespmem:$0x1FFC0] =	vst v4;
	v4 =	vld [tilespmem:$0xAA0]  }
0x19d: {  	v25 =	vadd.f32 v31, v25;
	v31 =	vld [tilespmem:$0x750]  }
0x19e: {  	v26 =	vadd.f32 v60, v26;
	v59 =	vld [tilespmem:$0x1FF70];
	v16 =	vadd.f32 v46, v16  }
0x19f: {  	v17 =	vadd.f32 v35, v17;
	v45 =	vld [tilespmem:$0x770]  }
0x1a0: {  	v26 =	vadd.f32 v61, v26;
	v61 =	vld [tilespmem:$0x360];
	v16 =	vadd.f32 v47, v16  }
0x1a1: {  	v17 =	vadd.f32 v42, v17;
	v25 =	vadd.f32 v32, v25;
	[tilespmem:$0x1FFD0] =	vst v4;
	v4 =	vld [tilespmem:$0x8B0]  }
0x1a2: {  	v32 =	vld [tilespmem:$0x850];
	v26 =	vadd.f32 v62, v26;
	v16 =	vadd.f32 v48, v16  }
0x1a3: {  	v15 =	vadd.f32 v56, v15;
	v56 =	vadd.f32 v38, v27;
	v38 =	vld [tilespmem:$0x6E0]  }
0x1a4: {  	v46 =	vld [tilespmem:$0x7E0];
	v26 =	vadd.f32 v63, v26;
	v16 =	vadd.f32 v49, v16  }
0x1a5: {  	v6 =	vadd.f32 v6, v17;
	v25 =	vadd.f32 v33, v25;
	v33 =	vld [tilespmem:$0x950]  }
0x1a6: {  	v63 =	vld [tilespmem:$0x3E0];
	v16 =	vadd.f32 v50, v16;
	v4 =	vadd.f32 v4, v26  }
0x1a7: {  	v6 =	vadd.f32 v12, v6;
	v15 =	vadd.f32 v57, v15;
	v49 =	vld [tilespmem:$0x370]  }
0x1a8: {  	v16 =	vadd.f32 v51, v16;
	v51 =	vld [tilespmem:$0x3F0];
	v4 =	vadd.f32 v9, v4  }
0x1a9: {  	v57 =	vld [tilespmem:$0x4E0];
	v6 =	vadd.f32 v13, v6  }
0x1aa: {  	v15 =	vadd.f32 v58, v15;
	v60 =	vld [tilespmem:$0x1FF80];
	v4 =	vadd.f32 v11, v4  }
0x1ab: {  	v62 =	vld [tilespmem:$0x1FF90];
	v25 =	vadd.f32 v36, v25;
	v6 =	vadd.f32 v24, v6  }
0x1ac: {  	v58 =	vld [tilespmem:$0x4F0];
	v15 =	vadd.f32 v59, v15;
	v4 =	vadd.f32 v37, v4  }
0x1ad: {  	v59 =	vld [tilespmem:$0x560];
	v9 =	vadd.f32 v63, v61;
	v11 =	vadd.f32 v51, v49  }
0x1ae: {  	v50 =	vld [tilespmem:$0x1FFB0];
	v4 =	vadd.f32 v20, v4;
	v20 =	vadd.f32 v28, v56  }
0x1af: {  	v25 =	vadd.f32 v60, v25;
	v60 =	vld [tilespmem:$0x570];
	v9 =	vadd.f32 v53, v9  }
0x1b0: {  	v61 =	vld [tilespmem:$0x5E0];
	v11 =	vadd.f32 v55, v11;
	v19 =	vadd.f32 v19, v20  }
0x1b1: {  	v15 =	vadd.f32 v62, v15;
	v62 =	vld [tilespmem:$0x5F0];
	v9 =	vadd.f32 v57, v9  }
0x1b2: {  	v63 =	vld [tilespmem:$0x660];
	v11 =	vadd.f32 v58, v11;
	v19 =	vadd.f32 v29, v19  }
0x1b3: {  	v6 =	vadd.f32 v10, v6;
	v37 =	vld [tilespmem:$0x670];
	v9 =	vadd.f32 v59, v9  }
0x1b4: {  	v48 =	vld [tilespmem:$0x1FFA0];
	v11 =	vadd.f32 v60, v11;
	v19 =	vadd.f32 v22, v19  }
0x1b5: {  	v47 =	vld [tilespmem:$0x7F0];
	v6 =	vadd.f32 v8, v6;
	v9 =	vadd.f32 v61, v9  }
0x1b6: {  	v52 =	vld [tilespmem:$0x1FFC0];
	v11 =	vadd.f32 v62, v11;
	v19 =	vadd.f32 v30, v19  }
0x1b7: {  	v36 =	vld [tilespmem:$0xAD0];
	v15 =	vadd.f32 v50, v15;
	v9 =	vadd.f32 v63, v9  }
0x1b8: {  	v50 =	vld [tilespmem:$0x8E0];
	v11 =	vadd.f32 v37, v11;
	v19 =	vadd.f32 v34, v19  }
0x1b9: {  	v25 =	vadd.f32 v48, v25;
	v48 =	vld [tilespmem:$0x860];
	v9 =	vadd.f32 v38, v9  }
0x1ba: {  	v54 =	vld [tilespmem:$0x1FFD0];
	v11 =	vadd.f32 v43, v11;
	v19 =	vadd.f32 v31, v19  }
0x1bb: {  	v25 =	vadd.f32 v52, v25;
	v49 =	vld [tilespmem:$0x870];
	v9 =	vadd.f32 v44, v9  }
0x1bc: {  	v52 =	vld [tilespmem:$0x960];
	v11 =	vadd.f32 v45, v11;
	v19 =	vadd.f32 v39, v19  }
0x1bd: {  	v6 =	vadd.f32 v7, v6;
	v51 =	vld [tilespmem:$0x8F0];
	v9 =	vadd.f32 v46, v9  }
0x1be: {  	v26 =	vld [tilespmem:$0xA50];
	v11 =	vadd.f32 v47, v11;
	v19 =	vadd.f32 v32, v19  }
0x1bf: {  	v16 =	vadd.f32 v54, v16;
	v53 =	vld [tilespmem:$0x970];
	v9 =	vadd.f32 v48, v9  }
0x1c0: {  	v55 =	vld [tilespmem:$0x9E0];
	v11 =	vadd.f32 v49, v11;
	v54 =	vadd.f32 v40, v19  }
0x1c1: {  	v6 =	vadd.f32 v14, v6;
	v57 =	vld [tilespmem:$0x9F0];
	v56 =	vadd.f32 v50, v9  }
0x1c2: {  	v59 =	vld [tilespmem:$0xA60];
	v11 =	vadd.f32 v51, v11;
	v58 =	vadd.f32 v33, v54  }
0x1c3: {  	v5 =	vadd.f32 v5, v6;
	v60 =	vld [tilespmem:$0xA70];
	v7 =	vadd.f32 v52, v56  }
0x1c4: {  	v62 =	vld [tilespmem:$0xAE0];
	v10 =	vadd.f32 v53, v11;
	v61 =	vadd.f32 v41, v58  }
0x1c5: {  	[tilespmem:$0x280] =	vst v15;
	v63 =	vld [tilespmem:$0xAF0];
	v7 =	vadd.f32 v55, v7  }
0x1c6: {  	[tilespmem:$0x2C0] =	vst v5;
	v9 =	vadd.f32 v57, v10;
	v12 =	vadd.f32 v26, v61  }
0x1c7: {  	[tilespmem:$0x290] =	vst v25;
	v6 =	vadd.f32 v59, v7  }
0x1c8: {  	[tilespmem:$0x2B0] =	vst v4;
	v7 =	vadd.f32 v60, v9;
	v4 =	vadd.f32 v36, v12  }
0x1c9: {  	[tilespmem:$0x2A0] =	vst v16;
	v5 =	vadd.f32 v62, v6  }
0x1ca: {  	[tilespmem:$0x2D0] =	vst v4;
	v4 =	vadd.f32 v63, v7  }
0x1cb: {  	[tilespmem:$0x2E0] =	vst v5  }
.Ltmp3:
0x1cc: {  	[tilespmem:$0x2F0] =	vst v4;
	(pc) =	sbr.rel .LBB2_3-.Ltmp3, $4  }
0x1cd: {  	[hbm4b:s9+s4] =	stream.linear.scatter [tilespmem:s17], [sflag:$0x2], $0x80, $0x38;
	[tilespmem:$0xC00] =	vst v63  }
0x1ce: {  	_ =	swait.ge [sflag:s11], $0x80  }
0x1cf: {  	[sflag:s11] =	ssyncset.done $0x0  }
0x1d0: {  	v4 =	vimm.f32 $0.0e+00;
	[sflag:s11] =	ssyncadd.s32 $0xFFFFFF80  }
.LBB2_4:
0x1d1: {  	_ =	sfence.sel $0x180000  }
0x1d2: {  	[bflag:$0x0] =	sbarrier.arrive $0xFFFF  }
0x1d3: {  	_ =	strace $0x90000047  }
0x1d4: {  	s0 =	sadd.s32 @!p0 $0x100000, s0;
	[bflag:$0x2] =	sbarrier.arrive $0xFFFF  }
0x1d5: {  	[sflag:s0] =	ssyncadd.tile.s32 @!p0 $0x1;
	_ =	shalt  }
.Lfunc_end2:
_tile_overlayer_lowered:
.L_overlay_start_2:
0x1d6: {  	(tag) =	ssettag $0x2  }
0x1d7: {  	s0 =	rddreg [dreg:$0x0];
	s2 =	stileid.u32  }
0x1d8: {  	s1 =	rddreg [dreg:$0x1];
	p0 =	sne.s32 s2, $0x0  }
0x1d9: {  	s3 =	rddreg [dreg:$0x2];
	[bflag:$0x3] =	sbarrier.arrive $0xFFFF;
	s2 =	simm.s32 @!p0 $0x1C02  }
0x1da: {  	[timem:s3], [sflag:s2] =	dma.local @!p0 [hbm:s0], s1  }
0x1db: {  	s0 =	simm.s32 @!p0 $0x2  }
0x1dc: {  	_ =	swait.ge @!p0 [sflag:s0], s1  }
0x1dd: {  	s1 =	ssub.s32 @!p0 $0x0, s1;
	[sflag:s0] =	ssyncset.done @!p0 $0x0  }
0x1de: {  	[sflag:s0] =	ssyncadd.s32 @!p0 s1  }
0x1df: {  	[bflag:$0x3] =	sbarrier.arrive $0xFFFF  }
0x1e0: {  	_ =	shalt  }

</sc_bundles>
